<compile_context>
chip_gen: v7x
topology: tpu7x:2x2x1
jax: 0.10.2.dev20260603
libtpu: 0.0.44.dev20260713+nightly
codegen_flags: <defaults>
</compile_context>

<pallas_src>
import functools

import jax
import jax.numpy as jnp
from jax import lax
from jax.experimental import pallas as pl
from jax.experimental.pallas import tpu as pltpu
from jax.experimental.pallas import tpu_sc as plsc

N_WORKERS = 32
CHUNK_ROWS = 16
LANE = 16

U_TILE = 512
L_CHUNK = 2048
LANES = 128
K_AUG = 80


def _entropy_body(pred_hbm, out_hbm, buf0, buf1, res, sem0, sem1):
    n_cols = pred_hbm.shape[1]
    rows_per_w = pred_hbm.shape[0] // N_WORKERS
    n_chunks = rows_per_w // CHUNK_ROWS
    n_full = n_cols // LANE
    wid = lax.axis_index("s") * 2 + lax.axis_index("c")
    base = wid * rows_per_w
    tail_mask = lax.iota(jnp.int32, LANE) >= (n_full + 1) * LANE - n_cols

    def start(k, buf, sem):
        pltpu.async_copy(
            pred_hbm.at[pl.ds(base + k * CHUNK_ROWS, CHUNK_ROWS), :], buf, sem)

    def wait(buf, sem):
        pltpu.make_async_copy(
            pred_hbm.at[pl.ds(0, CHUNK_ROWS), :], buf, sem).wait()

    lane_ids = lax.iota(jnp.int32, LANE)

    def do_chunk(k, buf):
        def row_body(r, sums):
            accs = [jnp.zeros((LANE,), jnp.float32) for _ in range(4)]
            for j in range(n_full):
                v = buf[r, pl.ds(j * LANE, LANE)]
                accs[j & 3] = accs[j & 3] + jnp.exp(v) * v
            vt = buf[r, pl.ds(n_cols - LANE, LANE)]
            et = jnp.where(tail_mask, jnp.exp(vt) * vt,
                           jnp.zeros((LANE,), jnp.float32))
            acc = (accs[0] + accs[1]) + (accs[2] + accs[3]) + et
            for sh in (8, 4, 2, 1):
                idx = jnp.bitwise_xor(lane_ids, sh)
                acc = acc + acc.at[idx].get(mode="promise_in_bounds")
            return jnp.where(lane_ids == r, -acc, sums)

        sums = lax.fori_loop(0, CHUNK_ROWS, row_body,
                             jnp.zeros((LANE,), jnp.float32))
        res[pl.ds(k * CHUNK_ROWS, LANE)] = sums

    start(0, buf0, sem0)

    def pair_body(m, carry):
        k0 = 2 * m
        start(k0 + 1, buf1, sem1)
        wait(buf0, sem0)
        do_chunk(k0, buf0)

        @pl.when(k0 + 2 < n_chunks)
        def _():
            start(k0 + 2, buf0, sem0)

        wait(buf1, sem1)
        do_chunk(k0 + 1, buf1)
        return carry

    lax.fori_loop(0, n_chunks // 2, pair_body, 0)
    pltpu.sync_copy(res, out_hbm.at[pl.ds(base, rows_per_w)])


def _sc_entropy(pred):
    rows_per_w = pred.shape[0] // N_WORKERS
    mesh = plsc.VectorSubcoreMesh(core_axis_name="c", subcore_axis_name="s")
    return pl.kernel(
        _entropy_body,
        mesh=mesh,
        out_type=jax.ShapeDtypeStruct((pred.shape[0],), jnp.float32),
        scratch_types=[
            pltpu.VMEM((CHUNK_ROWS, pred.shape[1]), jnp.float32),
            pltpu.VMEM((CHUNK_ROWS, pred.shape[1]), jnp.float32),
            pltpu.VMEM((rows_per_w,), jnp.float32),
            pltpu.SemaphoreType.DMA,
            pltpu.SemaphoreType.DMA,
        ],
    )(pred)


def _dist_kernel(u_ref, l_ref, d2min_ref, laug_ref):
    i = pl.program_id(0)
    n_l = l_ref.shape[0]
    n_feat = l_ref.shape[1]

    @pl.when(i == 0)
    def _build_laug():
        lz = l_ref[...]
        lh = -0.5 * jnp.sum(lz * lz, axis=1, keepdims=True)
        lh_hi = lh.astype(jnp.bfloat16)
        lh_lo = (lh - lh_hi.astype(jnp.float32)).astype(jnp.bfloat16)
        pad = jnp.zeros((n_l, K_AUG - n_feat - 2), jnp.bfloat16)
        laug_ref[...] = jnp.concatenate(
            [lz.astype(jnp.bfloat16), lh_hi, lh_lo, pad], axis=1)

    uq = u_ref[...]
    u_sq = jnp.sum(uq * uq, axis=1)
    uq_aug = jnp.concatenate(
        [uq.astype(jnp.bfloat16),
         jnp.ones((U_TILE, 2), jnp.bfloat16),
         jnp.zeros((U_TILE, K_AUG - n_feat - 2), jnp.bfloat16)], axis=1)

    carry = jnp.full((U_TILE, LANES), -jnp.inf, dtype=jnp.float32)
    for k in range(n_l // L_CHUNK):
        lc = laug_ref[pl.ds(k * L_CHUNK, L_CHUNK), :]
        t = jax.lax.dot_general(
            uq_aug, lc, (((1,), (1,)), ((), ())),
            preferred_element_type=jnp.float32)
        ms = [jnp.maximum(t[:, (2 * a) * LANES:(2 * a + 1) * LANES],
                          t[:, (2 * a + 1) * LANES:(2 * a + 2) * LANES])
              for a in range(L_CHUNK // (2 * LANES))]
        while len(ms) > 1:
            ms = [jnp.maximum(ms[b], ms[b + 1]) for b in range(0, len(ms), 2)]
        carry = jnp.maximum(carry, ms[0])
    d2min_ref[...] = u_sq - 2.0 * jnp.max(carry, axis=1)


def _finalize_kernel(uraw_ref, d2min_ref, lam_ref, out_ref):
    u = uraw_ref[...]
    u = u - jnp.min(u)
    u = u / (jnp.max(u) + 1e-18)
    d = jnp.sqrt(jnp.maximum(d2min_ref[...], 0.0))
    d = d - jnp.min(d)
    d = d / (jnp.max(d) + 1e-18)
    out_ref[...] = lam_ref[0] * u + d


@functools.partial(jax.jit, static_argnames=("interpret",))
def kernel(pred, U_z, L_z, lambda_, interpret=False):
    n_u = U_z.shape[0]
    n_l = L_z.shape[0]

    uraw = _sc_entropy(pred)

    d2min = pl.pallas_call(
        _dist_kernel,
        grid=(n_u // U_TILE,),
        in_specs=[
            pl.BlockSpec((U_TILE, U_z.shape[1]), lambda i: (i, 0)),
            pl.BlockSpec((n_l, L_z.shape[1]), lambda i: (0, 0)),
        ],
        out_specs=pl.BlockSpec((U_TILE,), lambda i: (i,)),
        out_shape=jax.ShapeDtypeStruct((n_u,), jnp.float32),
        scratch_shapes=[pltpu.VMEM((n_l, K_AUG), jnp.bfloat16)],
        interpret=interpret,
    )(U_z, L_z)

    lam = jnp.asarray(lambda_, jnp.float32).reshape((1,))
    out = pl.pallas_call(
        _finalize_kernel,
        in_specs=[
            pl.BlockSpec((n_u,), lambda: (0,)),
            pl.BlockSpec((n_u,), lambda: (0,)),
            pl.BlockSpec(memory_space=pltpu.SMEM),
        ],
        out_shape=jax.ShapeDtypeStruct((n_u,), jnp.float32),
        interpret=interpret,
    )(uraw, d2min, lam)
    return out

# --- scband reference (transcript-rebuilt; emitter-appended) ---
"""Pipeline reference for scband-diversity-uncertainty-53833120088166 (READ-ONLY COPY).

The authoritative reference and input builder live on the scoring server;
editing this copy changes nothing except your own understanding.
"""

import jax, jax.numpy as jnp
import numpy as np


def setup_inputs(seed: int = 0) -> dict:
    key = jax.random.key(seed)
    k1, k2, k3 = jax.random.split(key, 3)
    pred = jax.random.normal(k1, (4096, 1000), dtype=jnp.float32)
    U_z = jax.random.normal(k2, (4096, 64), dtype=jnp.float32)
    L_z = jax.random.normal(k3, (8192, 64), dtype=jnp.float32)
    return {"pred": pred, "U_z": U_z, "L_z": L_z, "lambda_": 1}


def reference(pred, U_z, L_z, lambda_=1):
    # Entropy(pred): b = -sum(exp(x)*x, dim=-1)
    u = -1.0 * (jnp.exp(pred) * pred).sum(axis=-1)
    # normalize uncertainty: u -= min(u); u /= max(u) + eps
    u = u - jnp.min(u)
    u = u / (jnp.max(u) + 1e-18)
    # Diversity: min_{z' in L_z} ||z - z'||_2 for each z in U_z
    # vectorized via ||u-l||^2 = |u|^2 + |l|^2 - 2 u.l (same math as per-row torch.norm)
    u_sq = (U_z * U_z).sum(axis=-1)[:, None]
    l_sq = (L_z * L_z).sum(axis=-1)[None, :]
    d2 = u_sq + l_sq - 2.0 * (U_z @ L_z.T)
    d2 = jnp.maximum(d2, 0.0)
    dists = jnp.sqrt(d2).min(axis=1)
    # normalize=True branch of Diversity
    dists = dists - jnp.min(dists)
    dists = dists / (jnp.max(dists) + 1e-18)
    return lambda_ * u + dists

if __name__ == "__main__":
    import jax
    _d = setup_inputs()
    print(jax.jit(kernel)(*tuple(_d.values())))

</pallas_src>

<mosaic_0001>
#map = affine_map<(d0, d1) -> (0, 0)>
#map1 = affine_map<(d0, d1) -> (0)>
module attributes {stable_mosaic.version = 14 : i64} {
  func.func @_entropy_body(%arg0: i32, %arg1: i32, %arg2: memref<4096x1000xf32, #tpu.memory_space<hbm>>, %arg3: memref<4096xf32, #tpu.memory_space<hbm>>, %arg4: memref<16x1000xf32, #tpu.memory_space<vmem>>, %arg5: memref<16x1000xf32, #tpu.memory_space<vmem>>, %arg6: memref<128xf32, #tpu.memory_space<vmem>>, %arg7: memref<!tpu.dma_semaphore, #tpu.memory_space<semaphore_mem>>, %arg8: memref<!tpu.dma_semaphore, #tpu.memory_space<semaphore_mem>>) attributes {dimension_semantics = [#tpu.dimension_semantics<core_parallel>, #tpu.dimension_semantics<subcore_parallel>], iteration_bounds = array<i64: 2, 16>, scalar_prefetch = 0 : i64, scratch_operands = 5 : i64, tpu.core_type = #tpu.core_type<sc_vector_subcore>, window_params = [{transform_indices = #map}, {transform_indices = #map1}]} {
    %mul3A = arith.constant 2 : i32
    %mul3A_0 = arith.muli %arg1, %mul3A : i32
    %add3A = arith.addi %mul3A_0, %arg0 : i32
    %mul3A_1 = arith.constant 128 : i32
    %mul3A_2 = arith.muli %add3A, %mul3A_1 : i32
    %iota3A = tpu.iota {dimensions = array<i32: 0>} : vector<16xi32>
    %ge3A = arith.constant 8 : i32
    %ge3A_3 = vector.broadcast %ge3A : i32 to vector<16xi32>
    %ge3A_4 = arith.cmpi sge, %iota3A, %ge3A_3 : vector<16xi32>
    %iota3A_5 = tpu.iota {dimensions = array<i32: 0>} : vector<16xi32>
    %add3A_6 = arith.constant 0 : i32
    %add3A_7 = arith.addi %mul3A_2, %add3A_6 : i32
    %dma_start3A = arith.constant 0 : i32
    %dma_start3A_8 = tpu.memref_slice %arg2[%add3A_7, %dma_start3A] : memref<4096x1000xf32, #tpu.memory_space<hbm>> -> memref<16x1000xf32, #tpu.memory_space<hbm>>
    %dma_start3A_9 = arith.constant 0 : i32
    %dma_start3A_10 = tpu.memref_slice %arg2[%add3A_7, %dma_start3A_9] : memref<4096x1000xf32, #tpu.memory_space<hbm>> -> memref<16x1000xf32, #tpu.memory_space<hbm>>
    tpu.enqueue_dma source(%dma_start3A_10 : memref<16x1000xf32, #tpu.memory_space<hbm>>) target(%arg4 : memref<16x1000xf32, #tpu.memory_space<vmem>>) target_semaphore(%arg7 : memref<!tpu.dma_semaphore, #tpu.memory_space<semaphore_mem>>)
    %scan3A = arith.constant 0 : i32
    %scan3A_11 = arith.constant 0 : i32
    %scan3A_12 = arith.constant 4 : i32
    %scan3A_13 = arith.addi %scan3A_11, %scan3A_12 : i32
    %scan3A_14 = arith.constant 1 : i32
    scf.for %scan3A_16 = %scan3A_11 to %scan3A_13 step %scan3A_14  : i32 {
      %mul3A_17 = arith.constant 2 : i32
      %mul3A_18 = arith.muli %mul3A_17, %scan3A_16 : i32
      %add3A_19 = arith.constant 1 : i32
      %add3A_20 = arith.addi %mul3A_18, %add3A_19 : i32
      %mul3A_21 = arith.constant 16 : i32
      %mul3A_22 = arith.muli %add3A_20, %mul3A_21 : i32
      %add3A_23 = arith.addi %mul3A_2, %mul3A_22 : i32
      %dma_start3A_24 = arith.constant 0 : i32
      %dma_start3A_25 = tpu.memref_slice %arg2[%add3A_23, %dma_start3A_24] : memref<4096x1000xf32, #tpu.memory_space<hbm>> -> memref<16x1000xf32, #tpu.memory_space<hbm>>
      %dma_start3A_26 = arith.constant 0 : i32
      %dma_start3A_27 = tpu.memref_slice %arg2[%add3A_23, %dma_start3A_26] : memref<4096x1000xf32, #tpu.memory_space<hbm>> -> memref<16x1000xf32, #tpu.memory_space<hbm>>
      tpu.enqueue_dma source(%dma_start3A_27 : memref<16x1000xf32, #tpu.memory_space<hbm>>) target(%arg5 : memref<16x1000xf32, #tpu.memory_space<vmem>>) target_semaphore(%arg8 : memref<!tpu.dma_semaphore, #tpu.memory_space<semaphore_mem>>)
      %dma_wait3A = arith.constant 0 : i32
      %dma_wait3A_28 = arith.constant 0 : i32
      %dma_wait3A_29 = tpu.memref_slice %arg2[%dma_wait3A, %dma_wait3A_28] : memref<4096x1000xf32, #tpu.memory_space<hbm>> -> memref<16x1000xf32, #tpu.memory_space<hbm>>
      %dma_wait3A_30 = arith.constant 0 : i32
      %dma_wait3A_31 = arith.constant 0 : i32
      %dma_wait3A_32 = tpu.memref_slice %arg2[%dma_wait3A_30, %dma_wait3A_31] : memref<4096x1000xf32, #tpu.memory_space<hbm>> -> memref<16x1000xf32, #tpu.memory_space<hbm>>
      tpu.wait_dma2 semaphore(%arg7 : memref<!tpu.dma_semaphore, #tpu.memory_space<semaphore_mem>>) src(%dma_wait3A_32 : memref<16x1000xf32, #tpu.memory_space<hbm>>) dst(%arg4 : memref<16x1000xf32, #tpu.memory_space<vmem>>)
      %broadcast_in_dim3A = arith.constant 0.000000e+00 : f32
      %broadcast_in_dim3A_33 = vector.broadcast %broadcast_in_dim3A : f32 to vector<16xf32>
      %scan3A_34 = arith.constant 0 : i32
      %scan3A_35 = arith.constant 16 : i32
      %scan3A_36 = arith.addi %scan3A_34, %scan3A_35 : i32
      %scan3A_37 = arith.constant 1 : i32
      %scan3A_38 = scf.for %scan3A_71 = %scan3A_34 to %scan3A_36 step %scan3A_37 iter_args(%scan3A_72 = %broadcast_in_dim3A_33) -> (vector<16xf32>)  : i32 {
        %broadcast_in_dim3A_73 = arith.constant 0.000000e+00 : f32
        %broadcast_in_dim3A_74 = vector.broadcast %broadcast_in_dim3A_73 : f32 to vector<16xf32>
        %broadcast_in_dim3A_75 = arith.constant 0.000000e+00 : f32
        %broadcast_in_dim3A_76 = vector.broadcast %broadcast_in_dim3A_75 : f32 to vector<16xf32>
        %broadcast_in_dim3A_77 = arith.constant 0.000000e+00 : f32
        %broadcast_in_dim3A_78 = vector.broadcast %broadcast_in_dim3A_77 : f32 to vector<16xf32>
        %broadcast_in_dim3A_79 = arith.constant 0.000000e+00 : f32
        %broadcast_in_dim3A_80 = vector.broadcast %broadcast_in_dim3A_79 : f32 to vector<16xf32>
        %get3A = arith.index_cast %scan3A_71 : i32 to index
        %get3A_81 = arith.constant 0 : index
        %get3A_82 = tpu.vector_load %arg4[%get3A, %get3A_81] {strides = array<i32>} : memref<16x1000xf32, #tpu.memory_space<vmem>>, vector<1x16xf32>,
        %get3A_83 = vector.shape_cast %get3A_82 : vector<1x16xf32> to vector<16xf32>
        %exp3A = math.exp %get3A_83 : vector<16xf32>
        %mul3A_84 = arith.mulf %exp3A, %get3A_83 : vector<16xf32>
        %add3A_85 = arith.addf %broadcast_in_dim3A_74, %mul3A_84 : vector<16xf32>
        %get3A_86 = arith.index_cast %scan3A_71 : i32 to index
        %get3A_87 = arith.constant 16 : index
        %get3A_88 = tpu.vector_load %arg4[%get3A_86, %get3A_87] {strides = array<i32>} : memref<16x1000xf32, #tpu.memory_space<vmem>>, vector<1x16xf32>,
        %get3A_89 = vector.shape_cast %get3A_88 : vector<1x16xf32> to vector<16xf32>
        %exp3A_90 = math.exp %get3A_89 : vector<16xf32>
        %mul3A_91 = arith.mulf %exp3A_90, %get3A_89 : vector<16xf32>
        %add3A_92 = arith.addf %broadcast_in_dim3A_76, %mul3A_91 : vector<16xf32>
        %get3A_93 = arith.index_cast %scan3A_71 : i32 to index
        %get3A_94 = arith.constant 32 : index
        %get3A_95 = tpu.vector_load %arg4[%get3A_93, %get3A_94] {strides = array<i32>} : memref<16x1000xf32, #tpu.memory_space<vmem>>, vector<1x16xf32>,
        %get3A_96 = vector.shape_cast %get3A_95 : vector<1x16xf32> to vector<16xf32>
        %exp3A_97 = math.exp %get3A_96 : vector<16xf32>
        %mul3A_98 = arith.mulf %exp3A_97, %get3A_96 : vector<16xf32>
        %add3A_99 = arith.addf %broadcast_in_dim3A_78, %mul3A_98 : vector<16xf32>
        %get3A_100 = arith.index_cast %scan3A_71 : i32 to index
        %get3A_101 = arith.constant 48 : index
        %get3A_102 = tpu.vector_load %arg4[%get3A_100, %get3A_101] {strides = array<i32>} : memref<16x1000xf32, #tpu.memory_space<vmem>>, vector<1x16xf32>,
        %get3A_103 = vector.shape_cast %get3A_102 : vector<1x16xf32> to vector<16xf32>
        %exp3A_104 = math.exp %get3A_103 : vector<16xf32>
        %mul3A_105 = arith.mulf %exp3A_104, %get3A_103 : vector<16xf32>
        %add3A_106 = arith.addf %broadcast_in_dim3A_80, %mul3A_105 : vector<16xf32>
        %get3A_107 = arith.index_cast %scan3A_71 : i32 to index
        %get3A_108 = arith.constant 64 : index
        %get3A_109 = tpu.vector_load %arg4[%get3A_107, %get3A_108] {strides = array<i32>} : memref<16x1000xf32, #tpu.memory_space<vmem>>, vector<1x16xf32>,
        %get3A_110 = vector.shape_cast %get3A_109 : vector<1x16xf32> to vector<16xf32>
        %exp3A_111 = math.exp %get3A_110 : vector<16xf32>
        %mul3A_112 = arith.mulf %exp3A_111, %get3A_110 : vector<16xf32>
        %add3A_113 = arith.addf %add3A_85, %mul3A_112 : vector<16xf32>
        %get3A_114 = arith.index_cast %scan3A_71 : i32 to index
        %get3A_115 = arith.constant 80 : index
        %get3A_116 = tpu.vector_load %arg4[%get3A_114, %get3A_115] {strides = array<i32>} : memref<16x1000xf32, #tpu.memory_space<vmem>>, vector<1x16xf32>,
        %get3A_117 = vector.shape_cast %get3A_116 : vector<1x16xf32> to vector<16xf32>
        %exp3A_118 = math.exp %get3A_117 : vector<16xf32>
        %mul3A_119 = arith.mulf %exp3A_118, %get3A_117 : vector<16xf32>
        %add3A_120 = arith.addf %add3A_92, %mul3A_119 : vector<16xf32>
        %get3A_121 = arith.index_cast %scan3A_71 : i32 to index
        %get3A_122 = arith.constant 96 : index
        %get3A_123 = tpu.vector_load %arg4[%get3A_121, %get3A_122] {strides = array<i32>} : memref<16x1000xf32, #tpu.memory_space<vmem>>, vector<1x16xf32>,
        %get3A_124 = vector.shape_cast %get3A_123 : vector<1x16xf32> to vector<16xf32>
        %exp3A_125 = math.exp %get3A_124 : vector<16xf32>
        %mul3A_126 = arith.mulf %exp3A_125, %get3A_124 : vector<16xf32>
        %add3A_127 = arith.addf %add3A_99, %mul3A_126 : vector<16xf32>
        %get3A_128 = arith.index_cast %scan3A_71 : i32 to index
        %get3A_129 = arith.constant 112 : index
        %get3A_130 = tpu.vector_load %arg4[%get3A_128, %get3A_129] {strides = array<i32>} : memref<16x1000xf32, #tpu.memory_space<vmem>>, vector<1x16xf32>,
        %get3A_131 = vector.shape_cast %get3A_130 : vector<1x16xf32> to vector<16xf32>
        %exp3A_132 = math.exp %get3A_131 : vector<16xf32>
        %mul3A_133 = arith.mulf %exp3A_132, %get3A_131 : vector<16xf32>
        %add3A_134 = arith.addf %add3A_106, %mul3A_133 : vector<16xf32>
        %get3A_135 = arith.index_cast %scan3A_71 : i32 to index
        %get3A_136 = arith.constant 128 : index
        %get3A_137 = tpu.vector_load %arg4[%get3A_135, %get3A_136] {strides = array<i32>} : memref<16x1000xf32, #tpu.memory_space<vmem>>, vector<1x16xf32>,
        %get3A_138 = vector.shape_cast %get3A_137 : vector<1x16xf32> to vector<16xf32>
        %exp3A_139 = math.exp %get3A_138 : vector<16xf32>
        %mul3A_140 = arith.mulf %exp3A_139, %get3A_138 : vector<16xf32>
        %add3A_141 = arith.addf %add3A_113, %mul3A_140 : vector<16xf32>
        %get3A_142 = arith.index_cast %scan3A_71 : i32 to index
        %get3A_143 = arith.constant 144 : index
        %get3A_144 = tpu.vector_load %arg4[%get3A_142, %get3A_143] {strides = array<i32>} : memref<16x1000xf32, #tpu.memory_space<vmem>>, vector<1x16xf32>,
        %get3A_145 = vector.shape_cast %get3A_144 : vector<1x16xf32> to vector<16xf32>
        %exp3A_146 = math.exp %get3A_145 : vector<16xf32>
        %mul3A_147 = arith.mulf %exp3A_146, %get3A_145 : vector<16xf32>
        %add3A_148 = arith.addf %add3A_120, %mul3A_147 : vector<16xf32>
        %get3A_149 = arith.index_cast %scan3A_71 : i32 to index
        %get3A_150 = arith.constant 160 : index
        %get3A_151 = tpu.vector_load %arg4[%get3A_149, %get3A_150] {strides = array<i32>} : memref<16x1000xf32, #tpu.memory_space<vmem>>, vector<1x16xf32>,
        %get3A_152 = vector.shape_cast %get3A_151 : vector<1x16xf32> to vector<16xf32>
        %exp3A_153 = math.exp %get3A_152 : vector<16xf32>
        %mul3A_154 = arith.mulf %exp3A_153, %get3A_152 : vector<16xf32>
        %add3A_155 = arith.addf %add3A_127, %mul3A_154 : vector<16xf32>
        %get3A_156 = arith.index_cast %scan3A_71 : i32 to index
        %get3A_157 = arith.constant 176 : index
        %get3A_158 = tpu.vector_load %arg4[%get3A_156, %get3A_157] {strides = array<i32>} : memref<16x1000xf32, #tpu.memory_space<vmem>>, vector<1x16xf32>,
        %get3A_159 = vector.shape_cast %get3A_158 : vector<1x16xf32> to vector<16xf32>
        %exp3A_160 = math.exp %get3A_159 : vector<16xf32>
        %mul3A_161 = arith.mulf %exp3A_160, %get3A_159 : vector<16xf32>
        %add3A_162 = arith.addf %add3A_134, %mul3A_161 : vector<16xf32>
        %get3A_163 = arith.index_cast %scan3A_71 : i32 to index
        %get3A_164 = arith.constant 192 : index
        %get3A_165 = tpu.vector_load %arg4[%get3A_163, %get3A_164] {strides = array<i32>} : memref<16x1000xf32, #tpu.memory_space<vmem>>, vector<1x16xf32>,
        %get3A_166 = vector.shape_cast %get3A_165 : vector<1x16xf32> to vector<16xf32>
        %exp3A_167 = math.exp %get3A_166 : vector<16xf32>
        %mul3A_168 = arith.mulf %exp3A_167, %get3A_166 : vector<16xf32>
        %add3A_169 = arith.addf %add3A_141, %mul3A_168 : vector<16xf32>
        %get3A_170 = arith.index_cast %scan3A_71 : i32 to index
        %get3A_171 = arith.constant 208 : index
        %get3A_172 = tpu.vector_load %arg4[%get3A_170, %get3A_171] {strides = array<i32>} : memref<16x1000xf32, #tpu.memory_space<vmem>>, vector<1x16xf32>,
        %get3A_173 = vector.shape_cast %get3A_172 : vector<1x16xf32> to vector<16xf32>
        %exp3A_174 = math.exp %get3A_173 : vector<16xf32>
        %mul3A_175 = arith.mulf %exp3A_174, %get3A_173 : vector<16xf32>
        %add3A_176 = arith.addf %add3A_148, %mul3A_175 : vector<16xf32>
        %get3A_177 = arith.index_cast %scan3A_71 : i32 to index
        %get3A_178 = arith.constant 224 : index
        %get3A_179 = tpu.vector_load %arg4[%get3A_177, %get3A_178] {strides = array<i32>} : memref<16x1000xf32, #tpu.memory_space<vmem>>, vector<1x16xf32>,
        %get3A_180 = vector.shape_cast %get3A_179 : vector<1x16xf32> to vector<16xf32>
        %exp3A_181 = math.exp %get3A_180 : vector<16xf32>
        %mul3A_182 = arith.mulf %exp3A_181, %get3A_180 : vector<16xf32>
        %add3A_183 = arith.addf %add3A_155, %mul3A_182 : vector<16xf32>
        %get3A_184 = arith.index_cast %scan3A_71 : i32 to index
        %get3A_185 = arith.constant 240 : index
        %get3A_186 = tpu.vector_load %arg4[%get3A_184, %get3A_185] {strides = array<i32>} : memref<16x1000xf32, #tpu.memory_space<vmem>>, vector<1x16xf32>,
        %get3A_187 = vector.shape_cast %get3A_186 : vector<1x16xf32> to vector<16xf32>
        %exp3A_188 = math.exp %get3A_187 : vector<16xf32>
        %mul3A_189 = arith.mulf %exp3A_188, %get3A_187 : vector<16xf32>
        %add3A_190 = arith.addf %add3A_162, %mul3A_189 : vector<16xf32>
        %get3A_191 = arith.index_cast %scan3A_71 : i32 to index
        %get3A_192 = arith.constant 256 : index
        %get3A_193 = tpu.vector_load %arg4[%get3A_191, %get3A_192] {strides = array<i32>} : memref<16x1000xf32, #tpu.memory_space<vmem>>, vector<1x16xf32>,
        %get3A_194 = vector.shape_cast %get3A_193 : vector<1x16xf32> to vector<16xf32>
        %exp3A_195 = math.exp %get3A_194 : vector<16xf32>
        %mul3A_196 = arith.mulf %exp3A_195, %get3A_194 : vector<16xf32>
        %add3A_197 = arith.addf %add3A_169, %mul3A_196 : vector<16xf32>
        %get3A_198 = arith.index_cast %scan3A_71 : i32 to index
        %get3A_199 = arith.constant 272 : index
        %get3A_200 = tpu.vector_load %arg4[%get3A_198, %get3A_199] {strides = array<i32>} : memref<16x1000xf32, #tpu.memory_space<vmem>>, vector<1x16xf32>,
        %get3A_201 = vector.shape_cast %get3A_200 : vector<1x16xf32> to vector<16xf32>
        %exp3A_202 = math.exp %get3A_201 : vector<16xf32>
        %mul3A_203 = arith.mulf %exp3A_202, %get3A_201 : vector<16xf32>
        %add3A_204 = arith.addf %add3A_176, %mul3A_203 : vector<16xf32>
        %get3A_205 = arith.index_cast %scan3A_71 : i32 to index
        %get3A_206 = arith.constant 288 : index
        %get3A_207 = tpu.vector_load %arg4[%get3A_205, %get3A_206] {strides = array<i32>} : memref<16x1000xf32, #tpu.memory_space<vmem>>, vector<1x16xf32>,
        %get3A_208 = vector.shape_cast %get3A_207 : vector<1x16xf32> to vector<16xf32>
        %exp3A_209 = math.exp %get3A_208 : vector<16xf32>
        %mul3A_210 = arith.mulf %exp3A_209, %get3A_208 : vector<16xf32>
        %add3A_211 = arith.addf %add3A_183, %mul3A_210 : vector<16xf32>
        %get3A_212 = arith.index_cast %scan3A_71 : i32 to index
        %get3A_213 = arith.constant 304 : index
        %get3A_214 = tpu.vector_load %arg4[%get3A_212, %get3A_213] {strides = array<i32>} : memref<16x1000xf32, #tpu.memory_space<vmem>>, vector<1x16xf32>,
        %get3A_215 = vector.shape_cast %get3A_214 : vector<1x16xf32> to vector<16xf32>
        %exp3A_216 = math.exp %get3A_215 : vector<16xf32>
        %mul3A_217 = arith.mulf %exp3A_216, %get3A_215 : vector<16xf32>
        %add3A_218 = arith.addf %add3A_190, %mul3A_217 : vector<16xf32>
        %get3A_219 = arith.index_cast %scan3A_71 : i32 to index
        %get3A_220 = arith.constant 320 : index
        %get3A_221 = tpu.vector_load %arg4[%get3A_219, %get3A_220] {strides = array<i32>} : memref<16x1000xf32, #tpu.memory_space<vmem>>, vector<1x16xf32>,
        %get3A_222 = vector.shape_cast %get3A_221 : vector<1x16xf32> to vector<16xf32>
        %exp3A_223 = math.exp %get3A_222 : vector<16xf32>
        %mul3A_224 = arith.mulf %exp3A_223, %get3A_222 : vector<16xf32>
        %add3A_225 = arith.addf %add3A_197, %mul3A_224 : vector<16xf32>
        %get3A_226 = arith.index_cast %scan3A_71 : i32 to index
        %get3A_227 = arith.constant 336 : index
        %get3A_228 = tpu.vector_load %arg4[%get3A_226, %get3A_227] {strides = array<i32>} : memref<16x1000xf32, #tpu.memory_space<vmem>>, vector<1x16xf32>,
        %get3A_229 = vector.shape_cast %get3A_228 : vector<1x16xf32> to vector<16xf32>
        %exp3A_230 = math.exp %get3A_229 : vector<16xf32>
        %mul3A_231 = arith.mulf %exp3A_230, %get3A_229 : vector<16xf32>
        %add3A_232 = arith.addf %add3A_204, %mul3A_231 : vector<16xf32>
        %get3A_233 = arith.index_cast %scan3A_71 : i32 to index
        %get3A_234 = arith.constant 352 : index
        %get3A_235 = tpu.vector_load %arg4[%get3A_233, %get3A_234] {strides = array<i32>} : memref<16x1000xf32, #tpu.memory_space<vmem>>, vector<1x16xf32>,
        %get3A_236 = vector.shape_cast %get3A_235 : vector<1x16xf32> to vector<16xf32>
        %exp3A_237 = math.exp %get3A_236 : vector<16xf32>
        %mul3A_238 = arith.mulf %exp3A_237, %get3A_236 : vector<16xf32>
        %add3A_239 = arith.addf %add3A_211, %mul3A_238 : vector<16xf32>
        %get3A_240 = arith.index_cast %scan3A_71 : i32 to index
        %get3A_241 = arith.constant 368 : index
        %get3A_242 = tpu.vector_load %arg4[%get3A_240, %get3A_241] {strides = array<i32>} : memref<16x1000xf32, #tpu.memory_space<vmem>>, vector<1x16xf32>,
        %get3A_243 = vector.shape_cast %get3A_242 : vector<1x16xf32> to vector<16xf32>
        %exp3A_244 = math.exp %get3A_243 : vector<16xf32>
        %mul3A_245 = arith.mulf %exp3A_244, %get3A_243 : vector<16xf32>
        %add3A_246 = arith.addf %add3A_218, %mul3A_245 : vector<16xf32>
        %get3A_247 = arith.index_cast %scan3A_71 : i32 to index
        %get3A_248 = arith.constant 384 : index
        %get3A_249 = tpu.vector_load %arg4[%get3A_247, %get3A_248] {strides = array<i32>} : memref<16x1000xf32, #tpu.memory_space<vmem>>, vector<1x16xf32>,
        %get3A_250 = vector.shape_cast %get3A_249 : vector<1x16xf32> to vector<16xf32>
        %exp3A_251 = math.exp %get3A_250 : vector<16xf32>
        %mul3A_252 = arith.mulf %exp3A_251, %get3A_250 : vector<16xf32>
        %add3A_253 = arith.addf %add3A_225, %mul3A_252 : vector<16xf32>
        %get3A_254 = arith.index_cast %scan3A_71 : i32 to index
        %get3A_255 = arith.constant 400 : index
        %get3A_256 = tpu.vector_load %arg4[%get3A_254, %get3A_255] {strides = array<i32>} : memref<16x1000xf32, #tpu.memory_space<vmem>>, vector<1x16xf32>,
        %get3A_257 = vector.shape_cast %get3A_256 : vector<1x16xf32> to vector<16xf32>
        %exp3A_258 = math.exp %get3A_257 : vector<16xf32>
        %mul3A_259 = arith.mulf %exp3A_258, %get3A_257 : vector<16xf32>
        %add3A_260 = arith.addf %add3A_232, %mul3A_259 : vector<16xf32>
        %get3A_261 = arith.index_cast %scan3A_71 : i32 to index
        %get3A_262 = arith.constant 416 : index
        %get3A_263 = tpu.vector_load %arg4[%get3A_261, %get3A_262] {strides = array<i32>} : memref<16x1000xf32, #tpu.memory_space<vmem>>, vector<1x16xf32>,
        %get3A_264 = vector.shape_cast %get3A_263 : vector<1x16xf32> to vector<16xf32>
        %exp3A_265 = math.exp %get3A_264 : vector<16xf32>
        %mul3A_266 = arith.mulf %exp3A_265, %get3A_264 : vector<16xf32>
        %add3A_267 = arith.addf %add3A_239, %mul3A_266 : vector<16xf32>
        %get3A_268 = arith.index_cast %scan3A_71 : i32 to index
        %get3A_269 = arith.constant 432 : index
        %get3A_270 = tpu.vector_load %arg4[%get3A_268, %get3A_269] {strides = array<i32>} : memref<16x1000xf32, #tpu.memory_space<vmem>>, vector<1x16xf32>,
        %get3A_271 = vector.shape_cast %get3A_270 : vector<1x16xf32> to vector<16xf32>
        %exp3A_272 = math.exp %get3A_271 : vector<16xf32>
        %mul3A_273 = arith.mulf %exp3A_272, %get3A_271 : vector<16xf32>
        %add3A_274 = arith.addf %add3A_246, %mul3A_273 : vector<16xf32>
        %get3A_275 = arith.index_cast %scan3A_71 : i32 to index
        %get3A_276 = arith.constant 448 : index
        %get3A_277 = tpu.vector_load %arg4[%get3A_275, %get3A_276] {strides = array<i32>} : memref<16x1000xf32, #tpu.memory_space<vmem>>, vector<1x16xf32>,
        %get3A_278 = vector.shape_cast %get3A_277 : vector<1x16xf32> to vector<16xf32>
        %exp3A_279 = math.exp %get3A_278 : vector<16xf32>
        %mul3A_280 = arith.mulf %exp3A_279, %get3A_278 : vector<16xf32>
        %add3A_281 = arith.addf %add3A_253, %mul3A_280 : vector<16xf32>
        %get3A_282 = arith.index_cast %scan3A_71 : i32 to index
        %get3A_283 = arith.constant 464 : index
        %get3A_284 = tpu.vector_load %arg4[%get3A_282, %get3A_283] {strides = array<i32>} : memref<16x1000xf32, #tpu.memory_space<vmem>>, vector<1x16xf32>,
        %get3A_285 = vector.shape_cast %get3A_284 : vector<1x16xf32> to vector<16xf32>
        %exp3A_286 = math.exp %get3A_285 : vector<16xf32>
        %mul3A_287 = arith.mulf %exp3A_286, %get3A_285 : vector<16xf32>
        %add3A_288 = arith.addf %add3A_260, %mul3A_287 : vector<16xf32>
        %get3A_289 = arith.index_cast %scan3A_71 : i32 to index
        %get3A_290 = arith.constant 480 : index
        %get3A_291 = tpu.vector_load %arg4[%get3A_289, %get3A_290] {strides = array<i32>} : memref<16x1000xf32, #tpu.memory_space<vmem>>, vector<1x16xf32>,
        %get3A_292 = vector.shape_cast %get3A_291 : vector<1x16xf32> to vector<16xf32>
        %exp3A_293 = math.exp %get3A_292 : vector<16xf32>
        %mul3A_294 = arith.mulf %exp3A_293, %get3A_292 : vector<16xf32>
        %add3A_295 = arith.addf %add3A_267, %mul3A_294 : vector<16xf32>
        %get3A_296 = arith.index_cast %scan3A_71 : i32 to index
        %get3A_297 = arith.constant 496 : index
        %get3A_298 = tpu.vector_load %arg4[%get3A_296, %get3A_297] {strides = array<i32>} : memref<16x1000xf32, #tpu.memory_space<vmem>>, vector<1x16xf32>,
        %get3A_299 = vector.shape_cast %get3A_298 : vector<1x16xf32> to vector<16xf32>
        %exp3A_300 = math.exp %get3A_299 : vector<16xf32>
        %mul3A_301 = arith.mulf %exp3A_300, %get3A_299 : vector<16xf32>
        %add3A_302 = arith.addf %add3A_274, %mul3A_301 : vector<16xf32>
        %get3A_303 = arith.index_cast %scan3A_71 : i32 to index
        %get3A_304 = arith.constant 512 : index
        %get3A_305 = tpu.vector_load %arg4[%get3A_303, %get3A_304] {strides = array<i32>} : memref<16x1000xf32, #tpu.memory_space<vmem>>, vector<1x16xf32>,
        %get3A_306 = vector.shape_cast %get3A_305 : vector<1x16xf32> to vector<16xf32>
        %exp3A_307 = math.exp %get3A_306 : vector<16xf32>
        %mul3A_308 = arith.mulf %exp3A_307, %get3A_306 : vector<16xf32>
        %add3A_309 = arith.addf %add3A_281, %mul3A_308 : vector<16xf32>
        %get3A_310 = arith.index_cast %scan3A_71 : i32 to index
        %get3A_311 = arith.constant 528 : index
        %get3A_312 = tpu.vector_load %arg4[%get3A_310, %get3A_311] {strides = array<i32>} : memref<16x1000xf32, #tpu.memory_space<vmem>>, vector<1x16xf32>,
        %get3A_313 = vector.shape_cast %get3A_312 : vector<1x16xf32> to vector<16xf32>
        %exp3A_314 = math.exp %get3A_313 : vector<16xf32>
        %mul3A_315 = arith.mulf %exp3A_314, %get3A_313 : vector<16xf32>
        %add3A_316 = arith.addf %add3A_288, %mul3A_315 : vector<16xf32>
        %get3A_317 = arith.index_cast %scan3A_71 : i32 to index
        %get3A_318 = arith.constant 544 : index
        %get3A_319 = tpu.vector_load %arg4[%get3A_317, %get3A_318] {strides = array<i32>} : memref<16x1000xf32, #tpu.memory_space<vmem>>, vector<1x16xf32>,
        %get3A_320 = vector.shape_cast %get3A_319 : vector<1x16xf32> to vector<16xf32>
        %exp3A_321 = math.exp %get3A_320 : vector<16xf32>
        %mul3A_322 = arith.mulf %exp3A_321, %get3A_320 : vector<16xf32>
        %add3A_323 = arith.addf %add3A_295, %mul3A_322 : vector<16xf32>
        %get3A_324 = arith.index_cast %scan3A_71 : i32 to index
        %get3A_325 = arith.constant 560 : index
        %get3A_326 = tpu.vector_load %arg4[%get3A_324, %get3A_325] {strides = array<i32>} : memref<16x1000xf32, #tpu.memory_space<vmem>>, vector<1x16xf32>,
        %get3A_327 = vector.shape_cast %get3A_326 : vector<1x16xf32> to vector<16xf32>
        %exp3A_328 = math.exp %get3A_327 : vector<16xf32>
        %mul3A_329 = arith.mulf %exp3A_328, %get3A_327 : vector<16xf32>
        %add3A_330 = arith.addf %add3A_302, %mul3A_329 : vector<16xf32>
        %get3A_331 = arith.index_cast %scan3A_71 : i32 to index
        %get3A_332 = arith.constant 576 : index
        %get3A_333 = tpu.vector_load %arg4[%get3A_331, %get3A_332] {strides = array<i32>} : memref<16x1000xf32, #tpu.memory_space<vmem>>, vector<1x16xf32>,
        %get3A_334 = vector.shape_cast %get3A_333 : vector<1x16xf32> to vector<16xf32>
        %exp3A_335 = math.exp %get3A_334 : vector<16xf32>
        %mul3A_336 = arith.mulf %exp3A_335, %get3A_334 : vector<16xf32>
        %add3A_337 = arith.addf %add3A_309, %mul3A_336 : vector<16xf32>
        %get3A_338 = arith.index_cast %scan3A_71 : i32 to index
        %get3A_339 = arith.constant 592 : index
        %get3A_340 = tpu.vector_load %arg4[%get3A_338, %get3A_339] {strides = array<i32>} : memref<16x1000xf32, #tpu.memory_space<vmem>>, vector<1x16xf32>,
        %get3A_341 = vector.shape_cast %get3A_340 : vector<1x16xf32> to vector<16xf32>
        %exp3A_342 = math.exp %get3A_341 : vector<16xf32>
        %mul3A_343 = arith.mulf %exp3A_342, %get3A_341 : vector<16xf32>
        %add3A_344 = arith.addf %add3A_316, %mul3A_343 : vector<16xf32>
        %get3A_345 = arith.index_cast %scan3A_71 : i32 to index
        %get3A_346 = arith.constant 608 : index
        %get3A_347 = tpu.vector_load %arg4[%get3A_345, %get3A_346] {strides = array<i32>} : memref<16x1000xf32, #tpu.memory_space<vmem>>, vector<1x16xf32>,
        %get3A_348 = vector.shape_cast %get3A_347 : vector<1x16xf32> to vector<16xf32>
        %exp3A_349 = math.exp %get3A_348 : vector<16xf32>
        %mul3A_350 = arith.mulf %exp3A_349, %get3A_348 : vector<16xf32>
        %add3A_351 = arith.addf %add3A_323, %mul3A_350 : vector<16xf32>
        %get3A_352 = arith.index_cast %scan3A_71 : i32 to index
        %get3A_353 = arith.constant 624 : index
        %get3A_354 = tpu.vector_load %arg4[%get3A_352, %get3A_353] {strides = array<i32>} : memref<16x1000xf32, #tpu.memory_space<vmem>>, vector<1x16xf32>,
        %get3A_355 = vector.shape_cast %get3A_354 : vector<1x16xf32> to vector<16xf32>
        %exp3A_356 = math.exp %get3A_355 : vector<16xf32>
        %mul3A_357 = arith.mulf %exp3A_356, %get3A_355 : vector<16xf32>
        %add3A_358 = arith.addf %add3A_330, %mul3A_357 : vector<16xf32>
        %get3A_359 = arith.index_cast %scan3A_71 : i32 to index
        %get3A_360 = arith.constant 640 : index
        %get3A_361 = tpu.vector_load %arg4[%get3A_359, %get3A_360] {strides = array<i32>} : memref<16x1000xf32, #tpu.memory_space<vmem>>, vector<1x16xf32>,
        %get3A_362 = vector.shape_cast %get3A_361 : vector<1x16xf32> to vector<16xf32>
        %exp3A_363 = math.exp %get3A_362 : vector<16xf32>
        %mul3A_364 = arith.mulf %exp3A_363, %get3A_362 : vector<16xf32>
        %add3A_365 = arith.addf %add3A_337, %mul3A_364 : vector<16xf32>
        %get3A_366 = arith.index_cast %scan3A_71 : i32 to index
        %get3A_367 = arith.constant 656 : index
        %get3A_368 = tpu.vector_load %arg4[%get3A_366, %get3A_367] {strides = array<i32>} : memref<16x1000xf32, #tpu.memory_space<vmem>>, vector<1x16xf32>,
        %get3A_369 = vector.shape_cast %get3A_368 : vector<1x16xf32> to vector<16xf32>
        %exp3A_370 = math.exp %get3A_369 : vector<16xf32>
        %mul3A_371 = arith.mulf %exp3A_370, %get3A_369 : vector<16xf32>
        %add3A_372 = arith.addf %add3A_344, %mul3A_371 : vector<16xf32>
        %get3A_373 = arith.index_cast %scan3A_71 : i32 to index
        %get3A_374 = arith.constant 672 : index
        %get3A_375 = tpu.vector_load %arg4[%get3A_373, %get3A_374] {strides = array<i32>} : memref<16x1000xf32, #tpu.memory_space<vmem>>, vector<1x16xf32>,
        %get3A_376 = vector.shape_cast %get3A_375 : vector<1x16xf32> to vector<16xf32>
        %exp3A_377 = math.exp %get3A_376 : vector<16xf32>
        %mul3A_378 = arith.mulf %exp3A_377, %get3A_376 : vector<16xf32>
        %add3A_379 = arith.addf %add3A_351, %mul3A_378 : vector<16xf32>
        %get3A_380 = arith.index_cast %scan3A_71 : i32 to index
        %get3A_381 = arith.constant 688 : index
        %get3A_382 = tpu.vector_load %arg4[%get3A_380, %get3A_381] {strides = array<i32>} : memref<16x1000xf32, #tpu.memory_space<vmem>>, vector<1x16xf32>,
        %get3A_383 = vector.shape_cast %get3A_382 : vector<1x16xf32> to vector<16xf32>
        %exp3A_384 = math.exp %get3A_383 : vector<16xf32>
        %mul3A_385 = arith.mulf %exp3A_384, %get3A_383 : vector<16xf32>
        %add3A_386 = arith.addf %add3A_358, %mul3A_385 : vector<16xf32>
        %get3A_387 = arith.index_cast %scan3A_71 : i32 to index
        %get3A_388 = arith.constant 704 : index
        %get3A_389 = tpu.vector_load %arg4[%get3A_387, %get3A_388] {strides = array<i32>} : memref<16x1000xf32, #tpu.memory_space<vmem>>, vector<1x16xf32>,
        %get3A_390 = vector.shape_cast %get3A_389 : vector<1x16xf32> to vector<16xf32>
        %exp3A_391 = math.exp %get3A_390 : vector<16xf32>
        %mul3A_392 = arith.mulf %exp3A_391, %get3A_390 : vector<16xf32>
        %add3A_393 = arith.addf %add3A_365, %mul3A_392 : vector<16xf32>
        %get3A_394 = arith.index_cast %scan3A_71 : i32 to index
        %get3A_395 = arith.constant 720 : index
        %get3A_396 = tpu.vector_load %arg4[%get3A_394, %get3A_395] {strides = array<i32>} : memref<16x1000xf32, #tpu.memory_space<vmem>>, vector<1x16xf32>,
        %get3A_397 = vector.shape_cast %get3A_396 : vector<1x16xf32> to vector<16xf32>
        %exp3A_398 = math.exp %get3A_397 : vector<16xf32>
        %mul3A_399 = arith.mulf %exp3A_398, %get3A_397 : vector<16xf32>
        %add3A_400 = arith.addf %add3A_372, %mul3A_399 : vector<16xf32>
        %get3A_401 = arith.index_cast %scan3A_71 : i32 to index
        %get3A_402 = arith.constant 736 : index
        %get3A_403 = tpu.vector_load %arg4[%get3A_401, %get3A_402] {strides = array<i32>} : memref<16x1000xf32, #tpu.memory_space<vmem>>, vector<1x16xf32>,
        %get3A_404 = vector.shape_cast %get3A_403 : vector<1x16xf32> to vector<16xf32>
        %exp3A_405 = math.exp %get3A_404 : vector<16xf32>
        %mul3A_406 = arith.mulf %exp3A_405, %get3A_404 : vector<16xf32>
        %add3A_407 = arith.addf %add3A_379, %mul3A_406 : vector<16xf32>
        %get3A_408 = arith.index_cast %scan3A_71 : i32 to index
        %get3A_409 = arith.constant 752 : index
        %get3A_410 = tpu.vector_load %arg4[%get3A_408, %get3A_409] {strides = array<i32>} : memref<16x1000xf32, #tpu.memory_space<vmem>>, vector<1x16xf32>,
        %get3A_411 = vector.shape_cast %get3A_410 : vector<1x16xf32> to vector<16xf32>
        %exp3A_412 = math.exp %get3A_411 : vector<16xf32>
        %mul3A_413 = arith.mulf %exp3A_412, %get3A_411 : vector<16xf32>
        %add3A_414 = arith.addf %add3A_386, %mul3A_413 : vector<16xf32>
        %get3A_415 = arith.index_cast %scan3A_71 : i32 to index
        %get3A_416 = arith.constant 768 : index
        %get3A_417 = tpu.vector_load %arg4[%get3A_415, %get3A_416] {strides = array<i32>} : memref<16x1000xf32, #tpu.memory_space<vmem>>, vector<1x16xf32>,
        %get3A_418 = vector.shape_cast %get3A_417 : vector<1x16xf32> to vector<16xf32>
        %exp3A_419 = math.exp %get3A_418 : vector<16xf32>
        %mul3A_420 = arith.mulf %exp3A_419, %get3A_418 : vector<16xf32>
        %add3A_421 = arith.addf %add3A_393, %mul3A_420 : vector<16xf32>
        %get3A_422 = arith.index_cast %scan3A_71 : i32 to index
        %get3A_423 = arith.constant 784 : index
        %get3A_424 = tpu.vector_load %arg4[%get3A_422, %get3A_423] {strides = array<i32>} : memref<16x1000xf32, #tpu.memory_space<vmem>>, vector<1x16xf32>,
        %get3A_425 = vector.shape_cast %get3A_424 : vector<1x16xf32> to vector<16xf32>
        %exp3A_426 = math.exp %get3A_425 : vector<16xf32>
        %mul3A_427 = arith.mulf %exp3A_426, %get3A_425 : vector<16xf32>
        %add3A_428 = arith.addf %add3A_400, %mul3A_427 : vector<16xf32>
        %get3A_429 = arith.index_cast %scan3A_71 : i32 to index
        %get3A_430 = arith.constant 800 : index
        %get3A_431 = tpu.vector_load %arg4[%get3A_429, %get3A_430] {strides = array<i32>} : memref<16x1000xf32, #tpu.memory_space<vmem>>, vector<1x16xf32>,
        %get3A_432 = vector.shape_cast %get3A_431 : vector<1x16xf32> to vector<16xf32>
        %exp3A_433 = math.exp %get3A_432 : vector<16xf32>
        %mul3A_434 = arith.mulf %exp3A_433, %get3A_432 : vector<16xf32>
        %add3A_435 = arith.addf %add3A_407, %mul3A_434 : vector<16xf32>
        %get3A_436 = arith.index_cast %scan3A_71 : i32 to index
        %get3A_437 = arith.constant 816 : index
        %get3A_438 = tpu.vector_load %arg4[%get3A_436, %get3A_437] {strides = array<i32>} : memref<16x1000xf32, #tpu.memory_space<vmem>>, vector<1x16xf32>,
        %get3A_439 = vector.shape_cast %get3A_438 : vector<1x16xf32> to vector<16xf32>
        %exp3A_440 = math.exp %get3A_439 : vector<16xf32>
        %mul3A_441 = arith.mulf %exp3A_440, %get3A_439 : vector<16xf32>
        %add3A_442 = arith.addf %add3A_414, %mul3A_441 : vector<16xf32>
        %get3A_443 = arith.index_cast %scan3A_71 : i32 to index
        %get3A_444 = arith.constant 832 : index
        %get3A_445 = tpu.vector_load %arg4[%get3A_443, %get3A_444] {strides = array<i32>} : memref<16x1000xf32, #tpu.memory_space<vmem>>, vector<1x16xf32>,
        %get3A_446 = vector.shape_cast %get3A_445 : vector<1x16xf32> to vector<16xf32>
        %exp3A_447 = math.exp %get3A_446 : vector<16xf32>
        %mul3A_448 = arith.mulf %exp3A_447, %get3A_446 : vector<16xf32>
        %add3A_449 = arith.addf %add3A_421, %mul3A_448 : vector<16xf32>
        %get3A_450 = arith.index_cast %scan3A_71 : i32 to index
        %get3A_451 = arith.constant 848 : index
        %get3A_452 = tpu.vector_load %arg4[%get3A_450, %get3A_451] {strides = array<i32>} : memref<16x1000xf32, #tpu.memory_space<vmem>>, vector<1x16xf32>,
        %get3A_453 = vector.shape_cast %get3A_452 : vector<1x16xf32> to vector<16xf32>
        %exp3A_454 = math.exp %get3A_453 : vector<16xf32>
        %mul3A_455 = arith.mulf %exp3A_454, %get3A_453 : vector<16xf32>
        %add3A_456 = arith.addf %add3A_428, %mul3A_455 : vector<16xf32>
        %get3A_457 = arith.index_cast %scan3A_71 : i32 to index
        %get3A_458 = arith.constant 864 : index
        %get3A_459 = tpu.vector_load %arg4[%get3A_457, %get3A_458] {strides = array<i32>} : memref<16x1000xf32, #tpu.memory_space<vmem>>, vector<1x16xf32>,
        %get3A_460 = vector.shape_cast %get3A_459 : vector<1x16xf32> to vector<16xf32>
        %exp3A_461 = math.exp %get3A_460 : vector<16xf32>
        %mul3A_462 = arith.mulf %exp3A_461, %get3A_460 : vector<16xf32>
        %add3A_463 = arith.addf %add3A_435, %mul3A_462 : vector<16xf32>
        %get3A_464 = arith.index_cast %scan3A_71 : i32 to index
        %get3A_465 = arith.constant 880 : index
        %get3A_466 = tpu.vector_load %arg4[%get3A_464, %get3A_465] {strides = array<i32>} : memref<16x1000xf32, #tpu.memory_space<vmem>>, vector<1x16xf32>,
        %get3A_467 = vector.shape_cast %get3A_466 : vector<1x16xf32> to vector<16xf32>
        %exp3A_468 = math.exp %get3A_467 : vector<16xf32>
        %mul3A_469 = arith.mulf %exp3A_468, %get3A_467 : vector<16xf32>
        %add3A_470 = arith.addf %add3A_442, %mul3A_469 : vector<16xf32>
        %get3A_471 = arith.index_cast %scan3A_71 : i32 to index
        %get3A_472 = arith.constant 896 : index
        %get3A_473 = tpu.vector_load %arg4[%get3A_471, %get3A_472] {strides = array<i32>} : memref<16x1000xf32, #tpu.memory_space<vmem>>, vector<1x16xf32>,
        %get3A_474 = vector.shape_cast %get3A_473 : vector<1x16xf32> to vector<16xf32>
        %exp3A_475 = math.exp %get3A_474 : vector<16xf32>
        %mul3A_476 = arith.mulf %exp3A_475, %get3A_474 : vector<16xf32>
        %add3A_477 = arith.addf %add3A_449, %mul3A_476 : vector<16xf32>
        %get3A_478 = arith.index_cast %scan3A_71 : i32 to index
        %get3A_479 = arith.constant 912 : index
        %get3A_480 = tpu.vector_load %arg4[%get3A_478, %get3A_479] {strides = array<i32>} : memref<16x1000xf32, #tpu.memory_space<vmem>>, vector<1x16xf32>,
        %get3A_481 = vector.shape_cast %get3A_480 : vector<1x16xf32> to vector<16xf32>
        %exp3A_482 = math.exp %get3A_481 : vector<16xf32>
        %mul3A_483 = arith.mulf %exp3A_482, %get3A_481 : vector<16xf32>
        %add3A_484 = arith.addf %add3A_456, %mul3A_483 : vector<16xf32>
        %get3A_485 = arith.index_cast %scan3A_71 : i32 to index
        %get3A_486 = arith.constant 928 : index
        %get3A_487 = tpu.vector_load %arg4[%get3A_485, %get3A_486] {strides = array<i32>} : memref<16x1000xf32, #tpu.memory_space<vmem>>, vector<1x16xf32>,
        %get3A_488 = vector.shape_cast %get3A_487 : vector<1x16xf32> to vector<16xf32>
        %exp3A_489 = math.exp %get3A_488 : vector<16xf32>
        %mul3A_490 = arith.mulf %exp3A_489, %get3A_488 : vector<16xf32>
        %add3A_491 = arith.addf %add3A_463, %mul3A_490 : vector<16xf32>
        %get3A_492 = arith.index_cast %scan3A_71 : i32 to index
        %get3A_493 = arith.constant 944 : index
        %get3A_494 = tpu.vector_load %arg4[%get3A_492, %get3A_493] {strides = array<i32>} : memref<16x1000xf32, #tpu.memory_space<vmem>>, vector<1x16xf32>,
        %get3A_495 = vector.shape_cast %get3A_494 : vector<1x16xf32> to vector<16xf32>
        %exp3A_496 = math.exp %get3A_495 : vector<16xf32>
        %mul3A_497 = arith.mulf %exp3A_496, %get3A_495 : vector<16xf32>
        %add3A_498 = arith.addf %add3A_470, %mul3A_497 : vector<16xf32>
        %get3A_499 = arith.index_cast %scan3A_71 : i32 to index
        %get3A_500 = arith.constant 960 : index
        %get3A_501 = tpu.vector_load %arg4[%get3A_499, %get3A_500] {strides = array<i32>} : memref<16x1000xf32, #tpu.memory_space<vmem>>, vector<1x16xf32>,
        %get3A_502 = vector.shape_cast %get3A_501 : vector<1x16xf32> to vector<16xf32>
        %exp3A_503 = math.exp %get3A_502 : vector<16xf32>
        %mul3A_504 = arith.mulf %exp3A_503, %get3A_502 : vector<16xf32>
        %add3A_505 = arith.addf %add3A_477, %mul3A_504 : vector<16xf32>
        %get3A_506 = arith.index_cast %scan3A_71 : i32 to index
        %get3A_507 = arith.constant 976 : index
        %get3A_508 = tpu.vector_load %arg4[%get3A_506, %get3A_507] {strides = array<i32>} : memref<16x1000xf32, #tpu.memory_space<vmem>>, vector<1x16xf32>,
        %get3A_509 = vector.shape_cast %get3A_508 : vector<1x16xf32> to vector<16xf32>
        %exp3A_510 = math.exp %get3A_509 : vector<16xf32>
        %mul3A_511 = arith.mulf %exp3A_510, %get3A_509 : vector<16xf32>
        %add3A_512 = arith.addf %add3A_484, %mul3A_511 : vector<16xf32>
        %get3A_513 = arith.index_cast %scan3A_71 : i32 to index
        %get3A_514 = arith.constant 984 : index
        %get3A_515 = tpu.vector_load %arg4[%get3A_513, %get3A_514] {strides = array<i32>} : memref<16x1000xf32, #tpu.memory_space<vmem>>, vector<1x16xf32>,
        %get3A_516 = vector.shape_cast %get3A_515 : vector<1x16xf32> to vector<16xf32>
        %exp3A_517 = math.exp %get3A_516 : vector<16xf32>
        %mul3A_518 = arith.mulf %exp3A_517, %get3A_516 : vector<16xf32>
        %broadcast_in_dim3A_519 = arith.constant 0.000000e+00 : f32
        %broadcast_in_dim3A_520 = vector.broadcast %broadcast_in_dim3A_519 : f32 to vector<16xf32>
        %select_n3A = arith.select %ge3A_4, %mul3A_518, %broadcast_in_dim3A_520 : vector<16xi1>, vector<16xf32>
        %add3A_521 = arith.addf %add3A_505, %add3A_512 : vector<16xf32>
        %add3A_522 = arith.addf %add3A_491, %add3A_498 : vector<16xf32>
        %add3A_523 = arith.addf %add3A_521, %add3A_522 : vector<16xf32>
        %add3A_524 = arith.addf %add3A_523, %select_n3A : vector<16xf32>
        %xor3A = arith.constant 8 : i32
        %xor3A_525 = vector.broadcast %xor3A : i32 to vector<16xi32>
        %xor3A_526 = arith.xori %iota3A_5, %xor3A_525 : vector<16xi32>
        %lt3A_527 = arith.constant 0 : i32
        %lt3A_528 = vector.broadcast %lt3A_527 : i32 to vector<16xi32>
        %lt3A_529 = arith.cmpi slt, %xor3A_526, %lt3A_528 : vector<16xi32>
        %add3A_530 = arith.constant 16 : i32
        %add3A_531 = vector.broadcast %add3A_530 : i32 to vector<16xi32>
        %add3A_532 = arith.addi %xor3A_526, %add3A_531 : vector<16xi32>
        %select_n3A_533 = arith.select %lt3A_529, %add3A_532, %xor3A_526 : vector<16xi1>, vector<16xi32>
        %broadcast_in_dim3A_534 = vector.shape_cast %select_n3A_533 : vector<16xi32> to vector<16x1xi32>
        %gather3A = vector.shape_cast %broadcast_in_dim3A_534 : vector<16x1xi32> to vector<16xi32>
        %gather3A_535 = tpu.dynamic_gather %add3A_524[%gather3A] in [0] : vector<16xf32>, vector<16xi32> -> vector<16xf32>
        %add3A_536 = arith.addf %add3A_524, %gather3A_535 : vector<16xf32>
        %xor3A_537 = arith.constant 4 : i32
        %xor3A_538 = vector.broadcast %xor3A_537 : i32 to vector<16xi32>
        %xor3A_539 = arith.xori %iota3A_5, %xor3A_538 : vector<16xi32>
        %lt3A_540 = arith.constant 0 : i32
        %lt3A_541 = vector.broadcast %lt3A_540 : i32 to vector<16xi32>
        %lt3A_542 = arith.cmpi slt, %xor3A_539, %lt3A_541 : vector<16xi32>
        %add3A_543 = arith.constant 16 : i32
        %add3A_544 = vector.broadcast %add3A_543 : i32 to vector<16xi32>
        %add3A_545 = arith.addi %xor3A_539, %add3A_544 : vector<16xi32>
        %select_n3A_546 = arith.select %lt3A_542, %add3A_545, %xor3A_539 : vector<16xi1>, vector<16xi32>
        %broadcast_in_dim3A_547 = vector.shape_cast %select_n3A_546 : vector<16xi32> to vector<16x1xi32>
        %gather3A_548 = vector.shape_cast %broadcast_in_dim3A_547 : vector<16x1xi32> to vector<16xi32>
        %gather3A_549 = tpu.dynamic_gather %add3A_536[%gather3A_548] in [0] : vector<16xf32>, vector<16xi32> -> vector<16xf32>
        %add3A_550 = arith.addf %add3A_536, %gather3A_549 : vector<16xf32>
        %xor3A_551 = arith.constant 2 : i32
        %xor3A_552 = vector.broadcast %xor3A_551 : i32 to vector<16xi32>
        %xor3A_553 = arith.xori %iota3A_5, %xor3A_552 : vector<16xi32>
        %lt3A_554 = arith.constant 0 : i32
        %lt3A_555 = vector.broadcast %lt3A_554 : i32 to vector<16xi32>
        %lt3A_556 = arith.cmpi slt, %xor3A_553, %lt3A_555 : vector<16xi32>
        %add3A_557 = arith.constant 16 : i32
        %add3A_558 = vector.broadcast %add3A_557 : i32 to vector<16xi32>
        %add3A_559 = arith.addi %xor3A_553, %add3A_558 : vector<16xi32>
        %select_n3A_560 = arith.select %lt3A_556, %add3A_559, %xor3A_553 : vector<16xi1>, vector<16xi32>
        %broadcast_in_dim3A_561 = vector.shape_cast %select_n3A_560 : vector<16xi32> to vector<16x1xi32>
        %gather3A_562 = vector.shape_cast %broadcast_in_dim3A_561 : vector<16x1xi32> to vector<16xi32>
        %gather3A_563 = tpu.dynamic_gather %add3A_550[%gather3A_562] in [0] : vector<16xf32>, vector<16xi32> -> vector<16xf32>
        %add3A_564 = arith.addf %add3A_550, %gather3A_563 : vector<16xf32>
        %xor3A_565 = arith.constant 1 : i32
        %xor3A_566 = vector.broadcast %xor3A_565 : i32 to vector<16xi32>
        %xor3A_567 = arith.xori %iota3A_5, %xor3A_566 : vector<16xi32>
        %lt3A_568 = arith.constant 0 : i32
        %lt3A_569 = vector.broadcast %lt3A_568 : i32 to vector<16xi32>
        %lt3A_570 = arith.cmpi slt, %xor3A_567, %lt3A_569 : vector<16xi32>
        %add3A_571 = arith.constant 16 : i32
        %add3A_572 = vector.broadcast %add3A_571 : i32 to vector<16xi32>
        %add3A_573 = arith.addi %xor3A_567, %add3A_572 : vector<16xi32>
        %select_n3A_574 = arith.select %lt3A_570, %add3A_573, %xor3A_567 : vector<16xi1>, vector<16xi32>
        %broadcast_in_dim3A_575 = vector.shape_cast %select_n3A_574 : vector<16xi32> to vector<16x1xi32>
        %gather3A_576 = vector.shape_cast %broadcast_in_dim3A_575 : vector<16x1xi32> to vector<16xi32>
        %gather3A_577 = tpu.dynamic_gather %add3A_564[%gather3A_576] in [0] : vector<16xf32>, vector<16xi32> -> vector<16xf32>
        %add3A_578 = arith.addf %add3A_564, %gather3A_577 : vector<16xf32>
        %eq3A = vector.broadcast %scan3A_71 : i32 to vector<16xi32>
        %eq3A_579 = arith.cmpi eq, %iota3A_5, %eq3A : vector<16xi32>
        %neg3A = arith.constant 0.000000e+00 : f32
        %neg3A_580 = vector.broadcast %neg3A : f32 to vector<16xf32>
        %neg3A_581 = arith.subf %neg3A_580, %add3A_578 : vector<16xf32>
        %select_n3A_582 = arith.select %eq3A_579, %neg3A_581, %scan3A_72 : vector<16xi1>, vector<16xf32>
        scf.yield %select_n3A_582 : vector<16xf32>
      }
      %scan3A_39 = arith.constant 16 : i32
      %mul3A_40 = arith.constant 16 : i32
      %mul3A_41 = arith.muli %mul3A_18, %mul3A_40 : i32
      %swap3A = arith.index_cast %mul3A_41 : i32 to index
      %swap3A_42 = tpu.vector_load %arg6[%swap3A] {strides = array<i32>} : memref<128xf32, #tpu.memory_space<vmem>>, vector<16xf32>,
      %swap3A_43 = vector.shape_cast %swap3A_42 : vector<16xf32> to vector<16xf32>
      %swap3A_44 = vector.shape_cast %scan3A_38 : vector<16xf32> to vector<16xf32>
      tpu.vector_store %arg6[%swap3A], %swap3A_44 {strides = array<i32>} : memref<128xf32, #tpu.memory_space<vmem>>, vector<16xf32>,
      %add3A_45 = arith.constant 2 : i32
      %add3A_46 = arith.addi %mul3A_18, %add3A_45 : i32
      %lt3A = arith.constant 8 : i32
      %lt3A_47 = arith.cmpi slt, %add3A_46, %lt3A : i32
      %convert_element_type3A = arith.extui %lt3A_47 : i1 to i32
      %cond3A = arith.constant 0 : i32
      %cond3A_48 = arith.cmpi ne, %convert_element_type3A, %cond3A : i32
      scf.if %cond3A_48 {
        %add3A_71 = arith.constant 2 : i32
        %add3A_72 = arith.addi %mul3A_18, %add3A_71 : i32
        %mul3A_73 = arith.constant 16 : i32
        %mul3A_74 = arith.muli %add3A_72, %mul3A_73 : i32
        %add3A_75 = arith.addi %mul3A_2, %mul3A_74 : i32
        %dma_start3A_76 = arith.constant 0 : i32
        %dma_start3A_77 = tpu.memref_slice %arg2[%add3A_75, %dma_start3A_76] : memref<4096x1000xf32, #tpu.memory_space<hbm>> -> memref<16x1000xf32, #tpu.memory_space<hbm>>
        %dma_start3A_78 = arith.constant 0 : i32
        %dma_start3A_79 = tpu.memref_slice %arg2[%add3A_75, %dma_start3A_78] : memref<4096x1000xf32, #tpu.memory_space<hbm>> -> memref<16x1000xf32, #tpu.memory_space<hbm>>
        tpu.enqueue_dma source(%dma_start3A_79 : memref<16x1000xf32, #tpu.memory_space<hbm>>) target(%arg4 : memref<16x1000xf32, #tpu.memory_space<vmem>>) target_semaphore(%arg7 : memref<!tpu.dma_semaphore, #tpu.memory_space<semaphore_mem>>)
      } else {
      }
      %dma_wait3A_49 = arith.constant 0 : i32
      %dma_wait3A_50 = arith.constant 0 : i32
      %dma_wait3A_51 = tpu.memref_slice %arg2[%dma_wait3A_49, %dma_wait3A_50] : memref<4096x1000xf32, #tpu.memory_space<hbm>> -> memref<16x1000xf32, #tpu.memory_space<hbm>>
      %dma_wait3A_52 = arith.constant 0 : i32
      %dma_wait3A_53 = arith.constant 0 : i32
      %dma_wait3A_54 = tpu.memref_slice %arg2[%dma_wait3A_52, %dma_wait3A_53] : memref<4096x1000xf32, #tpu.memory_space<hbm>> -> memref<16x1000xf32, #tpu.memory_space<hbm>>
      tpu.wait_dma2 semaphore(%arg8 : memref<!tpu.dma_semaphore, #tpu.memory_space<semaphore_mem>>) src(%dma_wait3A_54 : memref<16x1000xf32, #tpu.memory_space<hbm>>) dst(%arg5 : memref<16x1000xf32, #tpu.memory_space<vmem>>)
      %add3A_55 = arith.constant 1 : i32
      %add3A_56 = arith.addi %mul3A_18, %add3A_55 : i32
      %broadcast_in_dim3A_57 = arith.constant 0.000000e+00 : f32
      %broadcast_in_dim3A_58 = vector.broadcast %broadcast_in_dim3A_57 : f32 to vector<16xf32>
      %scan3A_59 = arith.constant 0 : i32
      %scan3A_60 = arith.constant 16 : i32
      %scan3A_61 = arith.addi %scan3A_59, %scan3A_60 : i32
      %scan3A_62 = arith.constant 1 : i32
      %scan3A_63 = scf.for %scan3A_71 = %scan3A_59 to %scan3A_61 step %scan3A_62 iter_args(%scan3A_72 = %broadcast_in_dim3A_58) -> (vector<16xf32>)  : i32 {
        %broadcast_in_dim3A_73 = arith.constant 0.000000e+00 : f32
        %broadcast_in_dim3A_74 = vector.broadcast %broadcast_in_dim3A_73 : f32 to vector<16xf32>
        %broadcast_in_dim3A_75 = arith.constant 0.000000e+00 : f32
        %broadcast_in_dim3A_76 = vector.broadcast %broadcast_in_dim3A_75 : f32 to vector<16xf32>
        %broadcast_in_dim3A_77 = arith.constant 0.000000e+00 : f32
        %broadcast_in_dim3A_78 = vector.broadcast %broadcast_in_dim3A_77 : f32 to vector<16xf32>
        %broadcast_in_dim3A_79 = arith.constant 0.000000e+00 : f32
        %broadcast_in_dim3A_80 = vector.broadcast %broadcast_in_dim3A_79 : f32 to vector<16xf32>
        %get3A = arith.index_cast %scan3A_71 : i32 to index
        %get3A_81 = arith.constant 0 : index
        %get3A_82 = tpu.vector_load %arg5[%get3A, %get3A_81] {strides = array<i32>} : memref<16x1000xf32, #tpu.memory_space<vmem>>, vector<1x16xf32>,
        %get3A_83 = vector.shape_cast %get3A_82 : vector<1x16xf32> to vector<16xf32>
        %exp3A = math.exp %get3A_83 : vector<16xf32>
        %mul3A_84 = arith.mulf %exp3A, %get3A_83 : vector<16xf32>
        %add3A_85 = arith.addf %broadcast_in_dim3A_74, %mul3A_84 : vector<16xf32>
        %get3A_86 = arith.index_cast %scan3A_71 : i32 to index
        %get3A_87 = arith.constant 16 : index
        %get3A_88 = tpu.vector_load %arg5[%get3A_86, %get3A_87] {strides = array<i32>} : memref<16x1000xf32, #tpu.memory_space<vmem>>, vector<1x16xf32>,
        %get3A_89 = vector.shape_cast %get3A_88 : vector<1x16xf32> to vector<16xf32>
        %exp3A_90 = math.exp %get3A_89 : vector<16xf32>
        %mul3A_91 = arith.mulf %exp3A_90, %get3A_89 : vector<16xf32>
        %add3A_92 = arith.addf %broadcast_in_dim3A_76, %mul3A_91 : vector<16xf32>
        %get3A_93 = arith.index_cast %scan3A_71 : i32 to index
        %get3A_94 = arith.constant 32 : index
        %get3A_95 = tpu.vector_load %arg5[%get3A_93, %get3A_94] {strides = array<i32>} : memref<16x1000xf32, #tpu.memory_space<vmem>>, vector<1x16xf32>,
        %get3A_96 = vector.shape_cast %get3A_95 : vector<1x16xf32> to vector<16xf32>
        %exp3A_97 = math.exp %get3A_96 : vector<16xf32>
        %mul3A_98 = arith.mulf %exp3A_97, %get3A_96 : vector<16xf32>
        %add3A_99 = arith.addf %broadcast_in_dim3A_78, %mul3A_98 : vector<16xf32>
        %get3A_100 = arith.index_cast %scan3A_71 : i32 to index
        %get3A_101 = arith.constant 48 : index
        %get3A_102 = tpu.vector_load %arg5[%get3A_100, %get3A_101] {strides = array<i32>} : memref<16x1000xf32, #tpu.memory_space<vmem>>, vector<1x16xf32>,
        %get3A_103 = vector.shape_cast %get3A_102 : vector<1x16xf32> to vector<16xf32>
        %exp3A_104 = math.exp %get3A_103 : vector<16xf32>
        %mul3A_105 = arith.mulf %exp3A_104, %get3A_103 : vector<16xf32>
        %add3A_106 = arith.addf %broadcast_in_dim3A_80, %mul3A_105 : vector<16xf32>
        %get3A_107 = arith.index_cast %scan3A_71 : i32 to index
        %get3A_108 = arith.constant 64 : index
        %get3A_109 = tpu.vector_load %arg5[%get3A_107, %get3A_108] {strides = array<i32>} : memref<16x1000xf32, #tpu.memory_space<vmem>>, vector<1x16xf32>,
        %get3A_110 = vector.shape_cast %get3A_109 : vector<1x16xf32> to vector<16xf32>
        %exp3A_111 = math.exp %get3A_110 : vector<16xf32>
        %mul3A_112 = arith.mulf %exp3A_111, %get3A_110 : vector<16xf32>
        %add3A_113 = arith.addf %add3A_85, %mul3A_112 : vector<16xf32>
        %get3A_114 = arith.index_cast %scan3A_71 : i32 to index
        %get3A_115 = arith.constant 80 : index
        %get3A_116 = tpu.vector_load %arg5[%get3A_114, %get3A_115] {strides = array<i32>} : memref<16x1000xf32, #tpu.memory_space<vmem>>, vector<1x16xf32>,
        %get3A_117 = vector.shape_cast %get3A_116 : vector<1x16xf32> to vector<16xf32>
        %exp3A_118 = math.exp %get3A_117 : vector<16xf32>
        %mul3A_119 = arith.mulf %exp3A_118, %get3A_117 : vector<16xf32>
        %add3A_120 = arith.addf %add3A_92, %mul3A_119 : vector<16xf32>
        %get3A_121 = arith.index_cast %scan3A_71 : i32 to index
        %get3A_122 = arith.constant 96 : index
        %get3A_123 = tpu.vector_load %arg5[%get3A_121, %get3A_122] {strides = array<i32>} : memref<16x1000xf32, #tpu.memory_space<vmem>>, vector<1x16xf32>,
        %get3A_124 = vector.shape_cast %get3A_123 : vector<1x16xf32> to vector<16xf32>
        %exp3A_125 = math.exp %get3A_124 : vector<16xf32>
        %mul3A_126 = arith.mulf %exp3A_125, %get3A_124 : vector<16xf32>
        %add3A_127 = arith.addf %add3A_99, %mul3A_126 : vector<16xf32>
        %get3A_128 = arith.index_cast %scan3A_71 : i32 to index
        %get3A_129 = arith.constant 112 : index
        %get3A_130 = tpu.vector_load %arg5[%get3A_128, %get3A_129] {strides = array<i32>} : memref<16x1000xf32, #tpu.memory_space<vmem>>, vector<1x16xf32>,
        %get3A_131 = vector.shape_cast %get3A_130 : vector<1x16xf32> to vector<16xf32>
        %exp3A_132 = math.exp %get3A_131 : vector<16xf32>
        %mul3A_133 = arith.mulf %exp3A_132, %get3A_131 : vector<16xf32>
        %add3A_134 = arith.addf %add3A_106, %mul3A_133 : vector<16xf32>
        %get3A_135 = arith.index_cast %scan3A_71 : i32 to index
        %get3A_136 = arith.constant 128 : index
        %get3A_137 = tpu.vector_load %arg5[%get3A_135, %get3A_136] {strides = array<i32>} : memref<16x1000xf32, #tpu.memory_space<vmem>>, vector<1x16xf32>,
        %get3A_138 = vector.shape_cast %get3A_137 : vector<1x16xf32> to vector<16xf32>
        %exp3A_139 = math.exp %get3A_138 : vector<16xf32>
        %mul3A_140 = arith.mulf %exp3A_139, %get3A_138 : vector<16xf32>
        %add3A_141 = arith.addf %add3A_113, %mul3A_140 : vector<16xf32>
        %get3A_142 = arith.index_cast %scan3A_71 : i32 to index
        %get3A_143 = arith.constant 144 : index
        %get3A_144 = tpu.vector_load %arg5[%get3A_142, %get3A_143] {strides = array<i32>} : memref<16x1000xf32, #tpu.memory_space<vmem>>, vector<1x16xf32>,
        %get3A_145 = vector.shape_cast %get3A_144 : vector<1x16xf32> to vector<16xf32>
        %exp3A_146 = math.exp %get3A_145 : vector<16xf32>
        %mul3A_147 = arith.mulf %exp3A_146, %get3A_145 : vector<16xf32>
        %add3A_148 = arith.addf %add3A_120, %mul3A_147 : vector<16xf32>
        %get3A_149 = arith.index_cast %scan3A_71 : i32 to index
        %get3A_150 = arith.constant 160 : index
        %get3A_151 = tpu.vector_load %arg5[%get3A_149, %get3A_150] {strides = array<i32>} : memref<16x1000xf32, #tpu.memory_space<vmem>>, vector<1x16xf32>,
        %get3A_152 = vector.shape_cast %get3A_151 : vector<1x16xf32> to vector<16xf32>
        %exp3A_153 = math.exp %get3A_152 : vector<16xf32>
        %mul3A_154 = arith.mulf %exp3A_153, %get3A_152 : vector<16xf32>
        %add3A_155 = arith.addf %add3A_127, %mul3A_154 : vector<16xf32>
        %get3A_156 = arith.index_cast %scan3A_71 : i32 to index
        %get3A_157 = arith.constant 176 : index
        %get3A_158 = tpu.vector_load %arg5[%get3A_156, %get3A_157] {strides = array<i32>} : memref<16x1000xf32, #tpu.memory_space<vmem>>, vector<1x16xf32>,
        %get3A_159 = vector.shape_cast %get3A_158 : vector<1x16xf32> to vector<16xf32>
        %exp3A_160 = math.exp %get3A_159 : vector<16xf32>
        %mul3A_161 = arith.mulf %exp3A_160, %get3A_159 : vector<16xf32>
        %add3A_162 = arith.addf %add3A_134, %mul3A_161 : vector<16xf32>
        %get3A_163 = arith.index_cast %scan3A_71 : i32 to index
        %get3A_164 = arith.constant 192 : index
        %get3A_165 = tpu.vector_load %arg5[%get3A_163, %get3A_164] {strides = array<i32>} : memref<16x1000xf32, #tpu.memory_space<vmem>>, vector<1x16xf32>,
        %get3A_166 = vector.shape_cast %get3A_165 : vector<1x16xf32> to vector<16xf32>
        %exp3A_167 = math.exp %get3A_166 : vector<16xf32>
        %mul3A_168 = arith.mulf %exp3A_167, %get3A_166 : vector<16xf32>
        %add3A_169 = arith.addf %add3A_141, %mul3A_168 : vector<16xf32>
        %get3A_170 = arith.index_cast %scan3A_71 : i32 to index
        %get3A_171 = arith.constant 208 : index
        %get3A_172 = tpu.vector_load %arg5[%get3A_170, %get3A_171] {strides = array<i32>} : memref<16x1000xf32, #tpu.memory_space<vmem>>, vector<1x16xf32>,
        %get3A_173 = vector.shape_cast %get3A_172 : vector<1x16xf32> to vector<16xf32>
        %exp3A_174 = math.exp %get3A_173 : vector<16xf32>
        %mul3A_175 = arith.mulf %exp3A_174, %get3A_173 : vector<16xf32>
        %add3A_176 = arith.addf %add3A_148, %mul3A_175 : vector<16xf32>
        %get3A_177 = arith.index_cast %scan3A_71 : i32 to index
        %get3A_178 = arith.constant 224 : index
        %get3A_179 = tpu.vector_load %arg5[%get3A_177, %get3A_178] {strides = array<i32>} : memref<16x1000xf32, #tpu.memory_space<vmem>>, vector<1x16xf32>,
        %get3A_180 = vector.shape_cast %get3A_179 : vector<1x16xf32> to vector<16xf32>
        %exp3A_181 = math.exp %get3A_180 : vector<16xf32>
        %mul3A_182 = arith.mulf %exp3A_181, %get3A_180 : vector<16xf32>
        %add3A_183 = arith.addf %add3A_155, %mul3A_182 : vector<16xf32>
        %get3A_184 = arith.index_cast %scan3A_71 : i32 to index
        %get3A_185 = arith.constant 240 : index
        %get3A_186 = tpu.vector_load %arg5[%get3A_184, %get3A_185] {strides = array<i32>} : memref<16x1000xf32, #tpu.memory_space<vmem>>, vector<1x16xf32>,
        %get3A_187 = vector.shape_cast %get3A_186 : vector<1x16xf32> to vector<16xf32>
        %exp3A_188 = math.exp %get3A_187 : vector<16xf32>
        %mul3A_189 = arith.mulf %exp3A_188, %get3A_187 : vector<16xf32>
        %add3A_190 = arith.addf %add3A_162, %mul3A_189 : vector<16xf32>
        %get3A_191 = arith.index_cast %scan3A_71 : i32 to index
        %get3A_192 = arith.constant 256 : index
        %get3A_193 = tpu.vector_load %arg5[%get3A_191, %get3A_192] {strides = array<i32>} : memref<16x1000xf32, #tpu.memory_space<vmem>>, vector<1x16xf32>,
        %get3A_194 = vector.shape_cast %get3A_193 : vector<1x16xf32> to vector<16xf32>
        %exp3A_195 = math.exp %get3A_194 : vector<16xf32>
        %mul3A_196 = arith.mulf %exp3A_195, %get3A_194 : vector<16xf32>
        %add3A_197 = arith.addf %add3A_169, %mul3A_196 : vector<16xf32>
        %get3A_198 = arith.index_cast %scan3A_71 : i32 to index
        %get3A_199 = arith.constant 272 : index
        %get3A_200 = tpu.vector_load %arg5[%get3A_198, %get3A_199] {strides = array<i32>} : memref<16x1000xf32, #tpu.memory_space<vmem>>, vector<1x16xf32>,
        %get3A_201 = vector.shape_cast %get3A_200 : vector<1x16xf32> to vector<16xf32>
        %exp3A_202 = math.exp %get3A_201 : vector<16xf32>
        %mul3A_203 = arith.mulf %exp3A_202, %get3A_201 : vector<16xf32>
        %add3A_204 = arith.addf %add3A_176, %mul3A_203 : vector<16xf32>
        %get3A_205 = arith.index_cast %scan3A_71 : i32 to index
        %get3A_206 = arith.constant 288 : index
        %get3A_207 = tpu.vector_load %arg5[%get3A_205, %get3A_206] {strides = array<i32>} : memref<16x1000xf32, #tpu.memory_space<vmem>>, vector<1x16xf32>,
        %get3A_208 = vector.shape_cast %get3A_207 : vector<1x16xf32> to vector<16xf32>
        %exp3A_209 = math.exp %get3A_208 : vector<16xf32>
        %mul3A_210 = arith.mulf %exp3A_209, %get3A_208 : vector<16xf32>
        %add3A_211 = arith.addf %add3A_183, %mul3A_210 : vector<16xf32>
        %get3A_212 = arith.index_cast %scan3A_71 : i32 to index
        %get3A_213 = arith.constant 304 : index
        %get3A_214 = tpu.vector_load %arg5[%get3A_212, %get3A_213] {strides = array<i32>} : memref<16x1000xf32, #tpu.memory_space<vmem>>, vector<1x16xf32>,
        %get3A_215 = vector.shape_cast %get3A_214 : vector<1x16xf32> to vector<16xf32>
        %exp3A_216 = math.exp %get3A_215 : vector<16xf32>
        %mul3A_217 = arith.mulf %exp3A_216, %get3A_215 : vector<16xf32>
        %add3A_218 = arith.addf %add3A_190, %mul3A_217 : vector<16xf32>
        %get3A_219 = arith.index_cast %scan3A_71 : i32 to index
        %get3A_220 = arith.constant 320 : index
        %get3A_221 = tpu.vector_load %arg5[%get3A_219, %get3A_220] {strides = array<i32>} : memref<16x1000xf32, #tpu.memory_space<vmem>>, vector<1x16xf32>,
        %get3A_222 = vector.shape_cast %get3A_221 : vector<1x16xf32> to vector<16xf32>
        %exp3A_223 = math.exp %get3A_222 : vector<16xf32>
        %mul3A_224 = arith.mulf %exp3A_223, %get3A_222 : vector<16xf32>
        %add3A_225 = arith.addf %add3A_197, %mul3A_224 : vector<16xf32>
        %get3A_226 = arith.index_cast %scan3A_71 : i32 to index
        %get3A_227 = arith.constant 336 : index
        %get3A_228 = tpu.vector_load %arg5[%get3A_226, %get3A_227] {strides = array<i32>} : memref<16x1000xf32, #tpu.memory_space<vmem>>, vector<1x16xf32>,
        %get3A_229 = vector.shape_cast %get3A_228 : vector<1x16xf32> to vector<16xf32>
        %exp3A_230 = math.exp %get3A_229 : vector<16xf32>
        %mul3A_231 = arith.mulf %exp3A_230, %get3A_229 : vector<16xf32>
        %add3A_232 = arith.addf %add3A_204, %mul3A_231 : vector<16xf32>
        %get3A_233 = arith.index_cast %scan3A_71 : i32 to index
        %get3A_234 = arith.constant 352 : index
        %get3A_235 = tpu.vector_load %arg5[%get3A_233, %get3A_234] {strides = array<i32>} : memref<16x1000xf32, #tpu.memory_space<vmem>>, vector<1x16xf32>,
        %get3A_236 = vector.shape_cast %get3A_235 : vector<1x16xf32> to vector<16xf32>
        %exp3A_237 = math.exp %get3A_236 : vector<16xf32>
        %mul3A_238 = arith.mulf %exp3A_237, %get3A_236 : vector<16xf32>
        %add3A_239 = arith.addf %add3A_211, %mul3A_238 : vector<16xf32>
        %get3A_240 = arith.index_cast %scan3A_71 : i32 to index
        %get3A_241 = arith.constant 368 : index
        %get3A_242 = tpu.vector_load %arg5[%get3A_240, %get3A_241] {strides = array<i32>} : memref<16x1000xf32, #tpu.memory_space<vmem>>, vector<1x16xf32>,
        %get3A_243 = vector.shape_cast %get3A_242 : vector<1x16xf32> to vector<16xf32>
        %exp3A_244 = math.exp %get3A_243 : vector<16xf32>
        %mul3A_245 = arith.mulf %exp3A_244, %get3A_243 : vector<16xf32>
        %add3A_246 = arith.addf %add3A_218, %mul3A_245 : vector<16xf32>
        %get3A_247 = arith.index_cast %scan3A_71 : i32 to index
        %get3A_248 = arith.constant 384 : index
        %get3A_249 = tpu.vector_load %arg5[%get3A_247, %get3A_248] {strides = array<i32>} : memref<16x1000xf32, #tpu.memory_space<vmem>>, vector<1x16xf32>,
        %get3A_250 = vector.shape_cast %get3A_249 : vector<1x16xf32> to vector<16xf32>
        %exp3A_251 = math.exp %get3A_250 : vector<16xf32>
        %mul3A_252 = arith.mulf %exp3A_251, %get3A_250 : vector<16xf32>
        %add3A_253 = arith.addf %add3A_225, %mul3A_252 : vector<16xf32>
        %get3A_254 = arith.index_cast %scan3A_71 : i32 to index
        %get3A_255 = arith.constant 400 : index
        %get3A_256 = tpu.vector_load %arg5[%get3A_254, %get3A_255] {strides = array<i32>} : memref<16x1000xf32, #tpu.memory_space<vmem>>, vector<1x16xf32>,
        %get3A_257 = vector.shape_cast %get3A_256 : vector<1x16xf32> to vector<16xf32>
        %exp3A_258 = math.exp %get3A_257 : vector<16xf32>
        %mul3A_259 = arith.mulf %exp3A_258, %get3A_257 : vector<16xf32>
        %add3A_260 = arith.addf %add3A_232, %mul3A_259 : vector<16xf32>
        %get3A_261 = arith.index_cast %scan3A_71 : i32 to index
        %get3A_262 = arith.constant 416 : index
        %get3A_263 = tpu.vector_load %arg5[%get3A_261, %get3A_262] {strides = array<i32>} : memref<16x1000xf32, #tpu.memory_space<vmem>>, vector<1x16xf32>,
        %get3A_264 = vector.shape_cast %get3A_263 : vector<1x16xf32> to vector<16xf32>
        %exp3A_265 = math.exp %get3A_264 : vector<16xf32>
        %mul3A_266 = arith.mulf %exp3A_265, %get3A_264 : vector<16xf32>
        %add3A_267 = arith.addf %add3A_239, %mul3A_266 : vector<16xf32>
        %get3A_268 = arith.index_cast %scan3A_71 : i32 to index
        %get3A_269 = arith.constant 432 : index
        %get3A_270 = tpu.vector_load %arg5[%get3A_268, %get3A_269] {strides = array<i32>} : memref<16x1000xf32, #tpu.memory_space<vmem>>, vector<1x16xf32>,
        %get3A_271 = vector.shape_cast %get3A_270 : vector<1x16xf32> to vector<16xf32>
        %exp3A_272 = math.exp %get3A_271 : vector<16xf32>
        %mul3A_273 = arith.mulf %exp3A_272, %get3A_271 : vector<16xf32>
        %add3A_274 = arith.addf %add3A_246, %mul3A_273 : vector<16xf32>
        %get3A_275 = arith.index_cast %scan3A_71 : i32 to index
        %get3A_276 = arith.constant 448 : index
        %get3A_277 = tpu.vector_load %arg5[%get3A_275, %get3A_276] {strides = array<i32>} : memref<16x1000xf32, #tpu.memory_space<vmem>>, vector<1x16xf32>,
        %get3A_278 = vector.shape_cast %get3A_277 : vector<1x16xf32> to vector<16xf32>
        %exp3A_279 = math.exp %get3A_278 : vector<16xf32>
        %mul3A_280 = arith.mulf %exp3A_279, %get3A_278 : vector<16xf32>
        %add3A_281 = arith.addf %add3A_253, %mul3A_280 : vector<16xf32>
        %get3A_282 = arith.index_cast %scan3A_71 : i32 to index
        %get3A_283 = arith.constant 464 : index
        %get3A_284 = tpu.vector_load %arg5[%get3A_282, %get3A_283] {strides = array<i32>} : memref<16x1000xf32, #tpu.memory_space<vmem>>, vector<1x16xf32>,
        %get3A_285 = vector.shape_cast %get3A_284 : vector<1x16xf32> to vector<16xf32>
        %exp3A_286 = math.exp %get3A_285 : vector<16xf32>
        %mul3A_287 = arith.mulf %exp3A_286, %get3A_285 : vector<16xf32>
        %add3A_288 = arith.addf %add3A_260, %mul3A_287 : vector<16xf32>
        %get3A_289 = arith.index_cast %scan3A_71 : i32 to index
        %get3A_290 = arith.constant 480 : index
        %get3A_291 = tpu.vector_load %arg5[%get3A_289, %get3A_290] {strides = array<i32>} : memref<16x1000xf32, #tpu.memory_space<vmem>>, vector<1x16xf32>,
        %get3A_292 = vector.shape_cast %get3A_291 : vector<1x16xf32> to vector<16xf32>
        %exp3A_293 = math.exp %get3A_292 : vector<16xf32>
        %mul3A_294 = arith.mulf %exp3A_293, %get3A_292 : vector<16xf32>
        %add3A_295 = arith.addf %add3A_267, %mul3A_294 : vector<16xf32>
        %get3A_296 = arith.index_cast %scan3A_71 : i32 to index
        %get3A_297 = arith.constant 496 : index
        %get3A_298 = tpu.vector_load %arg5[%get3A_296, %get3A_297] {strides = array<i32>} : memref<16x1000xf32, #tpu.memory_space<vmem>>, vector<1x16xf32>,
        %get3A_299 = vector.shape_cast %get3A_298 : vector<1x16xf32> to vector<16xf32>
        %exp3A_300 = math.exp %get3A_299 : vector<16xf32>
        %mul3A_301 = arith.mulf %exp3A_300, %get3A_299 : vector<16xf32>
        %add3A_302 = arith.addf %add3A_274, %mul3A_301 : vector<16xf32>
        %get3A_303 = arith.index_cast %scan3A_71 : i32 to index
        %get3A_304 = arith.constant 512 : index
        %get3A_305 = tpu.vector_load %arg5[%get3A_303, %get3A_304] {strides = array<i32>} : memref<16x1000xf32, #tpu.memory_space<vmem>>, vector<1x16xf32>,
        %get3A_306 = vector.shape_cast %get3A_305 : vector<1x16xf32> to vector<16xf32>
        %exp3A_307 = math.exp %get3A_306 : vector<16xf32>
        %mul3A_308 = arith.mulf %exp3A_307, %get3A_306 : vector<16xf32>
        %add3A_309 = arith.addf %add3A_281, %mul3A_308 : vector<16xf32>
        %get3A_310 = arith.index_cast %scan3A_71 : i32 to index
        %get3A_311 = arith.constant 528 : index
        %get3A_312 = tpu.vector_load %arg5[%get3A_310, %get3A_311] {strides = array<i32>} : memref<16x1000xf32, #tpu.memory_space<vmem>>, vector<1x16xf32>,
        %get3A_313 = vector.shape_cast %get3A_312 : vector<1x16xf32> to vector<16xf32>
        %exp3A_314 = math.exp %get3A_313 : vector<16xf32>
        %mul3A_315 = arith.mulf %exp3A_314, %get3A_313 : vector<16xf32>
        %add3A_316 = arith.addf %add3A_288, %mul3A_315 : vector<16xf32>
        %get3A_317 = arith.index_cast %scan3A_71 : i32 to index
        %get3A_318 = arith.constant 544 : index
        %get3A_319 = tpu.vector_load %arg5[%get3A_317, %get3A_318] {strides = array<i32>} : memref<16x1000xf32, #tpu.memory_space<vmem>>, vector<1x16xf32>,
        %get3A_320 = vector.shape_cast %get3A_319 : vector<1x16xf32> to vector<16xf32>
        %exp3A_321 = math.exp %get3A_320 : vector<16xf32>
        %mul3A_322 = arith.mulf %exp3A_321, %get3A_320 : vector<16xf32>
        %add3A_323 = arith.addf %add3A_295, %mul3A_322 : vector<16xf32>
        %get3A_324 = arith.index_cast %scan3A_71 : i32 to index
        %get3A_325 = arith.constant 560 : index
        %get3A_326 = tpu.vector_load %arg5[%get3A_324, %get3A_325] {strides = array<i32>} : memref<16x1000xf32, #tpu.memory_space<vmem>>, vector<1x16xf32>,
        %get3A_327 = vector.shape_cast %get3A_326 : vector<1x16xf32> to vector<16xf32>
        %exp3A_328 = math.exp %get3A_327 : vector<16xf32>
        %mul3A_329 = arith.mulf %exp3A_328, %get3A_327 : vector<16xf32>
        %add3A_330 = arith.addf %add3A_302, %mul3A_329 : vector<16xf32>
        %get3A_331 = arith.index_cast %scan3A_71 : i32 to index
        %get3A_332 = arith.constant 576 : index
        %get3A_333 = tpu.vector_load %arg5[%get3A_331, %get3A_332] {strides = array<i32>} : memref<16x1000xf32, #tpu.memory_space<vmem>>, vector<1x16xf32>,
        %get3A_334 = vector.shape_cast %get3A_333 : vector<1x16xf32> to vector<16xf32>
        %exp3A_335 = math.exp %get3A_334 : vector<16xf32>
        %mul3A_336 = arith.mulf %exp3A_335, %get3A_334 : vector<16xf32>
        %add3A_337 = arith.addf %add3A_309, %mul3A_336 : vector<16xf32>
        %get3A_338 = arith.index_cast %scan3A_71 : i32 to index
        %get3A_339 = arith.constant 592 : index
        %get3A_340 = tpu.vector_load %arg5[%get3A_338, %get3A_339] {strides = array<i32>} : memref<16x1000xf32, #tpu.memory_space<vmem>>, vector<1x16xf32>,
        %get3A_341 = vector.shape_cast %get3A_340 : vector<1x16xf32> to vector<16xf32>
        %exp3A_342 = math.exp %get3A_341 : vector<16xf32>
        %mul3A_343 = arith.mulf %exp3A_342, %get3A_341 : vector<16xf32>
        %add3A_344 = arith.addf %add3A_316, %mul3A_343 : vector<16xf32>
        %get3A_345 = arith.index_cast %scan3A_71 : i32 to index
        %get3A_346 = arith.constant 608 : index
        %get3A_347 = tpu.vector_load %arg5[%get3A_345, %get3A_346] {strides = array<i32>} : memref<16x1000xf32, #tpu.memory_space<vmem>>, vector<1x16xf32>,
        %get3A_348 = vector.shape_cast %get3A_347 : vector<1x16xf32> to vector<16xf32>
        %exp3A_349 = math.exp %get3A_348 : vector<16xf32>
        %mul3A_350 = arith.mulf %exp3A_349, %get3A_348 : vector<16xf32>
        %add3A_351 = arith.addf %add3A_323, %mul3A_350 : vector<16xf32>
        %get3A_352 = arith.index_cast %scan3A_71 : i32 to index
        %get3A_353 = arith.constant 624 : index
        %get3A_354 = tpu.vector_load %arg5[%get3A_352, %get3A_353] {strides = array<i32>} : memref<16x1000xf32, #tpu.memory_space<vmem>>, vector<1x16xf32>,
        %get3A_355 = vector.shape_cast %get3A_354 : vector<1x16xf32> to vector<16xf32>
        %exp3A_356 = math.exp %get3A_355 : vector<16xf32>
        %mul3A_357 = arith.mulf %exp3A_356, %get3A_355 : vector<16xf32>
        %add3A_358 = arith.addf %add3A_330, %mul3A_357 : vector<16xf32>
        %get3A_359 = arith.index_cast %scan3A_71 : i32 to index
        %get3A_360 = arith.constant 640 : index
        %get3A_361 = tpu.vector_load %arg5[%get3A_359, %get3A_360] {strides = array<i32>} : memref<16x1000xf32, #tpu.memory_space<vmem>>, vector<1x16xf32>,
        %get3A_362 = vector.shape_cast %get3A_361 : vector<1x16xf32> to vector<16xf32>
        %exp3A_363 = math.exp %get3A_362 : vector<16xf32>
        %mul3A_364 = arith.mulf %exp3A_363, %get3A_362 : vector<16xf32>
        %add3A_365 = arith.addf %add3A_337, %mul3A_364 : vector<16xf32>
        %get3A_366 = arith.index_cast %scan3A_71 : i32 to index
        %get3A_367 = arith.constant 656 : index
        %get3A_368 = tpu.vector_load %arg5[%get3A_366, %get3A_367] {strides = array<i32>} : memref<16x1000xf32, #tpu.memory_space<vmem>>, vector<1x16xf32>,
        %get3A_369 = vector.shape_cast %get3A_368 : vector<1x16xf32> to vector<16xf32>
        %exp3A_370 = math.exp %get3A_369 : vector<16xf32>
        %mul3A_371 = arith.mulf %exp3A_370, %get3A_369 : vector<16xf32>
        %add3A_372 = arith.addf %add3A_344, %mul3A_371 : vector<16xf32>
        %get3A_373 = arith.index_cast %scan3A_71 : i32 to index
        %get3A_374 = arith.constant 672 : index
        %get3A_375 = tpu.vector_load %arg5[%get3A_373, %get3A_374] {strides = array<i32>} : memref<16x1000xf32, #tpu.memory_space<vmem>>, vector<1x16xf32>,
        %get3A_376 = vector.shape_cast %get3A_375 : vector<1x16xf32> to vector<16xf32>
        %exp3A_377 = math.exp %get3A_376 : vector<16xf32>
        %mul3A_378 = arith.mulf %exp3A_377, %get3A_376 : vector<16xf32>
        %add3A_379 = arith.addf %add3A_351, %mul3A_378 : vector<16xf32>
        %get3A_380 = arith.index_cast %scan3A_71 : i32 to index
        %get3A_381 = arith.constant 688 : index
        %get3A_382 = tpu.vector_load %arg5[%get3A_380, %get3A_381] {strides = array<i32>} : memref<16x1000xf32, #tpu.memory_space<vmem>>, vector<1x16xf32>,
        %get3A_383 = vector.shape_cast %get3A_382 : vector<1x16xf32> to vector<16xf32>
        %exp3A_384 = math.exp %get3A_383 : vector<16xf32>
        %mul3A_385 = arith.mulf %exp3A_384, %get3A_383 : vector<16xf32>
        %add3A_386 = arith.addf %add3A_358, %mul3A_385 : vector<16xf32>
        %get3A_387 = arith.index_cast %scan3A_71 : i32 to index
        %get3A_388 = arith.constant 704 : index
        %get3A_389 = tpu.vector_load %arg5[%get3A_387, %get3A_388] {strides = array<i32>} : memref<16x1000xf32, #tpu.memory_space<vmem>>, vector<1x16xf32>,
        %get3A_390 = vector.shape_cast %get3A_389 : vector<1x16xf32> to vector<16xf32>
        %exp3A_391 = math.exp %get3A_390 : vector<16xf32>
        %mul3A_392 = arith.mulf %exp3A_391, %get3A_390 : vector<16xf32>
        %add3A_393 = arith.addf %add3A_365, %mul3A_392 : vector<16xf32>
        %get3A_394 = arith.index_cast %scan3A_71 : i32 to index
        %get3A_395 = arith.constant 720 : index
        %get3A_396 = tpu.vector_load %arg5[%get3A_394, %get3A_395] {strides = array<i32>} : memref<16x1000xf32, #tpu.memory_space<vmem>>, vector<1x16xf32>,
        %get3A_397 = vector.shape_cast %get3A_396 : vector<1x16xf32> to vector<16xf32>
        %exp3A_398 = math.exp %get3A_397 : vector<16xf32>
        %mul3A_399 = arith.mulf %exp3A_398, %get3A_397 : vector<16xf32>
        %add3A_400 = arith.addf %add3A_372, %mul3A_399 : vector<16xf32>
        %get3A_401 = arith.index_cast %scan3A_71 : i32 to index
        %get3A_402 = arith.constant 736 : index
        %get3A_403 = tpu.vector_load %arg5[%get3A_401, %get3A_402] {strides = array<i32>} : memref<16x1000xf32, #tpu.memory_space<vmem>>, vector<1x16xf32>,
        %get3A_404 = vector.shape_cast %get3A_403 : vector<1x16xf32> to vector<16xf32>
        %exp3A_405 = math.exp %get3A_404 : vector<16xf32>
        %mul3A_406 = arith.mulf %exp3A_405, %get3A_404 : vector<16xf32>
        %add3A_407 = arith.addf %add3A_379, %mul3A_406 : vector<16xf32>
        %get3A_408 = arith.index_cast %scan3A_71 : i32 to index
        %get3A_409 = arith.constant 752 : index
        %get3A_410 = tpu.vector_load %arg5[%get3A_408, %get3A_409] {strides = array<i32>} : memref<16x1000xf32, #tpu.memory_space<vmem>>, vector<1x16xf32>,
        %get3A_411 = vector.shape_cast %get3A_410 : vector<1x16xf32> to vector<16xf32>
        %exp3A_412 = math.exp %get3A_411 : vector<16xf32>
        %mul3A_413 = arith.mulf %exp3A_412, %get3A_411 : vector<16xf32>
        %add3A_414 = arith.addf %add3A_386, %mul3A_413 : vector<16xf32>
        %get3A_415 = arith.index_cast %scan3A_71 : i32 to index
        %get3A_416 = arith.constant 768 : index
        %get3A_417 = tpu.vector_load %arg5[%get3A_415, %get3A_416] {strides = array<i32>} : memref<16x1000xf32, #tpu.memory_space<vmem>>, vector<1x16xf32>,
        %get3A_418 = vector.shape_cast %get3A_417 : vector<1x16xf32> to vector<16xf32>
        %exp3A_419 = math.exp %get3A_418 : vector<16xf32>
        %mul3A_420 = arith.mulf %exp3A_419, %get3A_418 : vector<16xf32>
        %add3A_421 = arith.addf %add3A_393, %mul3A_420 : vector<16xf32>
        %get3A_422 = arith.index_cast %scan3A_71 : i32 to index
        %get3A_423 = arith.constant 784 : index
        %get3A_424 = tpu.vector_load %arg5[%get3A_422, %get3A_423] {strides = array<i32>} : memref<16x1000xf32, #tpu.memory_space<vmem>>, vector<1x16xf32>,
        %get3A_425 = vector.shape_cast %get3A_424 : vector<1x16xf32> to vector<16xf32>
        %exp3A_426 = math.exp %get3A_425 : vector<16xf32>
        %mul3A_427 = arith.mulf %exp3A_426, %get3A_425 : vector<16xf32>
        %add3A_428 = arith.addf %add3A_400, %mul3A_427 : vector<16xf32>
        %get3A_429 = arith.index_cast %scan3A_71 : i32 to index
        %get3A_430 = arith.constant 800 : index
        %get3A_431 = tpu.vector_load %arg5[%get3A_429, %get3A_430] {strides = array<i32>} : memref<16x1000xf32, #tpu.memory_space<vmem>>, vector<1x16xf32>,
        %get3A_432 = vector.shape_cast %get3A_431 : vector<1x16xf32> to vector<16xf32>
        %exp3A_433 = math.exp %get3A_432 : vector<16xf32>
        %mul3A_434 = arith.mulf %exp3A_433, %get3A_432 : vector<16xf32>
        %add3A_435 = arith.addf %add3A_407, %mul3A_434 : vector<16xf32>
        %get3A_436 = arith.index_cast %scan3A_71 : i32 to index
        %get3A_437 = arith.constant 816 : index
        %get3A_438 = tpu.vector_load %arg5[%get3A_436, %get3A_437] {strides = array<i32>} : memref<16x1000xf32, #tpu.memory_space<vmem>>, vector<1x16xf32>,
        %get3A_439 = vector.shape_cast %get3A_438 : vector<1x16xf32> to vector<16xf32>
        %exp3A_440 = math.exp %get3A_439 : vector<16xf32>
        %mul3A_441 = arith.mulf %exp3A_440, %get3A_439 : vector<16xf32>
        %add3A_442 = arith.addf %add3A_414, %mul3A_441 : vector<16xf32>
        %get3A_443 = arith.index_cast %scan3A_71 : i32 to index
        %get3A_444 = arith.constant 832 : index
        %get3A_445 = tpu.vector_load %arg5[%get3A_443, %get3A_444] {strides = array<i32>} : memref<16x1000xf32, #tpu.memory_space<vmem>>, vector<1x16xf32>,
        %get3A_446 = vector.shape_cast %get3A_445 : vector<1x16xf32> to vector<16xf32>
        %exp3A_447 = math.exp %get3A_446 : vector<16xf32>
        %mul3A_448 = arith.mulf %exp3A_447, %get3A_446 : vector<16xf32>
        %add3A_449 = arith.addf %add3A_421, %mul3A_448 : vector<16xf32>
        %get3A_450 = arith.index_cast %scan3A_71 : i32 to index
        %get3A_451 = arith.constant 848 : index
        %get3A_452 = tpu.vector_load %arg5[%get3A_450, %get3A_451] {strides = array<i32>} : memref<16x1000xf32, #tpu.memory_space<vmem>>, vector<1x16xf32>,
        %get3A_453 = vector.shape_cast %get3A_452 : vector<1x16xf32> to vector<16xf32>
        %exp3A_454 = math.exp %get3A_453 : vector<16xf32>
        %mul3A_455 = arith.mulf %exp3A_454, %get3A_453 : vector<16xf32>
        %add3A_456 = arith.addf %add3A_428, %mul3A_455 : vector<16xf32>
        %get3A_457 = arith.index_cast %scan3A_71 : i32 to index
        %get3A_458 = arith.constant 864 : index
        %get3A_459 = tpu.vector_load %arg5[%get3A_457, %get3A_458] {strides = array<i32>} : memref<16x1000xf32, #tpu.memory_space<vmem>>, vector<1x16xf32>,
        %get3A_460 = vector.shape_cast %get3A_459 : vector<1x16xf32> to vector<16xf32>
        %exp3A_461 = math.exp %get3A_460 : vector<16xf32>
        %mul3A_462 = arith.mulf %exp3A_461, %get3A_460 : vector<16xf32>
        %add3A_463 = arith.addf %add3A_435, %mul3A_462 : vector<16xf32>
        %get3A_464 = arith.index_cast %scan3A_71 : i32 to index
        %get3A_465 = arith.constant 880 : index
        %get3A_466 = tpu.vector_load %arg5[%get3A_464, %get3A_465] {strides = array<i32>} : memref<16x1000xf32, #tpu.memory_space<vmem>>, vector<1x16xf32>,
        %get3A_467 = vector.shape_cast %get3A_466 : vector<1x16xf32> to vector<16xf32>
        %exp3A_468 = math.exp %get3A_467 : vector<16xf32>
        %mul3A_469 = arith.mulf %exp3A_468, %get3A_467 : vector<16xf32>
        %add3A_470 = arith.addf %add3A_442, %mul3A_469 : vector<16xf32>
        %get3A_471 = arith.index_cast %scan3A_71 : i32 to index
        %get3A_472 = arith.constant 896 : index
        %get3A_473 = tpu.vector_load %arg5[%get3A_471, %get3A_472] {strides = array<i32>} : memref<16x1000xf32, #tpu.memory_space<vmem>>, vector<1x16xf32>,
        %get3A_474 = vector.shape_cast %get3A_473 : vector<1x16xf32> to vector<16xf32>
        %exp3A_475 = math.exp %get3A_474 : vector<16xf32>
        %mul3A_476 = arith.mulf %exp3A_475, %get3A_474 : vector<16xf32>
        %add3A_477 = arith.addf %add3A_449, %mul3A_476 : vector<16xf32>
        %get3A_478 = arith.index_cast %scan3A_71 : i32 to index
        %get3A_479 = arith.constant 912 : index
        %get3A_480 = tpu.vector_load %arg5[%get3A_478, %get3A_479] {strides = array<i32>} : memref<16x1000xf32, #tpu.memory_space<vmem>>, vector<1x16xf32>,
        %get3A_481 = vector.shape_cast %get3A_480 : vector<1x16xf32> to vector<16xf32>
        %exp3A_482 = math.exp %get3A_481 : vector<16xf32>
        %mul3A_483 = arith.mulf %exp3A_482, %get3A_481 : vector<16xf32>
        %add3A_484 = arith.addf %add3A_456, %mul3A_483 : vector<16xf32>
        %get3A_485 = arith.index_cast %scan3A_71 : i32 to index
        %get3A_486 = arith.constant 928 : index
        %get3A_487 = tpu.vector_load %arg5[%get3A_485, %get3A_486] {strides = array<i32>} : memref<16x1000xf32, #tpu.memory_space<vmem>>, vector<1x16xf32>,
        %get3A_488 = vector.shape_cast %get3A_487 : vector<1x16xf32> to vector<16xf32>
        %exp3A_489 = math.exp %get3A_488 : vector<16xf32>
        %mul3A_490 = arith.mulf %exp3A_489, %get3A_488 : vector<16xf32>
        %add3A_491 = arith.addf %add3A_463, %mul3A_490 : vector<16xf32>
        %get3A_492 = arith.index_cast %scan3A_71 : i32 to index
        %get3A_493 = arith.constant 944 : index
        %get3A_494 = tpu.vector_load %arg5[%get3A_492, %get3A_493] {strides = array<i32>} : memref<16x1000xf32, #tpu.memory_space<vmem>>, vector<1x16xf32>,
        %get3A_495 = vector.shape_cast %get3A_494 : vector<1x16xf32> to vector<16xf32>
        %exp3A_496 = math.exp %get3A_495 : vector<16xf32>
        %mul3A_497 = arith.mulf %exp3A_496, %get3A_495 : vector<16xf32>
        %add3A_498 = arith.addf %add3A_470, %mul3A_497 : vector<16xf32>
        %get3A_499 = arith.index_cast %scan3A_71 : i32 to index
        %get3A_500 = arith.constant 960 : index
        %get3A_501 = tpu.vector_load %arg5[%get3A_499, %get3A_500] {strides = array<i32>} : memref<16x1000xf32, #tpu.memory_space<vmem>>, vector<1x16xf32>,
        %get3A_502 = vector.shape_cast %get3A_501 : vector<1x16xf32> to vector<16xf32>
        %exp3A_503 = math.exp %get3A_502 : vector<16xf32>
        %mul3A_504 = arith.mulf %exp3A_503, %get3A_502 : vector<16xf32>
        %add3A_505 = arith.addf %add3A_477, %mul3A_504 : vector<16xf32>
        %get3A_506 = arith.index_cast %scan3A_71 : i32 to index
        %get3A_507 = arith.constant 976 : index
        %get3A_508 = tpu.vector_load %arg5[%get3A_506, %get3A_507] {strides = array<i32>} : memref<16x1000xf32, #tpu.memory_space<vmem>>, vector<1x16xf32>,
        %get3A_509 = vector.shape_cast %get3A_508 : vector<1x16xf32> to vector<16xf32>
        %exp3A_510 = math.exp %get3A_509 : vector<16xf32>
        %mul3A_511 = arith.mulf %exp3A_510, %get3A_509 : vector<16xf32>
        %add3A_512 = arith.addf %add3A_484, %mul3A_511 : vector<16xf32>
        %get3A_513 = arith.index_cast %scan3A_71 : i32 to index
        %get3A_514 = arith.constant 984 : index
        %get3A_515 = tpu.vector_load %arg5[%get3A_513, %get3A_514] {strides = array<i32>} : memref<16x1000xf32, #tpu.memory_space<vmem>>, vector<1x16xf32>,
        %get3A_516 = vector.shape_cast %get3A_515 : vector<1x16xf32> to vector<16xf32>
        %exp3A_517 = math.exp %get3A_516 : vector<16xf32>
        %mul3A_518 = arith.mulf %exp3A_517, %get3A_516 : vector<16xf32>
        %broadcast_in_dim3A_519 = arith.constant 0.000000e+00 : f32
        %broadcast_in_dim3A_520 = vector.broadcast %broadcast_in_dim3A_519 : f32 to vector<16xf32>
        %select_n3A = arith.select %ge3A_4, %mul3A_518, %broadcast_in_dim3A_520 : vector<16xi1>, vector<16xf32>
        %add3A_521 = arith.addf %add3A_505, %add3A_512 : vector<16xf32>
        %add3A_522 = arith.addf %add3A_491, %add3A_498 : vector<16xf32>
        %add3A_523 = arith.addf %add3A_521, %add3A_522 : vector<16xf32>
        %add3A_524 = arith.addf %add3A_523, %select_n3A : vector<16xf32>
        %xor3A = arith.constant 8 : i32
        %xor3A_525 = vector.broadcast %xor3A : i32 to vector<16xi32>
        %xor3A_526 = arith.xori %iota3A_5, %xor3A_525 : vector<16xi32>
        %lt3A_527 = arith.constant 0 : i32
        %lt3A_528 = vector.broadcast %lt3A_527 : i32 to vector<16xi32>
        %lt3A_529 = arith.cmpi slt, %xor3A_526, %lt3A_528 : vector<16xi32>
        %add3A_530 = arith.constant 16 : i32
        %add3A_531 = vector.broadcast %add3A_530 : i32 to vector<16xi32>
        %add3A_532 = arith.addi %xor3A_526, %add3A_531 : vector<16xi32>
        %select_n3A_533 = arith.select %lt3A_529, %add3A_532, %xor3A_526 : vector<16xi1>, vector<16xi32>
        %broadcast_in_dim3A_534 = vector.shape_cast %select_n3A_533 : vector<16xi32> to vector<16x1xi32>
        %gather3A = vector.shape_cast %broadcast_in_dim3A_534 : vector<16x1xi32> to vector<16xi32>
        %gather3A_535 = tpu.dynamic_gather %add3A_524[%gather3A] in [0] : vector<16xf32>, vector<16xi32> -> vector<16xf32>
        %add3A_536 = arith.addf %add3A_524, %gather3A_535 : vector<16xf32>
        %xor3A_537 = arith.constant 4 : i32
        %xor3A_538 = vector.broadcast %xor3A_537 : i32 to vector<16xi32>
        %xor3A_539 = arith.xori %iota3A_5, %xor3A_538 : vector<16xi32>
        %lt3A_540 = arith.constant 0 : i32
        %lt3A_541 = vector.broadcast %lt3A_540 : i32 to vector<16xi32>
        %lt3A_542 = arith.cmpi slt, %xor3A_539, %lt3A_541 : vector<16xi32>
        %add3A_543 = arith.constant 16 : i32
        %add3A_544 = vector.broadcast %add3A_543 : i32 to vector<16xi32>
        %add3A_545 = arith.addi %xor3A_539, %add3A_544 : vector<16xi32>
        %select_n3A_546 = arith.select %lt3A_542, %add3A_545, %xor3A_539 : vector<16xi1>, vector<16xi32>
        %broadcast_in_dim3A_547 = vector.shape_cast %select_n3A_546 : vector<16xi32> to vector<16x1xi32>
        %gather3A_548 = vector.shape_cast %broadcast_in_dim3A_547 : vector<16x1xi32> to vector<16xi32>
        %gather3A_549 = tpu.dynamic_gather %add3A_536[%gather3A_548] in [0] : vector<16xf32>, vector<16xi32> -> vector<16xf32>
        %add3A_550 = arith.addf %add3A_536, %gather3A_549 : vector<16xf32>
        %xor3A_551 = arith.constant 2 : i32
        %xor3A_552 = vector.broadcast %xor3A_551 : i32 to vector<16xi32>
        %xor3A_553 = arith.xori %iota3A_5, %xor3A_552 : vector<16xi32>
        %lt3A_554 = arith.constant 0 : i32
        %lt3A_555 = vector.broadcast %lt3A_554 : i32 to vector<16xi32>
        %lt3A_556 = arith.cmpi slt, %xor3A_553, %lt3A_555 : vector<16xi32>
        %add3A_557 = arith.constant 16 : i32
        %add3A_558 = vector.broadcast %add3A_557 : i32 to vector<16xi32>
        %add3A_559 = arith.addi %xor3A_553, %add3A_558 : vector<16xi32>
        %select_n3A_560 = arith.select %lt3A_556, %add3A_559, %xor3A_553 : vector<16xi1>, vector<16xi32>
        %broadcast_in_dim3A_561 = vector.shape_cast %select_n3A_560 : vector<16xi32> to vector<16x1xi32>
        %gather3A_562 = vector.shape_cast %broadcast_in_dim3A_561 : vector<16x1xi32> to vector<16xi32>
        %gather3A_563 = tpu.dynamic_gather %add3A_550[%gather3A_562] in [0] : vector<16xf32>, vector<16xi32> -> vector<16xf32>
        %add3A_564 = arith.addf %add3A_550, %gather3A_563 : vector<16xf32>
        %xor3A_565 = arith.constant 1 : i32
        %xor3A_566 = vector.broadcast %xor3A_565 : i32 to vector<16xi32>
        %xor3A_567 = arith.xori %iota3A_5, %xor3A_566 : vector<16xi32>
        %lt3A_568 = arith.constant 0 : i32
        %lt3A_569 = vector.broadcast %lt3A_568 : i32 to vector<16xi32>
        %lt3A_570 = arith.cmpi slt, %xor3A_567, %lt3A_569 : vector<16xi32>
        %add3A_571 = arith.constant 16 : i32
        %add3A_572 = vector.broadcast %add3A_571 : i32 to vector<16xi32>
        %add3A_573 = arith.addi %xor3A_567, %add3A_572 : vector<16xi32>
        %select_n3A_574 = arith.select %lt3A_570, %add3A_573, %xor3A_567 : vector<16xi1>, vector<16xi32>
        %broadcast_in_dim3A_575 = vector.shape_cast %select_n3A_574 : vector<16xi32> to vector<16x1xi32>
        %gather3A_576 = vector.shape_cast %broadcast_in_dim3A_575 : vector<16x1xi32> to vector<16xi32>
        %gather3A_577 = tpu.dynamic_gather %add3A_564[%gather3A_576] in [0] : vector<16xf32>, vector<16xi32> -> vector<16xf32>
        %add3A_578 = arith.addf %add3A_564, %gather3A_577 : vector<16xf32>
        %eq3A = vector.broadcast %scan3A_71 : i32 to vector<16xi32>
        %eq3A_579 = arith.cmpi eq, %iota3A_5, %eq3A : vector<16xi32>
        %neg3A = arith.constant 0.000000e+00 : f32
        %neg3A_580 = vector.broadcast %neg3A : f32 to vector<16xf32>
        %neg3A_581 = arith.subf %neg3A_580, %add3A_578 : vector<16xf32>
        %select_n3A_582 = arith.select %eq3A_579, %neg3A_581, %scan3A_72 : vector<16xi1>, vector<16xf32>
        scf.yield %select_n3A_582 : vector<16xf32>
      }
      %scan3A_64 = arith.constant 16 : i32
      %mul3A_65 = arith.constant 16 : i32
      %mul3A_66 = arith.muli %add3A_56, %mul3A_65 : i32
      %swap3A_67 = arith.index_cast %mul3A_66 : i32 to index
      %swap3A_68 = tpu.vector_load %arg6[%swap3A_67] {strides = array<i32>} : memref<128xf32, #tpu.memory_space<vmem>>, vector<16xf32>,
      %swap3A_69 = vector.shape_cast %swap3A_68 : vector<16xf32> to vector<16xf32>
      %swap3A_70 = vector.shape_cast %scan3A_63 : vector<16xf32> to vector<16xf32>
      tpu.vector_store %arg6[%swap3A_67], %swap3A_70 {strides = array<i32>} : memref<128xf32, #tpu.memory_space<vmem>>, vector<16xf32>,
    }
    %scan3A_15 = arith.constant 4 : i32
    "tpu.region"() ({
      %run_scoped3A = tpu.sem_alloc : memref<!tpu.dma_semaphore, #tpu.memory_space<semaphore_mem>>
      %dma_start3A_16 = tpu.memref_slice %arg3[%mul3A_2] : memref<4096xf32, #tpu.memory_space<hbm>> -> memref<128xf32, #tpu.memory_space<hbm>>
      %dma_start3A_17 = tpu.memref_slice %arg3[%mul3A_2] : memref<4096xf32, #tpu.memory_space<hbm>> -> memref<128xf32, #tpu.memory_space<hbm>>
      tpu.enqueue_dma source(%arg6 : memref<128xf32, #tpu.memory_space<vmem>>) target(%dma_start3A_17 : memref<128xf32, #tpu.memory_space<hbm>>) target_semaphore(%run_scoped3A : memref<!tpu.dma_semaphore, #tpu.memory_space<semaphore_mem>>)
      %dma_wait3A = tpu.memref_slice %arg3[%mul3A_2] : memref<4096xf32, #tpu.memory_space<hbm>> -> memref<128xf32, #tpu.memory_space<hbm>>
      %dma_wait3A_18 = tpu.memref_slice %arg3[%mul3A_2] : memref<4096xf32, #tpu.memory_space<hbm>> -> memref<128xf32, #tpu.memory_space<hbm>>
      tpu.wait_dma2 semaphore(%run_scoped3A : memref<!tpu.dma_semaphore, #tpu.memory_space<semaphore_mem>>) src(%arg6 : memref<128xf32, #tpu.memory_space<vmem>>) dst(%dma_wait3A_18 : memref<128xf32, #tpu.memory_space<hbm>>)
      tpu.yield
    }) : () -> ()
    return
  }
}

module attributes {stable_mosaic.version = 14 : i64} {
  func.func @_dist_kernel(%arg0: i32, %arg1: memref<512x64xf32, #tpu.memory_space<vmem>>, %arg2: memref<8192x64xf32, #tpu.memory_space<vmem>>, %arg3: memref<512xf32, #tpu.memory_space<vmem>>, %arg4: memref<8192x80xbf16, #tpu.memory_space<vmem>>) attributes {dimension_semantics = [#tpu.dimension_semantics<arbitrary>], iteration_bounds = array<i64: 8>, scalar_prefetch = 0 : i64, scratch_operands = 1 : i64, tpu.core_type = #tpu.core_type<tc>, window_params = [{transform_indices = @transform_0, window_bounds = array<i64: 512, 64>}, {pipeline_mode = #tpu.pipeline_mode<synchronous>, transform_indices = @transform_1, window_bounds = array<i64: 8192, 64>}, {transform_indices = @transform_2, window_bounds = array<i64: 512>}]} {
    %eq3A = arith.constant 0 : i32
    %eq3A_0 = arith.cmpi eq, %arg0, %eq3A : i32
    %convert_element_type3A = arith.extui %eq3A_0 : i1 to i32
    %cond3A = arith.constant 0 : i32
    %cond3A_1 = arith.cmpi ne, %convert_element_type3A, %cond3A : i32
    scf.if %cond3A_1 {
      %get3A_161 = arith.constant 0 : index
      %get3A_162 = arith.constant 0 : index
      %get3A_163 = vector.load %arg2[%get3A_161, %get3A_162] : memref<8192x64xf32, #tpu.memory_space<vmem>>, vector<8192x64xf32>
      %mul3A_164 = arith.mulf %get3A_163, %get3A_163 : vector<8192x64xf32>
      %reduce_sum3A_165 = arith.constant dense<0.000000e+00> : vector<8192xf32>
      %reduce_sum3A_166 = vector.multi_reduction <add>, %mul3A_164, %reduce_sum3A_165 [1] : vector<8192x64xf32> to vector<8192xf32>
      %broadcast_in_dim3A_167 = vector.shape_cast %reduce_sum3A_166 : vector<8192xf32> to vector<8192x1xf32>
      %mul3A_168 = arith.constant -5.000000e-01 : f32
      %mul3A_169 = vector.broadcast %mul3A_168 : f32 to vector<8192x1xf32>
      %mul3A_170 = arith.mulf %mul3A_169, %broadcast_in_dim3A_167 : vector<8192x1xf32>
      %convert_element_type3A_171 = arith.truncf %mul3A_170 : vector<8192x1xf32> to vector<8192x1xbf16>
      %convert_element_type3A_172 = arith.extf %convert_element_type3A_171 : vector<8192x1xbf16> to vector<8192x1xf32>
      %sub3A_173 = arith.subf %mul3A_170, %convert_element_type3A_172 : vector<8192x1xf32>
      %convert_element_type3A_174 = arith.truncf %sub3A_173 : vector<8192x1xf32> to vector<8192x1xbf16>
      %broadcast_in_dim3A_175 = arith.constant 0.000000e+00 : bf16
      %broadcast_in_dim3A_176 = vector.broadcast %broadcast_in_dim3A_175 : bf16 to vector<8192x14xbf16>
      %convert_element_type3A_177 = arith.truncf %get3A_163 : vector<8192x64xf32> to vector<8192x64xbf16>
      %concatenate3A_178 = tpu.concatenate %convert_element_type3A_177, %convert_element_type3A_171, %convert_element_type3A_174, %broadcast_in_dim3A_176 in 1 : vector<8192x64xbf16>, vector<8192x1xbf16>, vector<8192x1xbf16>, vector<8192x14xbf16> -> vector<8192x80xbf16>
      %swap3A_179 = arith.constant 0 : index
      %swap3A_180 = arith.constant 0 : index
      %swap3A_181 = vector.load %arg4[%swap3A_179, %swap3A_180] : memref<8192x80xbf16, #tpu.memory_space<vmem>>, vector<8192x80xbf16>
      tpu.vector_store %arg4[%swap3A_179, %swap3A_180], %concatenate3A_178 {strides = array<i32>} : memref<8192x80xbf16, #tpu.memory_space<vmem>>, vector<8192x80xbf16>,
    } else {
    }
    %get3A = arith.constant 0 : index
    %get3A_2 = arith.constant 0 : index
    %get3A_3 = vector.load %arg1[%get3A, %get3A_2] : memref<512x64xf32, #tpu.memory_space<vmem>>, vector<512x64xf32>
    %mul3A = arith.mulf %get3A_3, %get3A_3 : vector<512x64xf32>
    %reduce_sum3A = arith.constant dense<0.000000e+00> : vector<512xf32>
    %reduce_sum3A_4 = vector.multi_reduction <add>, %mul3A, %reduce_sum3A [1] : vector<512x64xf32> to vector<512xf32>
    %convert_element_type3A_5 = arith.truncf %get3A_3 : vector<512x64xf32> to vector<512x64xbf16>
    %broadcast_in_dim3A = arith.constant 1.000000e+00 : bf16
    %broadcast_in_dim3A_6 = vector.broadcast %broadcast_in_dim3A : bf16 to vector<512x2xbf16>
    %broadcast_in_dim3A_7 = arith.constant 0.000000e+00 : bf16
    %broadcast_in_dim3A_8 = vector.broadcast %broadcast_in_dim3A_7 : bf16 to vector<512x14xbf16>
    %concatenate3A = tpu.concatenate %convert_element_type3A_5, %broadcast_in_dim3A_6, %broadcast_in_dim3A_8 in 1 : vector<512x64xbf16>, vector<512x2xbf16>, vector<512x14xbf16> -> vector<512x80xbf16>
    %broadcast_in_dim3A_9 = arith.constant 0xFF800000 : f32
    %broadcast_in_dim3A_10 = vector.broadcast %broadcast_in_dim3A_9 : f32 to vector<512x128xf32>
    %get3A_11 = arith.constant 0 : index
    %get3A_12 = arith.constant 0 : index
    %get3A_13 = vector.load %arg4[%get3A_11, %get3A_12] : memref<8192x80xbf16, #tpu.memory_space<vmem>>, vector<2048x80xbf16>
    %dot_general3A = arith.constant dense<0.000000e+00> : vector<512x2048xf32>
    %dot_general3A_14 = tpu.matmul %concatenate3A, %get3A_13, %dot_general3A {dimension_numbers = #tpu.dot_dimension_numbers<[1], [1], [0], [0], [0, 0, 1, 0], [], []>, transpose_lhs_hint = false} : vector<512x80xbf16>, vector<2048x80xbf16>, vector<512x2048xf32> -> vector<512x2048xf32>
    %slice3A = vector.extract_strided_slice %dot_general3A_14 {offsets = [0, 0], sizes = [512, 128], strides = [1, 1]} : vector<512x2048xf32> to vector<512x128xf32>
    %slice3A_15 = vector.extract_strided_slice %dot_general3A_14 {offsets = [0, 128], sizes = [512, 128], strides = [1, 1]} : vector<512x2048xf32> to vector<512x128xf32>
    %max3A = arith.maximumf %slice3A, %slice3A_15 : vector<512x128xf32>
    %slice3A_16 = vector.extract_strided_slice %dot_general3A_14 {offsets = [0, 256], sizes = [512, 128], strides = [1, 1]} : vector<512x2048xf32> to vector<512x128xf32>
    %slice3A_17 = vector.extract_strided_slice %dot_general3A_14 {offsets = [0, 384], sizes = [512, 128], strides = [1, 1]} : vector<512x2048xf32> to vector<512x128xf32>
    %max3A_18 = arith.maximumf %slice3A_16, %slice3A_17 : vector<512x128xf32>
    %slice3A_19 = vector.extract_strided_slice %dot_general3A_14 {offsets = [0, 512], sizes = [512, 128], strides = [1, 1]} : vector<512x2048xf32> to vector<512x128xf32>
    %slice3A_20 = vector.extract_strided_slice %dot_general3A_14 {offsets = [0, 640], sizes = [512, 128], strides = [1, 1]} : vector<512x2048xf32> to vector<512x128xf32>
    %max3A_21 = arith.maximumf %slice3A_19, %slice3A_20 : vector<512x128xf32>
    %slice3A_22 = vector.extract_strided_slice %dot_general3A_14 {offsets = [0, 768], sizes = [512, 128], strides = [1, 1]} : vector<512x2048xf32> to vector<512x128xf32>
    %slice3A_23 = vector.extract_strided_slice %dot_general3A_14 {offsets = [0, 896], sizes = [512, 128], strides = [1, 1]} : vector<512x2048xf32> to vector<512x128xf32>
    %max3A_24 = arith.maximumf %slice3A_22, %slice3A_23 : vector<512x128xf32>
    %slice3A_25 = vector.extract_strided_slice %dot_general3A_14 {offsets = [0, 1024], sizes = [512, 128], strides = [1, 1]} : vector<512x2048xf32> to vector<512x128xf32>
    %slice3A_26 = vector.extract_strided_slice %dot_general3A_14 {offsets = [0, 1152], sizes = [512, 128], strides = [1, 1]} : vector<512x2048xf32> to vector<512x128xf32>
    %max3A_27 = arith.maximumf %slice3A_25, %slice3A_26 : vector<512x128xf32>
    %slice3A_28 = vector.extract_strided_slice %dot_general3A_14 {offsets = [0, 1280], sizes = [512, 128], strides = [1, 1]} : vector<512x2048xf32> to vector<512x128xf32>
    %slice3A_29 = vector.extract_strided_slice %dot_general3A_14 {offsets = [0, 1408], sizes = [512, 128], strides = [1, 1]} : vector<512x2048xf32> to vector<512x128xf32>
    %max3A_30 = arith.maximumf %slice3A_28, %slice3A_29 : vector<512x128xf32>
    %slice3A_31 = vector.extract_strided_slice %dot_general3A_14 {offsets = [0, 1536], sizes = [512, 128], strides = [1, 1]} : vector<512x2048xf32> to vector<512x128xf32>
    %slice3A_32 = vector.extract_strided_slice %dot_general3A_14 {offsets = [0, 1664], sizes = [512, 128], strides = [1, 1]} : vector<512x2048xf32> to vector<512x128xf32>
    %max3A_33 = arith.maximumf %slice3A_31, %slice3A_32 : vector<512x128xf32>
    %slice3A_34 = vector.extract_strided_slice %dot_general3A_14 {offsets = [0, 1792], sizes = [512, 128], strides = [1, 1]} : vector<512x2048xf32> to vector<512x128xf32>
    %slice3A_35 = vector.extract_strided_slice %dot_general3A_14 {offsets = [0, 1920], sizes = [512, 128], strides = [1, 1]} : vector<512x2048xf32> to vector<512x128xf32>
    %max3A_36 = arith.maximumf %slice3A_34, %slice3A_35 : vector<512x128xf32>
    %max3A_37 = arith.maximumf %max3A, %max3A_18 : vector<512x128xf32>
    %max3A_38 = arith.maximumf %max3A_21, %max3A_24 : vector<512x128xf32>
    %max3A_39 = arith.maximumf %max3A_27, %max3A_30 : vector<512x128xf32>
    %max3A_40 = arith.maximumf %max3A_33, %max3A_36 : vector<512x128xf32>
    %max3A_41 = arith.maximumf %max3A_37, %max3A_38 : vector<512x128xf32>
    %max3A_42 = arith.maximumf %max3A_39, %max3A_40 : vector<512x128xf32>
    %max3A_43 = arith.maximumf %max3A_41, %max3A_42 : vector<512x128xf32>
    %max3A_44 = arith.maximumf %broadcast_in_dim3A_10, %max3A_43 : vector<512x128xf32>
    %get3A_45 = arith.constant 2048 : index
    %get3A_46 = arith.constant 0 : index
    %get3A_47 = vector.load %arg4[%get3A_45, %get3A_46] : memref<8192x80xbf16, #tpu.memory_space<vmem>>, vector<2048x80xbf16>
    %dot_general3A_48 = arith.constant dense<0.000000e+00> : vector<512x2048xf32>
    %dot_general3A_49 = tpu.matmul %concatenate3A, %get3A_47, %dot_general3A_48 {dimension_numbers = #tpu.dot_dimension_numbers<[1], [1], [0], [0], [0, 0, 1, 0], [], []>, transpose_lhs_hint = false} : vector<512x80xbf16>, vector<2048x80xbf16>, vector<512x2048xf32> -> vector<512x2048xf32>
    %slice3A_50 = vector.extract_strided_slice %dot_general3A_49 {offsets = [0, 0], sizes = [512, 128], strides = [1, 1]} : vector<512x2048xf32> to vector<512x128xf32>
    %slice3A_51 = vector.extract_strided_slice %dot_general3A_49 {offsets = [0, 128], sizes = [512, 128], strides = [1, 1]} : vector<512x2048xf32> to vector<512x128xf32>
    %max3A_52 = arith.maximumf %slice3A_50, %slice3A_51 : vector<512x128xf32>
    %slice3A_53 = vector.extract_strided_slice %dot_general3A_49 {offsets = [0, 256], sizes = [512, 128], strides = [1, 1]} : vector<512x2048xf32> to vector<512x128xf32>
    %slice3A_54 = vector.extract_strided_slice %dot_general3A_49 {offsets = [0, 384], sizes = [512, 128], strides = [1, 1]} : vector<512x2048xf32> to vector<512x128xf32>
    %max3A_55 = arith.maximumf %slice3A_53, %slice3A_54 : vector<512x128xf32>
    %slice3A_56 = vector.extract_strided_slice %dot_general3A_49 {offsets = [0, 512], sizes = [512, 128], strides = [1, 1]} : vector<512x2048xf32> to vector<512x128xf32>
    %slice3A_57 = vector.extract_strided_slice %dot_general3A_49 {offsets = [0, 640], sizes = [512, 128], strides = [1, 1]} : vector<512x2048xf32> to vector<512x128xf32>
    %max3A_58 = arith.maximumf %slice3A_56, %slice3A_57 : vector<512x128xf32>
    %slice3A_59 = vector.extract_strided_slice %dot_general3A_49 {offsets = [0, 768], sizes = [512, 128], strides = [1, 1]} : vector<512x2048xf32> to vector<512x128xf32>
    %slice3A_60 = vector.extract_strided_slice %dot_general3A_49 {offsets = [0, 896], sizes = [512, 128], strides = [1, 1]} : vector<512x2048xf32> to vector<512x128xf32>
    %max3A_61 = arith.maximumf %slice3A_59, %slice3A_60 : vector<512x128xf32>
    %slice3A_62 = vector.extract_strided_slice %dot_general3A_49 {offsets = [0, 1024], sizes = [512, 128], strides = [1, 1]} : vector<512x2048xf32> to vector<512x128xf32>
    %slice3A_63 = vector.extract_strided_slice %dot_general3A_49 {offsets = [0, 1152], sizes = [512, 128], strides = [1, 1]} : vector<512x2048xf32> to vector<512x128xf32>
    %max3A_64 = arith.maximumf %slice3A_62, %slice3A_63 : vector<512x128xf32>
    %slice3A_65 = vector.extract_strided_slice %dot_general3A_49 {offsets = [0, 1280], sizes = [512, 128], strides = [1, 1]} : vector<512x2048xf32> to vector<512x128xf32>
    %slice3A_66 = vector.extract_strided_slice %dot_general3A_49 {offsets = [0, 1408], sizes = [512, 128], strides = [1, 1]} : vector<512x2048xf32> to vector<512x128xf32>
    %max3A_67 = arith.maximumf %slice3A_65, %slice3A_66 : vector<512x128xf32>
    %slice3A_68 = vector.extract_strided_slice %dot_general3A_49 {offsets = [0, 1536], sizes = [512, 128], strides = [1, 1]} : vector<512x2048xf32> to vector<512x128xf32>
    %slice3A_69 = vector.extract_strided_slice %dot_general3A_49 {offsets = [0, 1664], sizes = [512, 128], strides = [1, 1]} : vector<512x2048xf32> to vector<512x128xf32>
    %max3A_70 = arith.maximumf %slice3A_68, %slice3A_69 : vector<512x128xf32>
    %slice3A_71 = vector.extract_strided_slice %dot_general3A_49 {offsets = [0, 1792], sizes = [512, 128], strides = [1, 1]} : vector<512x2048xf32> to vector<512x128xf32>
    %slice3A_72 = vector.extract_strided_slice %dot_general3A_49 {offsets = [0, 1920], sizes = [512, 128], strides = [1, 1]} : vector<512x2048xf32> to vector<512x128xf32>
    %max3A_73 = arith.maximumf %slice3A_71, %slice3A_72 : vector<512x128xf32>
    %max3A_74 = arith.maximumf %max3A_52, %max3A_55 : vector<512x128xf32>
    %max3A_75 = arith.maximumf %max3A_58, %max3A_61 : vector<512x128xf32>
    %max3A_76 = arith.maximumf %max3A_64, %max3A_67 : vector<512x128xf32>
    %max3A_77 = arith.maximumf %max3A_70, %max3A_73 : vector<512x128xf32>
    %max3A_78 = arith.maximumf %max3A_74, %max3A_75 : vector<512x128xf32>
    %max3A_79 = arith.maximumf %max3A_76, %max3A_77 : vector<512x128xf32>
    %max3A_80 = arith.maximumf %max3A_78, %max3A_79 : vector<512x128xf32>
    %max3A_81 = arith.maximumf %max3A_44, %max3A_80 : vector<512x128xf32>
    %get3A_82 = arith.constant 4096 : index
    %get3A_83 = arith.constant 0 : index
    %get3A_84 = vector.load %arg4[%get3A_82, %get3A_83] : memref<8192x80xbf16, #tpu.memory_space<vmem>>, vector<2048x80xbf16>
    %dot_general3A_85 = arith.constant dense<0.000000e+00> : vector<512x2048xf32>
    %dot_general3A_86 = tpu.matmul %concatenate3A, %get3A_84, %dot_general3A_85 {dimension_numbers = #tpu.dot_dimension_numbers<[1], [1], [0], [0], [0, 0, 1, 0], [], []>, transpose_lhs_hint = false} : vector<512x80xbf16>, vector<2048x80xbf16>, vector<512x2048xf32> -> vector<512x2048xf32>
    %slice3A_87 = vector.extract_strided_slice %dot_general3A_86 {offsets = [0, 0], sizes = [512, 128], strides = [1, 1]} : vector<512x2048xf32> to vector<512x128xf32>
    %slice3A_88 = vector.extract_strided_slice %dot_general3A_86 {offsets = [0, 128], sizes = [512, 128], strides = [1, 1]} : vector<512x2048xf32> to vector<512x128xf32>
    %max3A_89 = arith.maximumf %slice3A_87, %slice3A_88 : vector<512x128xf32>
    %slice3A_90 = vector.extract_strided_slice %dot_general3A_86 {offsets = [0, 256], sizes = [512, 128], strides = [1, 1]} : vector<512x2048xf32> to vector<512x128xf32>
    %slice3A_91 = vector.extract_strided_slice %dot_general3A_86 {offsets = [0, 384], sizes = [512, 128], strides = [1, 1]} : vector<512x2048xf32> to vector<512x128xf32>
    %max3A_92 = arith.maximumf %slice3A_90, %slice3A_91 : vector<512x128xf32>
    %slice3A_93 = vector.extract_strided_slice %dot_general3A_86 {offsets = [0, 512], sizes = [512, 128], strides = [1, 1]} : vector<512x2048xf32> to vector<512x128xf32>
    %slice3A_94 = vector.extract_strided_slice %dot_general3A_86 {offsets = [0, 640], sizes = [512, 128], strides = [1, 1]} : vector<512x2048xf32> to vector<512x128xf32>
    %max3A_95 = arith.maximumf %slice3A_93, %slice3A_94 : vector<512x128xf32>
    %slice3A_96 = vector.extract_strided_slice %dot_general3A_86 {offsets = [0, 768], sizes = [512, 128], strides = [1, 1]} : vector<512x2048xf32> to vector<512x128xf32>
    %slice3A_97 = vector.extract_strided_slice %dot_general3A_86 {offsets = [0, 896], sizes = [512, 128], strides = [1, 1]} : vector<512x2048xf32> to vector<512x128xf32>
    %max3A_98 = arith.maximumf %slice3A_96, %slice3A_97 : vector<512x128xf32>
    %slice3A_99 = vector.extract_strided_slice %dot_general3A_86 {offsets = [0, 1024], sizes = [512, 128], strides = [1, 1]} : vector<512x2048xf32> to vector<512x128xf32>
    %slice3A_100 = vector.extract_strided_slice %dot_general3A_86 {offsets = [0, 1152], sizes = [512, 128], strides = [1, 1]} : vector<512x2048xf32> to vector<512x128xf32>
    %max3A_101 = arith.maximumf %slice3A_99, %slice3A_100 : vector<512x128xf32>
    %slice3A_102 = vector.extract_strided_slice %dot_general3A_86 {offsets = [0, 1280], sizes = [512, 128], strides = [1, 1]} : vector<512x2048xf32> to vector<512x128xf32>
    %slice3A_103 = vector.extract_strided_slice %dot_general3A_86 {offsets = [0, 1408], sizes = [512, 128], strides = [1, 1]} : vector<512x2048xf32> to vector<512x128xf32>
    %max3A_104 = arith.maximumf %slice3A_102, %slice3A_103 : vector<512x128xf32>
    %slice3A_105 = vector.extract_strided_slice %dot_general3A_86 {offsets = [0, 1536], sizes = [512, 128], strides = [1, 1]} : vector<512x2048xf32> to vector<512x128xf32>
    %slice3A_106 = vector.extract_strided_slice %dot_general3A_86 {offsets = [0, 1664], sizes = [512, 128], strides = [1, 1]} : vector<512x2048xf32> to vector<512x128xf32>
    %max3A_107 = arith.maximumf %slice3A_105, %slice3A_106 : vector<512x128xf32>
    %slice3A_108 = vector.extract_strided_slice %dot_general3A_86 {offsets = [0, 1792], sizes = [512, 128], strides = [1, 1]} : vector<512x2048xf32> to vector<512x128xf32>
    %slice3A_109 = vector.extract_strided_slice %dot_general3A_86 {offsets = [0, 1920], sizes = [512, 128], strides = [1, 1]} : vector<512x2048xf32> to vector<512x128xf32>
    %max3A_110 = arith.maximumf %slice3A_108, %slice3A_109 : vector<512x128xf32>
    %max3A_111 = arith.maximumf %max3A_89, %max3A_92 : vector<512x128xf32>
    %max3A_112 = arith.maximumf %max3A_95, %max3A_98 : vector<512x128xf32>
    %max3A_113 = arith.maximumf %max3A_101, %max3A_104 : vector<512x128xf32>
    %max3A_114 = arith.maximumf %max3A_107, %max3A_110 : vector<512x128xf32>
    %max3A_115 = arith.maximumf %max3A_111, %max3A_112 : vector<512x128xf32>
    %max3A_116 = arith.maximumf %max3A_113, %max3A_114 : vector<512x128xf32>
    %max3A_117 = arith.maximumf %max3A_115, %max3A_116 : vector<512x128xf32>
    %max3A_118 = arith.maximumf %max3A_81, %max3A_117 : vector<512x128xf32>
    %get3A_119 = arith.constant 6144 : index
    %get3A_120 = arith.constant 0 : index
    %get3A_121 = vector.load %arg4[%get3A_119, %get3A_120] : memref<8192x80xbf16, #tpu.memory_space<vmem>>, vector<2048x80xbf16>
    %dot_general3A_122 = arith.constant dense<0.000000e+00> : vector<512x2048xf32>
    %dot_general3A_123 = tpu.matmul %concatenate3A, %get3A_121, %dot_general3A_122 {dimension_numbers = #tpu.dot_dimension_numbers<[1], [1], [0], [0], [0, 0, 1, 0], [], []>, transpose_lhs_hint = false} : vector<512x80xbf16>, vector<2048x80xbf16>, vector<512x2048xf32> -> vector<512x2048xf32>
    %slice3A_124 = vector.extract_strided_slice %dot_general3A_123 {offsets = [0, 0], sizes = [512, 128], strides = [1, 1]} : vector<512x2048xf32> to vector<512x128xf32>
    %slice3A_125 = vector.extract_strided_slice %dot_general3A_123 {offsets = [0, 128], sizes = [512, 128], strides = [1, 1]} : vector<512x2048xf32> to vector<512x128xf32>
    %max3A_126 = arith.maximumf %slice3A_124, %slice3A_125 : vector<512x128xf32>
    %slice3A_127 = vector.extract_strided_slice %dot_general3A_123 {offsets = [0, 256], sizes = [512, 128], strides = [1, 1]} : vector<512x2048xf32> to vector<512x128xf32>
    %slice3A_128 = vector.extract_strided_slice %dot_general3A_123 {offsets = [0, 384], sizes = [512, 128], strides = [1, 1]} : vector<512x2048xf32> to vector<512x128xf32>
    %max3A_129 = arith.maximumf %slice3A_127, %slice3A_128 : vector<512x128xf32>
    %slice3A_130 = vector.extract_strided_slice %dot_general3A_123 {offsets = [0, 512], sizes = [512, 128], strides = [1, 1]} : vector<512x2048xf32> to vector<512x128xf32>
    %slice3A_131 = vector.extract_strided_slice %dot_general3A_123 {offsets = [0, 640], sizes = [512, 128], strides = [1, 1]} : vector<512x2048xf32> to vector<512x128xf32>
    %max3A_132 = arith.maximumf %slice3A_130, %slice3A_131 : vector<512x128xf32>
    %slice3A_133 = vector.extract_strided_slice %dot_general3A_123 {offsets = [0, 768], sizes = [512, 128], strides = [1, 1]} : vector<512x2048xf32> to vector<512x128xf32>
    %slice3A_134 = vector.extract_strided_slice %dot_general3A_123 {offsets = [0, 896], sizes = [512, 128], strides = [1, 1]} : vector<512x2048xf32> to vector<512x128xf32>
    %max3A_135 = arith.maximumf %slice3A_133, %slice3A_134 : vector<512x128xf32>
    %slice3A_136 = vector.extract_strided_slice %dot_general3A_123 {offsets = [0, 1024], sizes = [512, 128], strides = [1, 1]} : vector<512x2048xf32> to vector<512x128xf32>
    %slice3A_137 = vector.extract_strided_slice %dot_general3A_123 {offsets = [0, 1152], sizes = [512, 128], strides = [1, 1]} : vector<512x2048xf32> to vector<512x128xf32>
    %max3A_138 = arith.maximumf %slice3A_136, %slice3A_137 : vector<512x128xf32>
    %slice3A_139 = vector.extract_strided_slice %dot_general3A_123 {offsets = [0, 1280], sizes = [512, 128], strides = [1, 1]} : vector<512x2048xf32> to vector<512x128xf32>
    %slice3A_140 = vector.extract_strided_slice %dot_general3A_123 {offsets = [0, 1408], sizes = [512, 128], strides = [1, 1]} : vector<512x2048xf32> to vector<512x128xf32>
    %max3A_141 = arith.maximumf %slice3A_139, %slice3A_140 : vector<512x128xf32>
    %slice3A_142 = vector.extract_strided_slice %dot_general3A_123 {offsets = [0, 1536], sizes = [512, 128], strides = [1, 1]} : vector<512x2048xf32> to vector<512x128xf32>
    %slice3A_143 = vector.extract_strided_slice %dot_general3A_123 {offsets = [0, 1664], sizes = [512, 128], strides = [1, 1]} : vector<512x2048xf32> to vector<512x128xf32>
    %max3A_144 = arith.maximumf %slice3A_142, %slice3A_143 : vector<512x128xf32>
    %slice3A_145 = vector.extract_strided_slice %dot_general3A_123 {offsets = [0, 1792], sizes = [512, 128], strides = [1, 1]} : vector<512x2048xf32> to vector<512x128xf32>
    %slice3A_146 = vector.extract_strided_slice %dot_general3A_123 {offsets = [0, 1920], sizes = [512, 128], strides = [1, 1]} : vector<512x2048xf32> to vector<512x128xf32>
    %max3A_147 = arith.maximumf %slice3A_145, %slice3A_146 : vector<512x128xf32>
    %max3A_148 = arith.maximumf %max3A_126, %max3A_129 : vector<512x128xf32>
    %max3A_149 = arith.maximumf %max3A_132, %max3A_135 : vector<512x128xf32>
    %max3A_150 = arith.maximumf %max3A_138, %max3A_141 : vector<512x128xf32>
    %max3A_151 = arith.maximumf %max3A_144, %max3A_147 : vector<512x128xf32>
    %max3A_152 = arith.maximumf %max3A_148, %max3A_149 : vector<512x128xf32>
    %max3A_153 = arith.maximumf %max3A_150, %max3A_151 : vector<512x128xf32>
    %max3A_154 = arith.maximumf %max3A_152, %max3A_153 : vector<512x128xf32>
    %max3A_155 = arith.maximumf %max3A_118, %max3A_154 : vector<512x128xf32>
    %reduce_max3A = arith.constant dense<0xFF800000> : vector<512xf32>
    %reduce_max3A_156 = vector.multi_reduction <maximumf>, %max3A_155, %reduce_max3A [1] : vector<512x128xf32> to vector<512xf32>
    %mul3A_157 = arith.constant 2.000000e+00 : f32
    %mul3A_158 = vector.broadcast %mul3A_157 : f32 to vector<512xf32>
    %mul3A_159 = arith.mulf %mul3A_158, %reduce_max3A_156 : vector<512xf32>
    %sub3A = arith.subf %reduce_sum3A_4, %mul3A_159 : vector<512xf32>
    %swap3A = arith.constant 0 : index
    %swap3A_160 = vector.load %arg3[%swap3A] : memref<512xf32, #tpu.memory_space<vmem>>, vector<512xf32>
    tpu.vector_store %arg3[%swap3A], %sub3A {strides = array<i32>} : memref<512xf32, #tpu.memory_space<vmem>>, vector<512xf32>,
    return
  }
  func.func @transform_0(%arg0: i32) -> (i32, i32) {
    %c0_i32 = arith.constant 0 : i32
    %c0_i32_0 = arith.constant 0 : i32
    return %arg0, %c0_i32 : i32, i32
  }
  func.func @transform_1(%arg0: i32) -> (i32, i32) {
    %c0_i32 = arith.constant 0 : i32
    %c0_i32_0 = arith.constant 0 : i32
    %c0_i32_1 = arith.constant 0 : i32
    return %c0_i32, %c0_i32_0 : i32, i32
  }
  func.func @transform_2(%arg0: i32) -> i32 {
    %c0_i32 = arith.constant 0 : i32
    return %arg0 : i32
  }
}

module attributes {stable_mosaic.version = 14 : i64} {
  func.func @_finalize_kernel(%arg0: memref<4096xf32, #tpu.memory_space<vmem>>, %arg1: memref<4096xf32, #tpu.memory_space<vmem>>, %arg2: memref<1xf32, #tpu.memory_space<smem>>, %arg3: memref<4096xf32, #tpu.memory_space<vmem>>) attributes {dimension_semantics = [], scalar_prefetch = 0 : i64, scratch_operands = 0 : i64, tpu.core_type = #tpu.core_type<tc>} {
    %get3A = arith.constant 0 : index
    %get3A_0 = vector.load %arg0[%get3A] : memref<4096xf32, #tpu.memory_space<vmem>>, vector<4096xf32>
    %reduce_min3A = vector.shape_cast %get3A_0 : vector<4096xf32> to vector<1x4096xf32>
    %reduce_min3A_1 = arith.constant dense<0x7F800000> : vector<1xf32>
    %reduce_min3A_2 = vector.multi_reduction <minimumf>, %reduce_min3A, %reduce_min3A_1 [1] : vector<1x4096xf32> to vector<1xf32>
    %reduce_min3A_3 = vector.shape_cast %reduce_min3A_2 : vector<1xf32> to vector<1x1xf32>
    %reduce_min3A_4 = vector.extract %reduce_min3A_3[0, 0] : f32 from vector<1x1xf32>
    %sub3A = vector.broadcast %reduce_min3A_4 : f32 to vector<4096xf32>
    %sub3A_5 = arith.subf %get3A_0, %sub3A : vector<4096xf32>
    %reduce_max3A = vector.shape_cast %sub3A_5 : vector<4096xf32> to vector<1x4096xf32>
    %reduce_max3A_6 = arith.constant dense<0xFF800000> : vector<1xf32>
    %reduce_max3A_7 = vector.multi_reduction <maximumf>, %reduce_max3A, %reduce_max3A_6 [1] : vector<1x4096xf32> to vector<1xf32>
    %reduce_max3A_8 = vector.shape_cast %reduce_max3A_7 : vector<1xf32> to vector<1x1xf32>
    %reduce_max3A_9 = vector.extract %reduce_max3A_8[0, 0] : f32 from vector<1x1xf32>
    %add3A = arith.constant 1.000000e-18 : f32
    %add3A_10 = arith.addf %reduce_max3A_9, %add3A : f32
    %div3A = vector.broadcast %add3A_10 : f32 to vector<4096xf32>
    %div3A_11 = arith.divf %sub3A_5, %div3A : vector<4096xf32>
    %get3A_12 = arith.constant 0 : index
    %get3A_13 = vector.load %arg1[%get3A_12] : memref<4096xf32, #tpu.memory_space<vmem>>, vector<4096xf32>
    %max3A = arith.constant 0.000000e+00 : f32
    %max3A_14 = vector.broadcast %max3A : f32 to vector<4096xf32>
    %max3A_15 = arith.maximumf %get3A_13, %max3A_14 : vector<4096xf32>
    %sqrt3A = math.sqrt %max3A_15 : vector<4096xf32>
    %reduce_min3A_16 = vector.shape_cast %sqrt3A : vector<4096xf32> to vector<1x4096xf32>
    %reduce_min3A_17 = arith.constant dense<0x7F800000> : vector<1xf32>
    %reduce_min3A_18 = vector.multi_reduction <minimumf>, %reduce_min3A_16, %reduce_min3A_17 [1] : vector<1x4096xf32> to vector<1xf32>
    %reduce_min3A_19 = vector.shape_cast %reduce_min3A_18 : vector<1xf32> to vector<1x1xf32>
    %reduce_min3A_20 = vector.extract %reduce_min3A_19[0, 0] : f32 from vector<1x1xf32>
    %sub3A_21 = vector.broadcast %reduce_min3A_20 : f32 to vector<4096xf32>
    %sub3A_22 = arith.subf %sqrt3A, %sub3A_21 : vector<4096xf32>
    %reduce_max3A_23 = vector.shape_cast %sub3A_22 : vector<4096xf32> to vector<1x4096xf32>
    %reduce_max3A_24 = arith.constant dense<0xFF800000> : vector<1xf32>
    %reduce_max3A_25 = vector.multi_reduction <maximumf>, %reduce_max3A_23, %reduce_max3A_24 [1] : vector<1x4096xf32> to vector<1xf32>
    %reduce_max3A_26 = vector.shape_cast %reduce_max3A_25 : vector<1xf32> to vector<1x1xf32>
    %reduce_max3A_27 = vector.extract %reduce_max3A_26[0, 0] : f32 from vector<1x1xf32>
    %add3A_28 = arith.constant 1.000000e-18 : f32
    %add3A_29 = arith.addf %reduce_max3A_27, %add3A_28 : f32
    %div3A_30 = vector.broadcast %add3A_29 : f32 to vector<4096xf32>
    %div3A_31 = arith.divf %sub3A_22, %div3A_30 : vector<4096xf32>
    %get3A_32 = arith.constant 0 : index
    %get3A_33 = memref.load %arg2[%get3A_32] : memref<1xf32, #tpu.memory_space<smem>>
    %mul3A = vector.broadcast %get3A_33 : f32 to vector<4096xf32>
    %mul3A_34 = arith.mulf %mul3A, %div3A_11 : vector<4096xf32>
    %add3A_35 = arith.addf %mul3A_34, %div3A_31 : vector<4096xf32>
    %swap3A = arith.constant 0 : index
    %swap3A_36 = vector.load %arg3[%swap3A] : memref<4096xf32, #tpu.memory_space<vmem>>, vector<4096xf32>
    tpu.vector_store %arg3[%swap3A], %add3A_35 {strides = array<i32>} : memref<4096xf32, #tpu.memory_space<vmem>>, vector<4096xf32>,
    return
  }
}

</mosaic_0001>

<sc_bundles>
// kernel: kernel.5.cloned.1.call-start
scs
__scs_entry_jumppad:
0x0: {  	(pc) =	sbr.rel $0x88, $3  }
0x1: {  	(tag) =	ssettag $0x0;
	lr =	simm.s32 $0x1  }
0x2: {  	[smem:$0x3F9D] =	sst lr;
	_ =	strace $0xD0000000  }
0x3: {  	_ = 	snop  }
0x4: {  	_ = 	snop  }
0x5: {  	_ = 	snop  }
0x6: {  	_ = 	snop  }
0x7: {  	_ = 	snop  }
__scs_overlays_trampoline_lowered:
0x8: {  	[smem:$0x3FAC] =	sst s0  }
0x9: {  	[smem:$0x3FAD] =	sst s1  }
0xa: {  	[smem:$0x3FAE] =	sst s2  }
0xb: {  	[smem:$0x3FAF] =	sst s3  }
0xc: {  	[smem:$0x3FB0] =	sst s4  }
0xd: {  	[smem:$0x3FB1] =	sst s5  }
0xe: {  	[smem:$0x3FB2] =	sst s6  }
0xf: {  	[smem:$0x3FB3] =	sst s7  }
0x10: {  	[smem:$0x3FB4] =	sst s8  }
0x11: {  	[smem:$0x3FB5] =	sst s9;
	s0 =	simm.s32 @!p0 $0x0  }
0x12: {  	s1 =	sld [smem:$0x3F9B];
	s0 =	simm.s32 @p0 $0x1  }
0x13: {  	[smem:$0x3FB6] =	sst s0;
	s0 =	simm.s32 @!p1 $0x0  }
0x14: {  	s2 =	sld [smem:$0x3F9A];
	s0 =	simm.s32 @p1 $0x1  }
0x15: {  	[smem:$0x3FB7] =	sst s0;
	s0 =	simm.s32 @!p2 $0x0  }
0x16: {  	s3 =	sld [smem:$0x3FDB];
	s0 =	simm.s32 @p2 $0x1  }
0x17: {  	s4 =	simm.s32 $0x1BF5;
	[smem:$0x3FB9] =	sst s0  }
0x18: {  	s0 =	sld [smem:$0x3F9C];
	_ =	swait.ge [sflag:s4], $0x0  }
0x19: {  	s7 =	sld [smem:$0x3F9D]  }
0x1a: {  	s8 =	sadd.s32 $0xFFFFE003, lr  }
0x1b: {  	s9 =	sadd.s32 $0xFFFFFEF7, lr;
	s5 =	simm.s32 $0xFFFFFFFF;
	p2 =	slt.u32 s8, $0xFFFFF086  }
0x1c: {  	p1 =	slt.u32 s9, $0xF7A;
	s5 =	simm.s32 @!p2 $0x0  }
0x1d: {  	s5 =	simm.s32 @p1 $0x1;
	p0 =	seq.s32 s7, s2  }
0x1e: {  	s7 =	smul.u32 @!p0 $0xF7A, s2;
	p2 =	seq.s32 @!p0 s5, $0x0  }
0x1f: {  	s9 =	smul.u32 $0xF7A, s1;
	s8 =	simm.s32 @!p0 $0x1BF5;
	p2 =	por !p2, p0  }
0x20: {  	[sflag:s8] =	ssyncset.s32 @!p0 $0xFFFFF086;
	s6 =	sadd.s32 @!p0 s3, s7;
	s7 =	simm.s32 @!p0 $0x108  }
0x21: {  	s3 =	sadd.s32 s3, s9;
	s6 =	sadd.s32 @!p0 $0x88, s6;
	s7 =	simm.s32 @p2 $0x1082  }
0x22: {  	[simem:s7], [sflag:s8] =	dma.local @!p0 [hbm:s6], $0xF7A  }
0x23: {  	s9 =	sor.u32 $0xD0000000, s2;
	s6 =	simm.s32 $0x108;
	_ =	swait.ge @!p0 [sflag:s8], $0x0  }
0x24: {  	s3 =	sadd.s32 $0x88, s3;
	s6 =	simm.s32 @!p1 $0x1082;
	[sflag:s4] =	ssyncset.s32 $0xFFFFF086  }
0x25: {  	[simem:s6], [sflag:s4] =	dma.local [hbm:s3], $0xF7A  }
0x26: {  	[smem:$0x3F9D] =	sst s1;
	(tag) =	ssettag s2;
	_ =	strace s9  }
0x27: {  	s1 =	sld [smem:$0x3FAD]  }
0x28: {  	s2 =	sld [smem:$0x3FAE]  }
0x29: {  	s4 =	sld [smem:$0x3FB0]  }
0x2a: {  	p0 =	seq.s32 s5, $0x0;
	s5 =	sld [smem:$0x3FB1]  }
0x2b: {  	s6 =	sld [smem:$0x3FB2]  }
0x2c: {  	s7 =	sld [smem:$0x3FB3]  }
0x2d: {  	s3 =	simm.s32 $0x108;
	s8 =	sld [smem:$0x3FB4]  }
0x2e: {  	s3 =	simm.s32 @!p0 $0x1082;
	s9 =	sld [smem:$0x3FB5]  }
0x2f: {  	lr =	sadd.s32 s0, s3;
	s0 =	sld [smem:$0x3FAC]  }
0x30: {  	s3 =	sld [smem:$0x3FAF]  }
0x31: {  	[smem:$0x3FB8] =	sst s10  }
0x32: {  	s10 =	sld [smem:$0x3FB6];
	_ =	sdelay $0x3  }
0x33: {  	p0 =	seq.s32 s10, $0x1;
	s10 =	sld [smem:$0x3FB8];
	_ =	sdelay $0x3  }
0x34: {  	[smem:$0x3FB8] =	sst s10  }
0x35: {  	s10 =	sld [smem:$0x3FB7];
	_ =	sdelay $0x3  }
0x36: {  	p1 =	seq.s32 s10, $0x1;
	s10 =	sld [smem:$0x3FB8];
	_ =	sdelay $0x3  }
0x37: {  	[smem:$0x3FB8] =	sst s10  }
0x38: {  	s10 =	sld [smem:$0x3FB9]  }
0x39: {  	_ = 	snop;
	(pc) =	sbr.ind lr, $3  }
0x3a: {  	_ = 	snop  }
0x3b: {  	_ = 	snop  }
0x3c: {  	p2 =	seq.s32 s10, $0x1;
	s10 =	sld [smem:$0x3FB8]  }
0x3d: {  	_ =	shalt  }
0x3e: {  	_ =	shalt  }
0x3f: {  	_ =	shalt  }
0x40: {  	_ =	shalt  }
0x41: {  	_ =	shalt  }
0x42: {  	_ =	shalt  }
0x43: {  	_ =	shalt  }
0x44: {  	_ =	shalt  }
0x45: {  	_ =	shalt  }
0x46: {  	_ =	shalt  }
0x47: {  	_ =	shalt  }
0x48: {  	_ =	shalt  }
0x49: {  	_ =	shalt  }
0x4a: {  	_ =	shalt  }
0x4b: {  	_ =	shalt  }
0x4c: {  	_ =	shalt  }
0x4d: {  	_ =	shalt  }
0x4e: {  	_ =	shalt  }
0x4f: {  	_ =	shalt  }
0x50: {  	_ =	shalt  }
0x51: {  	_ =	shalt  }
0x52: {  	_ =	shalt  }
0x53: {  	_ =	shalt  }
0x54: {  	_ =	shalt  }
0x55: {  	_ =	shalt  }
0x56: {  	_ =	shalt  }
0x57: {  	_ =	shalt  }
0x58: {  	_ =	shalt  }
0x59: {  	_ =	shalt  }
0x5a: {  	_ =	shalt  }
0x5b: {  	_ =	shalt  }
0x5c: {  	_ =	shalt  }
0x5d: {  	_ =	shalt  }
0x5e: {  	_ =	shalt  }
0x5f: {  	_ =	shalt  }
0x60: {  	_ =	shalt  }
0x61: {  	_ =	shalt  }
0x62: {  	_ =	shalt  }
0x63: {  	_ =	shalt  }
0x64: {  	_ =	shalt  }
0x65: {  	_ =	shalt  }
0x66: {  	_ =	shalt  }
0x67: {  	_ =	shalt  }
0x68: {  	_ =	shalt  }
0x69: {  	_ =	shalt  }
0x6a: {  	_ =	shalt  }
0x6b: {  	_ =	shalt  }
0x6c: {  	_ =	shalt  }
0x6d: {  	_ =	shalt  }
0x6e: {  	_ =	shalt  }
0x6f: {  	_ =	shalt  }
0x70: {  	_ =	shalt  }
0x71: {  	_ =	shalt  }
0x72: {  	_ =	shalt  }
0x73: {  	_ =	shalt  }
0x74: {  	_ =	shalt  }
0x75: {  	_ =	shalt  }
0x76: {  	_ =	shalt  }
0x77: {  	_ =	shalt  }
0x78: {  	_ =	shalt  }
0x79: {  	_ =	shalt  }
0x7a: {  	_ =	shalt  }
0x7b: {  	_ =	shalt  }
0x7c: {  	_ =	shalt  }
0x7d: {  	_ =	shalt  }
0x7e: {  	_ =	shalt  }
0x7f: {  	_ =	shalt  }
0x80: {  	_ =	shalt  }
0x81: {  	_ =	shalt  }
0x82: {  	_ =	shalt  }
0x83: {  	_ =	shalt  }
0x84: {  	_ =	shalt  }
0x85: {  	_ =	shalt  }
0x86: {  	_ =	shalt  }
0x87: {  	_ =	shalt  }
.Lfunc_end0:
.L_simem_size_0:
called_computation_lowered:
.L_overlay_start_0:
0x88: {  	s2 =	sld [smem:$0x3FD9]  }
0x89: {  	s3 =	sld [smem:$0x3FFE];
	_ =	sdelay $0x1  }
0x8a: {  	s1 =	srdreg.scid  }
0x8b: {  	s0 =	sand.u32 $0x1, s1  }
0x8c: {  	s17 =	sshll.u32 s0, $0xA;
	s2 =	sadd.s32 s3, s2  }
0x8d: {  	s2 =	sadd.s32 s2, s17  }
0x8e: {  	[smem:$0x3FC4] =	sst s2  }
0x8f: {  	_ = 	snop  }
0x90: {  	s2 =	sld [smem:$0x3FD0];
	(tm) =	ssettm $0x1  }
0x91: {  	s18 =	sld [smem:$0x3FFB];
	_ =	sdelay $0x3  }
0x92: {  	_ =	strace s18  }
0x93: {  	s3 =	sld [smem:$0x3FFC];
	_ =	sdelay $0x3  }
0x94: {  	_ =	strace s3  }
0x95: {  	s3 =	sld [smem:$0x3FFD];
	_ =	sdelay $0x3  }
0x96: {  	_ =	strace s3  }
0x97: {  	_ =	strace $0x8FFFFFFF  }
0x98: {  	s19 =	sld [smem:$0x3FDB];
	_ =	sdelay $0x1  }
0x99: {  	s4 =	simm.s32 $_scs_section_size  }
0x9a: {  	s5 =	simm.s32 $_size__tile_overlayer_lowered;
	s6 =	simm.s32 $_tile_overlayer_lowered  }
0x9b: {  	s22 =	simm.s32 $0x1BFF;
	s21 =	sshll.u32 s6, $0x1;
	s3 =	sadd.s32 s4, s19  }
0x9c: {  	s7 =	simm.s32 $0x0;
	s20 =	sshll.u32 s5, $0x1;
	s5 =	sadd.s32 s21, s3  }
0x9d: {  	[timem:s7], [sflag:s22] =	dma.local [hbm:s5], s20  }
0x9e: {  	_ =	swait.ge [sflag:s22], s20  }
0x9f: {  	s4 =	ssub.s32 $0x0, s20;
	[sflag:s22] =	ssyncset.done $0x0  }
0xa0: {  	[sflag:s22] =	ssyncadd.s32 s4;
	_ =	sdelay $0x1  }
0xa1: {  	s23 =	simm.s32 $0x1B8B  }
0xa2: {  	_ =	swait.ge [sflag:s23], $0x1  }
0xa3: {  	[sflag:s23] =	ssyncset.done $0x0  }
0xa4: {  	s25 =	simm.s32 $0x1B8E;
	s24 =	sld [smem:$0x3FFE];
	[sflag:s23] =	ssyncadd.s32 $0xFFFFFFFF  }
0xa5: {  	s26 =	simm.s32 $execute0_lowered;
	[smem:$0x3FD2] =	sst s25  }
0xa6: {  	s5 =	sshll.u32 s26, $0x1;
	_ =	strace $0x80000046;
	[dreg:$0x1] =	wrdreg $0xFFFFFFFF  }
0xa7: {  	s28 =	simm.s32 $_size_execute0_lowered;
	s3 =	sadd.s32 s3, s5;
	[dreg:$0x0] =	wrdreg $0x0  }
0xa8: {  	s5 =	sshll.u32 s28, $0x1;
	[dreg:$0x2] =	wrdreg s3  }
0xa9: {  	[dreg:$0x3] =	wrdreg s5  }
0xaa: {  	[dreg:$0x4] =	wrdreg $0xC0  }
0xab: {  	_ =	task [dreg:s7], $0x5FFFF  }
0xac: {  	[dreg:$0x1] =	wrdreg $0xFFFFFFFF  }
0xad: {  	[dreg:$0x0] =	wrdreg $0x60  }
0xae: {  	[dreg:$0x2] =	wrdreg s24  }
0xaf: {  	[dreg:$0x3] =	wrdreg s2  }
0xb0: {  	[dreg:$0x4] =	wrdreg $0x9  }
0xb1: {  	_ =	task.clear_ibuf [dreg:s7], $0x5FFFF;
	_ =	strace $0x90000046  }
0xb2: {  	s29 =	simm.s32 $0x9;
	_ =	strace $0x80000048  }
0xb3: {  	_ =	swait.ge [sflag:s29], $0x1  }
0xb4: {  	[sflag:s29] =	ssyncadd.s32 $0xFFFFFFFF  }
0xb5: {  	_ =	strace $0x90000048  }
0xb6: {  	_ =	sfence  }
0xb7: {  	s30 =	sld [smem:$0x0];
	_ =	sdelay $0x2  }
0xb8: {  	s31 =	sshll.u32 s1, $0xD;
	s1 =	sshrl.u32 s1, $0x2  }
0xb9: {  	s3 =	sand.u32 $0x4000, s31;
	s1 =	sadd.s32 s1, s30  }
0xba: {  	s0 =	sor.u32 s3, s0;
	s1 =	sshll.u32 s1, $0x11  }
0xbb: {  	s0 =	sor.u32 s1, s0  }
0xbc: {  	s0 =	sadd.s32 $0x8F2B, s0  }
0xbd: {  	[sflag:s0] =	ssyncadd.remote.s32 $0x1  }
0xbe: {  	_ =	sfence.sel $0xFFFF  }
0xbf: {  	[dreg:$0x0] =	wrdreg $0xFFFFFFFF;
	(pc) =	sbr.abs _section_cstart, $3  }
0xc0: {  	[dreg:$0x1] =	wrdreg $0xFFFFFFFF  }
0xc1: {  	_ =	task.clear_ibuf [dreg:s7], $0x2FFFF;
	_ =	strace $0x9FFFFFFF  }
0xc2: {  	(tm) =	ssettm $0x7FFFFFFF  }
0xc3: {  	_ =	shalt  }
tec
execute0_lowered:
.L_overlay_start_1:
0x0: {  	(tag) =	ssettag $0x1  }
0x1: {  	v0 =	vimm.s32 $0xFEDCBA98;
	v1 =	vimm.s32 $0x76543210;
	v2 =	vimm.s32 $0xBA98FEDC  }
0x2: {  	v3 =	vimm.s32 $0x32107654;
	v4 =	vimm.s32 $0xDCFE98BA;
	v5 =	vimm.s32 $0x54761032  }
0x3: {  	s4 =	rddreg [dreg:$0x0];
	v6 =	vimm.s32 $0xEFCDAB89;
	v7 =	vimm.s32 $0x67452301;
	v0 =	vunpack.c.l.s4.s8 v0  }
0x4: {  	s7 =	rddreg [dreg:$0x1];
	v1 =	vunpack.c.l.s4.s8 v1;
	v2 =	vunpack.c.l.s4.s8 v2;
	v3 =	vunpack.c.l.s4.s8 v3  }
0x5: {  	s0 =	rddreg [dreg:$0x2];
	s3 =	srdreg.scid;
	v4 =	vunpack.c.l.s4.s8 v4;
	v6 =	vunpack.c.l.s4.s8 v6;
	v7 =	vunpack.c.l.s4.s8 v7  }
0x6: {  	s2 =	simm.s32 $0x0;
	s1 =	stileid.u32;
	s10 =	simm.s32 $0x1;
	v5 =	vunpack.c.l.s4.s8 v5;
	v2 =	vunpack.c.0.s8.s32 v2;
	v3 =	vunpack.c.0.s8.s32 v3  }
0x7: {  	s11 =	simm.s32 $0x2;
	s12 =	simm.s32 $0x8000;
	s13 =	simm.s32 $0x3;
	v0 =	vunpack.c.0.s8.s32 v0;
	v62 =	vunpack.c.0.s8.s32 v6;
	v63 =	vunpack.c.0.s8.s32 v7  }
0x8: {  	s14 =	simm.s32 $0x0;
	s3 =	sand.u32 $0x1, s3;
	[smem:$0x7FF] =	sst s2;
	v4 =	vunpack.c.0.s8.s32 v4;
	v5 =	vunpack.c.0.s8.s32 v5;
	v2 =	vcombine.low v3, v2  }
0x9: {  	s5 =	sshll.u32 s1, $0x8;
	s4 =	sadd.s32 $0xA00, s4;
	s6 =	sshll.u32 s3, $0x7;
	v1 =	vunpack.c.0.s8.s32 v1;
	v60 =	vcombine.low v63, v62  }
0xa: {  	_ =	strace $0x80000047;
	s8 =	ssub.s32 $0x2, s3;
	s3 =	sor.u32 s6, s5;
	v0 =	vand.u32 $0xF, v0;
	v50 =	vcombine.low v5, v4;
	[tilespmem:$0x1FFC0] =	vst v2  }
0xb: {  	s31 =	sshrl.u32 s8, $0x1;
	s6 =	sshll.u32 s3, $0x7;
	s9 =	sshrl.u32 s3, $0x3;
	v61 =	vcombine.low v0, v1;
	[tilespmem:$0x1FFE0] =	vst v60  }
0xc: {  	s8 =	ssub.s32 s8, s31;
	s5 =	sadd.s32 s4, s6;
	s7 =	sadd.s32 s7, s9;
	[tilespmem:$0x1FFF0] =	vst v50  }
0xd: {  	vm0 =	vmmov $0xff;
	s8 =	smax.u32 s8, $0x1;
	s9 =	simm.s32 $0x4000;
	s6 =	sadd.s32 $0x1000, s5;
	[tilespmem:$0x1FFD0] =	vst v61  }
.LBB2_1:
0xe: {  	[tilespmem:s2], [sflag:$0x1] =	stream.linear.gather [hbm4b:s5+s2], $0x4000, $0x38;
	[tilespmem:$0x8080] =	vst v63  }
0xf: {  	s15 =	simm.s32 $0x0  }
.LBB2_2:
0x10: {  	s17 =	sshll.u32 s15, $0x5  }
0x11: {  	s16 =	sor.u32 $0x10, s17  }
0x12: {  	s18 =	sadd.s32 s3, s16  }
0x13: {  	s18 =	sshll.u32 s18, $0x7  }
0x14: {  	s19 =	sadd.s32 s4, s18;
	s18 =	simm.s32 $0x0  }
0x15: {  	[tilespmem:s9], [sflag:$0x2] =	stream.linear.gather [hbm4b:s19+s18], $0x4000, $0x38;
	[tilespmem:$0x8080] =	vst v63  }
0x16: {  	_ =	swait.ge [sflag:s10], $0x4000  }
0x17: {  	s24 =	sand.u32 $0x2000, s18;
	s20 =	sand.u32 $0x380, s18;
	[sflag:s10] =	ssyncset.done $0x0  }
0x18: {  	s19 =	sor.u32 s20, s24;
	[sflag:s10] =	ssyncadd.s32 $0xFFFFC000  }
0x19: {  	v0 =	vld [tilespmem:s19+$0x1860]  }
0x1a: {  	v1 =	vld [tilespmem:s19+$0x1870]  }
0x1b: {  	v31 =	vld [tilespmem:s19+$0x1820]  }
0x1c: {  	v3 =	vld [tilespmem:s19+$0x1830]  }
0x1d: {  	v52 =	vld [tilespmem:s19+$0x1840]  }
0x1e: {  	v56 =	vld [tilespmem:s19+$0x1850]  }
0x1f: {  	v37 =	vld [tilespmem:s19+$0x1460];
	v62 =	vmov v0;
	v0 =	vmul.f32 $1.442695020e+00, v0  }
0x20: {  	v57 =	vld [tilespmem:s19+$0x1470]  }
0x21: {  	v4 =	vld [tilespmem:s19+$0x1800];
	[tilespmem:$0x1FC40] =	vst v1;
	v1 =	vmul.f32 $1.442695020e+00, v1;
	(erf) = vpow2.f32 v0  }
0x22: {  	v38 =	vld [tilespmem:s19+$0x1420];
	v2 =	vmul.f32 $1.442695020e+00, v31;
	v0 =	vmul.f32 $1.442695020e+00, v3  }
0x23: {  	[tilespmem:$0x1FC50] =	vst v3;
	v3 =	vld [tilespmem:s19+$0x1810];
	(erf) = vpow2.f32 v1;
	v1 =	vmul.f32 $1.442695020e+00, v52  }
0x24: {  	v58 =	vld [tilespmem:s19+$0x1430];
	(erf) = vpow2.f32 v2;
	v2 =	vmul.f32 $1.442695020e+00, v56  }
0x25: {  	v5 =	vld [tilespmem:s19+$0x1440];
	(erf) = vpow2.f32 v0;
	v0 =	vmul.f32 $1.442695020e+00, v37  }
0x26: {  	(erf) = vpow2.f32 v1;
	v1 =	vmul.f32 $1.442695020e+00, v57  }
0x27: {  	[tilespmem:$0x1FC60] =	vst v4;
	(erf) = vpow2.f32 v2;
	v2 =	vmul.f32 $1.442695020e+00, v4;
	v4 =	vld [tilespmem:s19+$0x1450]  }
0x28: {  	v6 =	vld [tilespmem:s19+$0x1070];
	(erf) = vpow2.f32 v0;
	v0 =	vmul.f32 $1.442695020e+00, v3  }
0x29: {  	[tilespmem:$0x1FC70] =	vst v3;
	v3 =	vld [tilespmem:s19+$0x1400];
	(erf) = vpow2.f32 v1;
	v1 =	vmul.f32 $1.442695020e+00, v38  }
0x2a: {  	v60 =	vld [tilespmem:s19+$0x1060];
	[tilespmem:$0x1FC80] =	vst v5;
	(erf) = vpow2.f32 v2;
	v2 =	vmul.f32 $1.442695020e+00, v58;
	v7 =	vpop (erf)  }
0x2b: {  	(erf) = vpow2.f32 v0;
	v0 =	vmul.f32 $1.442695020e+00, v5;
	[tilespmem:$0x1FC90] =	vst v7  }
0x2c: {  	v5 =	vld [tilespmem:s19+$0x1410];
	(erf) = vpow2.f32 v1;
	[tilespmem:$0x1FCA0] =	vst v4;
	v1 =	vmul.f32 $1.442695020e+00, v4;
	v4 =	vpop (erf)  }
0x2d: {  	[tilespmem:$0x1FCB0] =	vst v4;
	(erf) = vpow2.f32 v2  }
0x2e: {  	v7 =	vld [tilespmem:s19+$0x1020];
	v4 =	vpop (erf);
	[tilespmem:$0x1FCF0] =	vst v3;
	(erf) = vpow2.f32 v0;
	v0 =	vmul.f32 $1.442695020e+00, v6  }
0x2f: {  	v2 =	vmul.f32 $1.442695020e+00, v60;
	[tilespmem:$0x1FCC0] =	vst v4;
	v4 =	vpop (erf)  }
0x30: {  	[tilespmem:$0x1FCE0] =	vst v4;
	(erf) = vpow2.f32 v1;
	v1 =	vmul.f32 $1.442695020e+00, v3;
	v3 =	vpop (erf)  }
0x31: {  	v8 =	vld [tilespmem:s19+$0x1030];
	(erf) = vpow2.f32 v2;
	[tilespmem:$0x1FD10] =	vst v5;
	v2 =	vmul.f32 $1.442695020e+00, v5;
	v5 =	vpop (erf)  }
0x32: {  	v4 =	vld [tilespmem:s19+$0x1040];
	[tilespmem:$0x1FD00] =	vst v3;
	(erf) = vpow2.f32 v0;
	v0 =	vpop (erf)  }
0x33: {  	v3 =	vld [tilespmem:s19+$0x1050];
	[tilespmem:$0x1FD30] =	vst v0;
	v0 =	vmul.f32 $1.442695020e+00, v7;
	_ =	sdelay $0x1  }
0x34: {  	[tilespmem:$0x1FD20] =	vst v5;
	(erf) = vpow2.f32 v1;
	v1 =	vpop (erf)  }
0x35: {  	v9 =	vld [tilespmem:s19+$0xC60];
	(erf) = vpow2.f32 v2;
	[tilespmem:$0x1FD40] =	vst v1;
	v1 =	vmul.f32 $1.442695020e+00, v8;
	v2 =	vpop (erf)  }
0x36: {  	v10 =	vld [tilespmem:s19+$0xC70];
	[tilespmem:$0x1FD60] =	vst v2;
	v2 =	vmul.f32 $1.442695020e+00, v4;
	(erf) = vpow2.f32 v0;
	v0 =	vpop (erf)  }
0x37: {  	v5 =	vld [tilespmem:s19+$0x1000];
	[tilespmem:$0x1FD80] =	vst v0;
	v0 =	vmul.f32 $1.442695020e+00, v3  }
0x38: {  	[tilespmem:$0x1FCD0] =	vst v6  }
0x39: {  	[tilespmem:$0x1FD50] =	vst v8;
	(erf) = vpow2.f32 v1;
	v1 =	vpop (erf)  }
0x3a: {  	v6 =	vld [tilespmem:s19+$0x1010];
	(erf) = vpow2.f32 v2;
	[tilespmem:$0x1FDA0] =	vst v1;
	v1 =	vmul.f32 $1.442695020e+00, v9;
	v2 =	vpop (erf)  }
0x3b: {  	v18 =	vmov v7;
	v7 =	vld [tilespmem:s19+$0xC20];
	[tilespmem:$0x1FDB0] =	vst v2;
	v2 =	vmul.f32 $1.442695020e+00, v10;
	(erf) = vpow2.f32 v0;
	v0 =	vpop (erf)  }
0x3c: {  	v8 =	vld [tilespmem:s19+$0xC30];
	[tilespmem:$0x1FDD0] =	vst v0;
	v0 =	vmul.f32 $1.442695020e+00, v5  }
0x3d: {  	[tilespmem:$0x1FD70] =	vst v4  }
0x3e: {  	[tilespmem:$0x1FD90] =	vst v3;
	(erf) = vpow2.f32 v1;
	v1 =	vpop (erf)  }
0x3f: {  	v3 =	vld [tilespmem:s19+$0xC40];
	(erf) = vpow2.f32 v2;
	[tilespmem:$0x1FDF0] =	vst v1;
	v1 =	vmul.f32 $1.442695020e+00, v6;
	v2 =	vpop (erf)  }
0x40: {  	v4 =	vld [tilespmem:s19+$0xC50];
	[tilespmem:$0x1FE10] =	vst v2;
	v2 =	vmul.f32 $1.442695020e+00, v7;
	(erf) = vpow2.f32 v0;
	v0 =	vpop (erf)  }
0x41: {  	v20 =	vmov v9;
	v9 =	vld [tilespmem:s19+$0x860];
	[tilespmem:$0x1FE20] =	vst v0;
	v0 =	vmul.f32 $1.442695020e+00, v8  }
0x42: {  	[tilespmem:$0x1FDC0] =	vst v10  }
0x43: {  	[tilespmem:$0x1FDE0] =	vst v5;
	(erf) = vpow2.f32 v1;
	v1 =	vpop (erf)  }
0x44: {  	v10 =	vld [tilespmem:s19+$0x870];
	(erf) = vpow2.f32 v2;
	[tilespmem:$0x1FE40] =	vst v1;
	v1 =	vmul.f32 $1.442695020e+00, v3;
	v2 =	vpop (erf)  }
0x45: {  	v5 =	vld [tilespmem:s19+$0xC00];
	[tilespmem:$0x1FE60] =	vst v2;
	v2 =	vmul.f32 $1.442695020e+00, v4;
	(erf) = vpow2.f32 v0;
	v0 =	vpop (erf)  }
0x46: {  	v45 =	vmov v7;
	v7 =	vld [tilespmem:s19+$0xC10];
	[tilespmem:$0x1FE80] =	vst v0;
	v0 =	vmul.f32 $1.442695020e+00, v9  }
0x47: {  	v13 =	vld [tilespmem:s19+$0x820]  }
0x48: {  	[tilespmem:$0x1FE00] =	vst v6;
	v6 =	vld [tilespmem:s19+$0x830];
	(erf) = vpow2.f32 v1;
	v1 =	vpop (erf)  }
0x49: {  	(erf) = vpow2.f32 v2;
	[tilespmem:$0x1FEA0] =	vst v1;
	v1 =	vmul.f32 $1.442695020e+00, v10;
	v2 =	vpop (erf)  }
0x4a: {  	[tilespmem:$0x1FEC0] =	vst v2;
	v2 =	vmul.f32 $1.442695020e+00, v5;
	(erf) = vpow2.f32 v0;
	v0 =	vpop (erf)  }
0x4b: {  	(erf) = vpow2.f32 v1;
	[tilespmem:$0x1FEE0] =	vst v0;
	v0 =	vmul.f32 $1.442695020e+00, v7  }
0x4c: {  	[tilespmem:$0x1FE50] =	vst v3;
	v3 =	vld [tilespmem:s19+$0x840];
	v1 =	vmul.f32 $1.442695020e+00, v13;
	v16 =	vpop (erf);
	(erf) = vpow2.f32 v2  }
0x4d: {  	[tilespmem:$0x1FE70] =	vst v4;
	v4 =	vld [tilespmem:s19+$0x850];
	(erf) = vpow2.f32 v0;
	v0 =	vmul.f32 $1.442695020e+00, v6;
	_ =	sdelay $0x1  }
0x4e: {  	v15 =	vld [tilespmem:s19+$0x470];
	v14 =	vpop (erf)  }
0x4f: {  	v33 =	vld [tilespmem:s19+$0x460];
	(erf) = vpow2.f32 v1;
	v1 =	vpop (erf)  }
0x50: {  	v2 =	vmul.f32 $1.442695020e+00, v3;
	(erf) = vpow2.f32 v0;
	v0 =	vpop (erf)  }
0x51: {  	[tilespmem:$0x1FF20] =	vst v0;
	v0 =	vmul.f32 $1.442695020e+00, v4  }
0x52: {  	[tilespmem:$0x1FED0] =	vst v5;
	v5 =	vld [tilespmem:s19+$0x800];
	(erf) = vpow2.f32 v2  }
0x53: {  	[tilespmem:$0x1FE30] =	vst v8;
	v8 =	vld [tilespmem:s19+$0x810];
	v24 =	vpop (erf);
	(erf) = vpow2.f32 v0;
	v0 =	vmul.f32 $1.442695020e+00, v15  }
0x54: {  	v2 =	vmul.f32 $1.442695020e+00, v33  }
0x55: {  	v42 =	vld [tilespmem:s19+$0x430];
	v46 =	vpop (erf)  }
0x56: {  	v17 =	vld [tilespmem:s19+$0x420];
	[tilespmem:$0x1FF00] =	vst v1;
	v1 =	vpop (erf);
	(erf) = vpow2.f32 v2  }
0x57: {  	v2 =	vmul.f32 $1.442695020e+00, v5;
	(erf) = vpow2.f32 v0;
	v0 =	vpop (erf)  }
0x58: {  	[tilespmem:$0x1FF60] =	vst v0;
	v0 =	vmul.f32 $1.442695020e+00, v8  }
0x59: {  	[tilespmem:$0x1FEF0] =	vst v7;
	v7 =	vld [tilespmem:s19+$0x440];
	(erf) = vpow2.f32 v2  }
0x5a: {  	[tilespmem:$0x1FE90] =	vst v9;
	v9 =	vld [tilespmem:s19+$0x450];
	v47 =	vpop (erf);
	(erf) = vpow2.f32 v0;
	v0 =	vmul.f32 $1.442695020e+00, v42  }
0x5b: {  	v25 =	vld [tilespmem:s19+$0x60];
	v2 =	vmul.f32 $1.442695020e+00, v17  }
0x5c: {  	v26 =	vld [tilespmem:s19+$0x70];
	v49 =	vpop (erf)  }
0x5d: {  	v43 =	vld [tilespmem:s19+$0x400];
	[tilespmem:$0x1FF40] =	vst v1;
	v1 =	vpop (erf);
	(erf) = vpow2.f32 v2  }
0x5e: {  	v19 =	vld [tilespmem:s19+$0x410];
	v2 =	vmul.f32 $1.442695020e+00, v7;
	(erf) = vpow2.f32 v0;
	v0 =	vpop (erf)  }
0x5f: {  	v48 =	vld [tilespmem:s19+$0x20];
	[tilespmem:$0x1FF90] =	vst v0;
	v0 =	vmul.f32 $1.442695020e+00, v9  }
0x60: {  	v27 =	vld [tilespmem:s19+$0x30];
	(erf) = vpow2.f32 v2;
	v2 =	vmul.f32 $1.442695020e+00, v25;
	v29 =	vpop (erf)  }
0x61: {  	s25 =	sand.u32 $0x7, s18;
	v51 =	vld [tilespmem:s19+$0x40];
	v11 =	vpop (erf);
	(erf) = vpow2.f32 v0;
	v0 =	vmul.f32 $1.442695020e+00, v26  }
0x62: {  	s20 =	sshll.u32 s25, $0x7;
	v53 =	vld [tilespmem:s19+$0x50];
	v50 =	vpop (erf);
	(erf) = vpow2.f32 v2;
	v2 =	vmul.f32 $1.442695020e+00, v43  }
0x63: {  	s20 =	sadd.s32 $0x0, s20;
	v55 =	vld [tilespmem:s19+$0x0];
	v21 =	vpop (erf);
	(erf) = vpow2.f32 v0;
	v0 =	vmul.f32 $1.442695020e+00, v19  }
0x64: {  	s21 =	sor.u32 $0x1C60, s20;
	v30 =	vld [tilespmem:s19+$0x10];
	v32 =	vpop (erf);
	(erf) = vpow2.f32 v2;
	v2 =	vmul.f32 $1.442695020e+00, v48  }
0x65: {  	s26 =	sor.u32 $0x1C20, s20;
	[tilespmem:$0x1FF80] =	vst v1;
	v1 =	vld.msk [tilespmem:s21+$0x0], $0xff;
	v34 =	vpop (erf);
	(erf) = vpow2.f32 v0;
	v0 =	vmul.f32 $1.442695020e+00, v27  }
0x66: {  	v22 =	vld [tilespmem:s26+$0x0];
	v54 =	vpop (erf);
	(erf) = vpow2.f32 v2;
	v2 =	vmul.f32 $1.442695020e+00, v51  }
0x67: {  	s28 =	sor.u32 $0x1C30, s20;
	v28 =	vpop (erf);
	(erf) = vpow2.f32 v0;
	v0 =	vmul.f32 $1.442695020e+00, v53  }
0x68: {  	s29 =	sor.u32 $0x1C40, s20;
	v23 =	vld [tilespmem:s28+$0x0];
	[tilespmem:$0x1FF10] =	vst v3;
	v36 =	vpop (erf);
	(erf) = vpow2.f32 v2;
	v2 =	vmul.f32 $1.442695020e+00, v55  }
0x69: {  	s30 =	sor.u32 $0x1C50, s20;
	[tilespmem:$0x1FF30] =	vst v4;
	v3 =	vld [tilespmem:s29+$0x0];
	v4 =	vmul.f32 $1.442695020e+00, v30;
	v40 =	vpop (erf);
	(erf) = vpow2.f32 v0  }
0x6a: {  	v0 =	vld [tilespmem:s30+$0x0];
	v35 =	vpop (erf);
	(erf) = vpow2.f32 v2;
	v2 =	vmul.f32 $1.442695020e+00, v1  }
0x6b: {  	[tilespmem:$0x1FEB0] =	vst v10;
	v59 =	vpop (erf);
	(erf) = vpow2.f32 v4;
	v4 =	vmul.f32 $1.442695020e+00, v22  }
0x6c: {  	[tilespmem:$0x1FF70] =	vst v8;
	v10 =	vpop (erf)  }
0x6d: {  	s31 =	sor.u32 $0x1C00, s20;
	[tilespmem:$0x1FF50] =	vst v5;
	(erf) = vpow2.f32 v2;
	v2 =	vmul.f32 $1.442695020e+00, v23;
	v8 =	vpop (erf)  }
0x6e: {  	s22 =	simm.s32 $0x0;
	s23 =	sor.u32 $0x1C10, s20;
	v39 =	vld [tilespmem:s31+$0x0];
	v12 =	vmul.f32 $1.442695020e+00, v3;
	[tilespmem:$0x1FFA0] =	vst v1;
	v1 =	vimm.f32 $0.0e+00;
	(erf) = vpow2.f32 v4;
	v44 =	vpop (erf)  }
0x6f: {  	s20 =	simm.s32 $0x1;
	v41 =	vld [tilespmem:s23+$0x0];
	s19 =	simm.s32 $0x0;
	s21 =	simm.s32 $0x0;
	[tilespmem:$0x1FFB0] =	vst v1;
	(erf) = vpow2.f32 v2;
	v2 =	vmul.f32 $1.442695020e+00, v0;
	v4 =	vpop (erf)  }
.LBB2_3:
0x70: {  	v1 =	vmov v57;
	v57 =	vpop (erf);
	(erf) = vpow2.f32 v12  }
0x71: {  	v63 =	vmov v58;
	v58 =	vpop (erf);
	(erf) = vpow2.f32 v2;
	v2 =	vld [tilespmem:$0x1FC90];
	_ =	sdelay $0x4  }
0x72: {  	v2 =	vmul.f32 v2, v62;
	_ =	sdelay $0x1  }
0x73: {  	[tilespmem:$0x1FBF0] =	vst v2;
	v2 =	vld [tilespmem:$0x1FCC0];
	_ =	sdelay $0x2  }
0x74: {  	v5 =	vmov v37;
	v37 =	vmul.f32 $1.442695020e+00, v39  }
0x75: {  	v12 =	vmul.f32 $1.442695020e+00, v41  }
0x76: {  	v61 =	vpop (erf);
	(erf) = vpow2.f32 v37;
	v2 =	vmul.f32 v2, v31  }
0x77: {  	v62 =	vpop (erf);
	(erf) = vpow2.f32 v12;
	v12 =	vld [tilespmem:$0x1FCB0]  }
0x78: {  	[tilespmem:$0x1FBB0] =	vst v2;
	v2 =	vld [tilespmem:$0x1FC40];
	_ =	sdelay $0x4  }
0x79: {  	v12 =	vmul.f32 v12, v2  }
0x7a: {  	v31 =	vld [tilespmem:$0x1FCE0]  }
0x7b: {  	[tilespmem:$0x1FC00] =	vst v12;
	v12 =	vld [tilespmem:$0x1FC50];
	_ =	sdelay $0x4  }
0x7c: {  	v12 =	vmul.f32 v31, v12  }
0x7d: {  	v31 =	vld [tilespmem:$0x1FD30]  }
0x7e: {  	[tilespmem:$0x1FBC0] =	vst v12;
	v12 =	vld [tilespmem:$0x1FD00];
	_ =	sdelay $0x4  }
0x7f: {  	v37 =	vmul.f32 v31, v5;
	v5 =	vld [tilespmem:$0x1FD20];
	v12 =	vmul.f32 v12, v52;
	_ =	sdelay $0x2  }
0x80: {  	v2 =	vmov v38;
	v38 =	vpop (erf)  }
0x81: {  	[tilespmem:$0x1FBD0] =	vst v12;
	v12 =	vmov v60;
	v60 =	vpop (erf)  }
0x82: {  	v31 =	vmul.f32 v5, v56;
	v5 =	vpop (erf)  }
0x83: {  	[tilespmem:$0x1FC30] =	vst v5;
	v5 =	vld [tilespmem:$0x1FDA0];
	_ =	sdelay $0x4  }
0x84: {  	v56 =	vmul.f32 v5, v2;
	v2 =	vld [tilespmem:$0x1FD40];
	_ =	sdelay $0x4  }
0x85: {  	v2 =	vmul.f32 v2, v1;
	v1 =	vld [tilespmem:$0x1FE10];
	_ =	sdelay $0x2  }
0x86: {  	v6 =	vmul.f32 v11, v6;
	v30 =	vmul.f32 v60, v30  }
0x87: {  	v10 =	vmul.f32 v10, v25;
	v25 =	vmul.f32 v57, v48  }
0x88: {  	v48 =	vmul.f32 v62, v53;
	v30 =	vadd.f32 $0.0e+00, v30;
	v5 =	vmul.f32 v1, v12;
	v1 =	vld [tilespmem:$0x1FDB0]  }
0x89: {  	v11 =	vmul.f32 v36, v17;
	v27 =	vmul.f32 v58, v27  }
0x8a: {  	v17 =	vmul.f32 v40, v42;
	v4 =	vmul.f32 v4, v19;
	v30 =	vadd.f32 v48, v30  }
0x8b: {  	v8 =	vmul.f32 v8, v26;
	v25 =	vadd.f32 $0.0e+00, v25;
	v27 =	vadd.f32 $0.0e+00, v27  }
0x8c: {  	v9 =	vmul.f32 v59, v9;
	v26 =	vmul.f32 v38, v55;
	v4 =	vadd.f32 v4, v30  }
0x8d: {  	v10 =	vadd.f32 v10, v25;
	v8 =	vadd.f32 v8, v27;
	[tilespmem:$0x1FBE0] =	vst v31;
	v31 =	vmul.f32 v1, v63;
	v1 =	vld [tilespmem:$0x1FE80]  }
0x8e: {  	v58 =	vmul.f32 v61, v51;
	v26 =	vadd.f32 $0.0e+00, v26;
	v4 =	vadd.f32 v9, v4;
	v9 =	vld [tilespmem:$0x1FF70]  }
0x8f: {  	v15 =	vmul.f32 v34, v15;
	v10 =	vadd.f32 v11, v10;
	v11 =	vld [tilespmem:$0x1FF50]  }
0x90: {  	v62 =	vmul.f32 v44, v43;
	v8 =	vadd.f32 v17, v8;
	v26 =	vadd.f32 v58, v26  }
0x91: {  	v7 =	vmul.f32 v35, v7;
	v63 =	vld [tilespmem:$0x1FE20]  }
0x92: {  	v8 =	vadd.f32 v15, v8;
	v19 =	vadd.f32 v62, v26;
	v18 =	vmul.f32 v1, v18;
	v1 =	vld [tilespmem:$0x1FCD0]  }
0x93: {  	v9 =	vmul.f32 v28, v9  }
0x94: {  	v11 =	vmul.f32 v54, v11;
	v6 =	vadd.f32 v6, v8;
	v8 =	vld [tilespmem:$0x1FED0];
	v7 =	vadd.f32 v7, v19  }
0x95: {  	v52 =	vpop (erf);
	v4 =	vadd.f32 v9, v4;
	v9 =	vld [tilespmem:$0x1FF30]  }
0x96: {  	v7 =	vadd.f32 v11, v7;
	v11 =	vld [tilespmem:$0x1FF80];
	v12 =	vpop (erf)  }
0x97: {  	v15 =	vld [tilespmem:$0x1FF10];
	v63 =	vmul.f32 v63, v1;
	v1 =	vpop (erf)  }
0x98: {  	[tilespmem:$0x1FC10] =	vst v1;
	v1 =	vmul.f32 v16, v20;
	v16 =	vld [tilespmem:$0x1FD50]  }
0x99: {  	v20 =	vld [tilespmem:$0x1FEA0]  }
0x9a: {  	v9 =	vmul.f32 v21, v9  }
0x9b: {  	v8 =	vmul.f32 v11, v8;
	v11 =	vld [tilespmem:$0x1FF90]  }
0x9c: {  	v32 =	vmul.f32 v32, v33;
	v4 =	vadd.f32 v9, v4;
	v9 =	vld [tilespmem:$0x1FEF0]  }
0x9d: {  	v15 =	vmul.f32 v50, v15  }
0x9e: {  	v13 =	vmul.f32 v29, v13;
	v10 =	vadd.f32 v32, v10;
	v20 =	vmul.f32 v20, v16;
	v16 =	vpop (erf)  }
0x9f: {  	v7 =	vadd.f32 v15, v7;
	[tilespmem:$0x1FC20] =	vst v16;
	v16 =	vld [tilespmem:$0x1FDC0]  }
0xa0: {  	v10 =	vadd.f32 v13, v10;
	v13 =	vld [tilespmem:$0x1FF40]  }
0xa1: {  	v7 =	vadd.f32 v8, v7;
	v8 =	vld [tilespmem:$0x1FE70];
	v9 =	vmul.f32 v11, v9  }
0xa2: {  	v11 =	vld [tilespmem:$0x1FE50]  }
0xa3: {  	v4 =	vadd.f32 v9, v4;
	v9 =	vld [tilespmem:$0x1FF60]  }
0xa4: {  	v24 =	vmul.f32 v24, v45;
	v45 =	vmul.f32 v14, v16;
	v14 =	vld [tilespmem:$0x1FE90];
	_ =	sdelay $0x2  }
0xa5: {  	v11 =	vmul.f32 v13, v11  }
0xa6: {  	v8 =	vmul.f32 v9, v8  }
0xa7: {  	v7 =	vadd.f32 v11, v7;
	v11 =	vld [tilespmem:$0x1FF20];
	v47 =	vmul.f32 v47, v14  }
0xa8: {  	v4 =	vadd.f32 v8, v4;
	v8 =	vld [tilespmem:$0x1FE00]  }
0xa9: {  	v10 =	vadd.f32 v47, v10  }
0xaa: {  	v13 =	vld [tilespmem:$0x1FF00]  }
0xab: {  	v9 =	vadd.f32 v24, v10;
	v10 =	vld [tilespmem:$0x1FDE0];
	_ =	sdelay $0x1  }
0xac: {  	v29 =	vld [tilespmem:$0x1FEB0];
	v8 =	vmul.f32 v11, v8  }
0xad: {  	v11 =	vld [tilespmem:$0x1FEC0]  }
0xae: {  	v4 =	vadd.f32 v8, v4;
	v8 =	vld [tilespmem:$0x1FD90]  }
0xaf: {  	v14 =	vld [tilespmem:$0x1FE30];
	v10 =	vmul.f32 v13, v10  }
0xb0: {  	v1 =	vadd.f32 v1, v9;
	v9 =	vld [tilespmem:$0x1FD70]  }
0xb1: {  	v7 =	vadd.f32 v10, v7;
	v10 =	vld [tilespmem:$0x1FEE0]  }
0xb2: {  	v29 =	vmul.f32 v49, v29;
	_ =	sdelay $0x1  }
0xb3: {  	v6 =	vadd.f32 v29, v6;
	v46 =	vmul.f32 v46, v14  }
0xb4: {  	v9 =	vmul.f32 v11, v9  }
0xb5: {  	v6 =	vadd.f32 v46, v6;
	v8 =	vmul.f32 v10, v8  }
0xb6: {  	v7 =	vadd.f32 v9, v7;
	v9 =	vld [tilespmem:$0x1FE60]  }
0xb7: {  	v6 =	vadd.f32 v45, v6;
	v4 =	vadd.f32 v8, v4;
	v8 =	vld [tilespmem:$0x1FD10];
	_ =	sdelay $0x1  }
0xb8: {  	v1 =	vadd.f32 v18, v1;
	v6 =	vadd.f32 v20, v6;
	_ =	sdelay $0x1  }
0xb9: {  	v1 =	vadd.f32 v5, v1;
	v5 =	vadd.f32 v63, v6;
	v6 =	vld [tilespmem:$0x1FC80]  }
0xba: {  	v8 =	vmul.f32 v9, v8;
	v9 =	vld [tilespmem:$0x1FDD0]  }
0xbb: {  	v11 =	vld [tilespmem:$0x1FE40]  }
0xbc: {  	v10 =	vld [tilespmem:$0x1FCF0];
	_ =	sdelay $0x1  }
0xbd: {  	v4 =	vadd.f32 v8, v4;
	v8 =	vld [tilespmem:$0x1FCA0]  }
0xbe: {  	v6 =	vmul.f32 v9, v6;
	v9 =	vld [tilespmem:$0x1FDF0];
	_ =	sdelay $0x1  }
0xbf: {  	v10 =	vmul.f32 v11, v10;
	_ =	sdelay $0x1  }
0xc0: {  	v7 =	vadd.f32 v10, v7  }
0xc1: {  	v8 =	vmul.f32 v9, v8  }
0xc2: {  	v6 =	vadd.f32 v6, v7;
	v7 =	vld [tilespmem:$0x1FC70]  }
0xc3: {  	v4 =	vadd.f32 v8, v4;
	v8 =	vld [tilespmem:$0x1FD80];
	_ =	sdelay $0x3  }
0xc4: {  	v13 =	vld [tilespmem:$0x1FBF0]  }
0xc5: {  	v7 =	vmul.f32 v8, v7;
	v8 =	vld [tilespmem:$0x1FBB0]  }
0xc6: {  	v1 =	vadd.f32 v56, v1;
	v10 =	vld [tilespmem:$0x1FD60]  }
0xc7: {  	v9 =	vld [tilespmem:$0x1FC60]  }
0xc8: {  	s18 =	sadd.s32 $0x80, s18;
	s21 =	sadd.s32 $0x400, s21;
	v1 =	vadd.f32 v37, v1  }
0xc9: {  	s23 =	sand.u32 $0x2000, s21;
	s24 =	sand.u32 $0x380, s18;
	v61 =	vld [tilespmem:$0x1FFD0]  }
0xca: {  	s23 =	sor.u32 s24, s23;
	v1 =	vadd.f32 v8, v1;
	v8 =	vld [tilespmem:$0x1FBC0]  }
0xcb: {  	v57 =	vld [tilespmem:s23+$0x1470];
	v5 =	vadd.f32 v31, v5  }
0xcc: {  	v9 =	vmul.f32 v10, v9;
	v1 =	vadd.f32 v13, v1;
	v13 =	vld [tilespmem:$0x1FC00]  }
0xcd: {  	v49 =	vld [tilespmem:$0x1FFC0];
	v2 =	vadd.f32 v2, v5  }
0xce: {  	v6 =	vadd.f32 v9, v6;
	v9 =	vld [tilespmem:$0x1FBD0]  }
0xcf: {  	v38 =	vld [tilespmem:s23+$0x1420];
	v2 =	vadd.f32 v8, v2  }
0xd0: {  	v58 =	vld [tilespmem:s23+$0x1430]  }
0xd1: {  	v2 =	vadd.f32 v13, v2;
	v13 =	vld [tilespmem:$0x1FC10]  }
0xd2: {  	v16 =	vpop (erf);
	v56 =	vld [tilespmem:s23+$0x1850]  }
0xd3: {  	v6 =	vadd.f32 v9, v6;
	v9 =	vld [tilespmem:$0x1FBE0];
	v8 =	vmul.f32 v16, v39  }
0xd4: {  	v11 =	vld [tilespmem:s23+$0x1860]  }
0xd5: {  	v4 =	vadd.f32 v7, v4;
	v7 =	vmul.f32 v12, v23;
	v6 =	vadd.f32 v8, v6;
	v8 =	vld [tilespmem:$0x1FC20]  }
0xd6: {  	v12 =	vld [tilespmem:s23+$0x1830];
	v3 =	vmul.f32 v13, v3  }
0xd7: {  	v14 =	vpop (erf);
	v5 =	vmul.f32 v52, v22;
	v2 =	vadd.f32 v7, v2;
	v7 =	vld [tilespmem:$0x1FC30]  }
0xd8: {  	v4 =	vadd.f32 v9, v4;
	v9 =	vmul.f32 v14, v41;
	v3 =	vadd.f32 v3, v6;
	v6 =	vld [tilespmem:$0x1FFA0]  }
0xd9: {  	v10 =	vld [tilespmem:s23+$0x1870];
	v1 =	vadd.f32 v5, v1  }
0xda: {  	v31 =	vld [tilespmem:s23+$0x1820];
	v5 =	vmul.f32 $1.442695020e+00, v11;
	v4 =	vadd.f32 v9, v4;
	v0 =	vmul.f32 v8, v0  }
0xdb: {  	v9 =	vld [tilespmem:s23+$0x1810]  }
0xdc: {  	v52 =	vld [tilespmem:s23+$0x1840];
	(erf) = vpow2.f32 v5;
	v5 =	vmul.f32 $1.442695020e+00, v57;
	v0 =	vadd.f32 v0, v4  }
0xdd: {  	v37 =	vld [tilespmem:s23+$0x1460];
	v1 =	vadd.f32 v2, v1;
	v2 =	vmul.f32 $1.442695020e+00, v12;
	v6 =	vmul.f32 v7, v6  }
0xde: {  	[tilespmem:$0x1FC40] =	vst v10;
	v8 =	vmul.f32 $1.442695020e+00, v56;
	v4 =	vmul.f32 $1.442695020e+00, v10;
	v10 =	vld [tilespmem:s23+$0x1800];
	v0 =	vadd.f32 v0, v3  }
0xdf: {  	v62 =	vmov v11;
	v11 =	vld [tilespmem:s23+$0x1070];
	v7 =	vmul.f32 $1.442695020e+00, v31;
	v3 =	vperm.xlane v6, v61  }
0xe0: {  	[tilespmem:$0x1FC50] =	vst v12;
	v12 =	vld [tilespmem:s23+$0x1030];
	(erf) = vpow2.f32 v4;
	v4 =	vmul.f32 $1.442695020e+00, v9;
	v0 =	vadd.f32 v0, v1  }
0xe1: {  	[tilespmem:$0x1FC70] =	vst v9;
	v9 =	vld [tilespmem:s23+$0x1410];
	v6 =	vmul.f32 $1.442695020e+00, v52;
	(erf) = vpow2.f32 v7;
	v3 =	vsel vm0, $0x0, v3  }
0xe2: {  	v1 =	vmul.f32 $1.442695020e+00, v37;
	v7 =	vld [tilespmem:s23+$0x1450];
	(erf) = vpow2.f32 v2;
	v0 =	vadd.f32 v0, v3  }
0xe3: {  	[tilespmem:$0x1FC60] =	vst v10;
	(erf) = vpow2.f32 v6;
	v3 =	vmul.f32 $1.442695020e+00, v10;
	v10 =	vld [tilespmem:s23+$0x1440]  }
0xe4: {  	(erf) = vpow2.f32 v8;
	v2 =	vperm.xlane v0, v61  }
0xe5: {  	v60 =	vld [tilespmem:s23+$0x1060];
	[tilespmem:$0x1FCD0] =	vst v11;
	(erf) = vpow2.f32 v1  }
0xe6: {  	[tilespmem:$0x1FD50] =	vst v12;
	v6 =	vmul.f32 $1.442695020e+00, v38;
	v8 =	vld [tilespmem:s23+$0x1400];
	(erf) = vpow2.f32 v5;
	v0 =	vadd.f32 v0, v2  }
0xe7: {  	[tilespmem:$0x1FD10] =	vst v9;
	(erf) = vpow2.f32 v3;
	v2 =	vmul.f32 $1.442695020e+00, v58  }
0xe8: {  	[tilespmem:$0x1FCA0] =	vst v7;
	v5 =	vmul.f32 $1.442695020e+00, v10;
	v1 =	vperm.xlane v0, v49  }
0xe9: {  	v3 =	vmul.f32 $1.442695020e+00, v7;
	(erf) = vpow2.f32 v4;
	v4 =	vpop (erf);
	[tilespmem:$0x1FC80] =	vst v10  }
0xea: {  	[tilespmem:$0x1FC90] =	vst v4;
	(erf) = vpow2.f32 v6;
	v4 =	vpop (erf);
	v0 =	vadd.f32 v0, v1;
	v1 =	vmul.f32 $1.442695020e+00, v60  }
0xeb: {  	v7 =	vld [tilespmem:s23+$0x1050];
	[tilespmem:$0x1FCF0] =	vst v8;
	(erf) = vpow2.f32 v2;
	v2 =	vpop (erf)  }
0xec: {  	(erf) = vpow2.f32 v5;
	[tilespmem:$0x1FCC0] =	vst v2;
	v2 =	vld [tilespmem:$0x1FFF0];
	v5 =	vpop (erf)  }
0xed: {  	v6 =	vld [tilespmem:s23+$0x1040];
	[tilespmem:$0x1FCB0] =	vst v4;
	(erf) = vpow2.f32 v3;
	v3 =	vpop (erf)  }
0xee: {  	v10 =	vld [tilespmem:s23+$0x1020];
	[tilespmem:$0x1FCE0] =	vst v5;
	(erf) = vpow2.f32 v1;
	v1 =	vpop (erf)  }
0xef: {  	v4 =	vmul.f32 $1.442695020e+00, v11;
	v11 =	vld [tilespmem:s23+$0xC70];
	[tilespmem:$0x1FD20] =	vst v1;
	v1 =	vpop (erf)  }
0xf0: {  	v5 =	vmul.f32 $1.442695020e+00, v8;
	v8 =	vmul.f32 $1.442695020e+00, v9;
	[tilespmem:$0x1FD30] =	vst v1;
	v1 =	vld [tilespmem:$0x1FFE0]  }
0xf1: {  	[tilespmem:$0x1FD90] =	vst v7;
	(erf) = vpow2.f32 v4;
	v2 =	vperm.xlane v0, v2  }
0xf2: {  	[tilespmem:$0x1FD70] =	vst v6;
	(erf) = vpow2.f32 v5  }
0xf3: {  	[tilespmem:$0x1FD00] =	vst v3;
	v4 =	vpop (erf);
	(erf) = vpow2.f32 v8;
	v8 =	vld [tilespmem:s23+$0x1010];
	v0 =	vadd.f32 v0, v2  }
0xf4: {  	[tilespmem:$0x1FDC0] =	vst v11;
	v5 =	vld [tilespmem:s23+$0x1000]  }
0xf5: {  	v3 =	vmul.f32 $1.442695020e+00, v10;
	[tilespmem:$0x1FD40] =	vst v4;
	v2 =	vpop (erf);
	v1 =	vperm.xlane v0, v1  }
0xf6: {  	v12 =	vmul.f32 $1.442695020e+00, v12;
	v9 =	vld [tilespmem:s23+$0xC60];
	v6 =	vmul.f32 $1.442695020e+00, v6;
	[tilespmem:$0x1FD60] =	vst v2;
	v2 =	vpop (erf)  }
0xf7: {  	(erf) = vpow2.f32 v3;
	v3 =	vmul.f32 $1.442695020e+00, v7;
	v7 =	vld [tilespmem:s23+$0xC30];
	[tilespmem:$0x1FD80] =	vst v2;
	v2 =	vmov s19  }
0xf8: {  	(erf) = vpow2.f32 v12;
	[tilespmem:$0x1FE00] =	vst v8;
	v12 =	vmul.f32 $1.442695020e+00, v8;
	v8 =	vld [tilespmem:s23+$0x870];
	v4 =	vpop (erf)  }
0xf9: {  	v63 =	vlaneseq.u32;
	[tilespmem:$0x1FDE0] =	vst v5;
	(erf) = vpow2.f32 v6;
	v6 =	vld [tilespmem:s23+$0xC40];
	v0 =	vadd.f32 v0, v1;
	v1 =	vpop (erf)  }
0xfa: {  	[tilespmem:$0x1FDA0] =	vst v4;
	vm1 =	veq.s32 v2, v63;
	(erf) = vpow2.f32 v3;
	v3 =	vld [tilespmem:s23+$0xC50];
	v2 =	vpop (erf)  }
0xfb: {  	[tilespmem:$0x1FDD0] =	vst v2;
	v2 =	vld [tilespmem:$0x1FFB0]  }
0xfc: {  	[tilespmem:$0x1FE30] =	vst v7  }
0xfd: {  	[tilespmem:$0x1FDB0] =	vst v1  }
0xfe: {  	v0 =	vsub.f32 $0.0e+00, v0;
	[tilespmem:$0x1FEB0] =	vst v8  }
0xff: {  	v18 =	vmov v10;
	v10 =	vld [tilespmem:s23+$0xC20];
	[tilespmem:$0x1FE50] =	vst v6  }
0x100: {  	v20 =	vmov v9;
	v4 =	vmul.f32 $1.442695020e+00, v9;
	[tilespmem:$0x1FE70] =	vst v3;
	v9 =	vsel vm1, v0, v2  }
0x101: {  	v11 =	vmul.f32 $1.442695020e+00, v11;
	v2 =	vpop (erf);
	[tilespmem:$0x1FFB0] =	vst v9  }
0x102: {  	v5 =	vmul.f32 $1.442695020e+00, v5;
	(erf) = vpow2.f32 v4;
	[tilespmem:$0x1FDF0] =	vst v2;
	v1 =	vpop (erf)  }
0x103: {  	(erf) = vpow2.f32 v11;
	v9 =	vld [tilespmem:s23+$0x860];
	[tilespmem:$0x1FE10] =	vst v1;
	v0 =	vpop (erf)  }
0x104: {  	v45 =	vmov v10;
	v10 =	vmul.f32 $1.442695020e+00, v10;
	(erf) = vpow2.f32 v5;
	[tilespmem:$0x1FE20] =	vst v0;
	v2 =	vpop (erf)  }
0x105: {  	v7 =	vmul.f32 $1.442695020e+00, v7;
	v4 =	vld [tilespmem:s23+$0xC00];
	(erf) = vpow2.f32 v12;
	[tilespmem:$0x1FE40] =	vst v2;
	v1 =	vpop (erf)  }
0x106: {  	v13 =	vld [tilespmem:s23+$0x820];
	v11 =	vmul.f32 $1.442695020e+00, v6;
	(erf) = vpow2.f32 v10;
	[tilespmem:$0x1FE60] =	vst v1;
	v0 =	vpop (erf)  }
0x107: {  	v5 =	vld [tilespmem:s23+$0xC10];
	v10 =	vmul.f32 $1.442695020e+00, v3;
	(erf) = vpow2.f32 v7;
	[tilespmem:$0x1FE80] =	vst v0  }
0x108: {  	v6 =	vld [tilespmem:s23+$0x830];
	(erf) = vpow2.f32 v11;
	[tilespmem:$0x1FE90] =	vst v9;
	v9 =	vmul.f32 $1.442695020e+00, v9;
	v2 =	vpop (erf)  }
0x109: {  	v3 =	vld [tilespmem:s23+$0x840];
	(erf) = vpow2.f32 v10;
	[tilespmem:$0x1FEA0] =	vst v2;
	v2 =	vmul.f32 $1.442695020e+00, v8;
	v1 =	vpop (erf)  }
0x10a: {  	v7 =	vld [tilespmem:s23+$0x850];
	[tilespmem:$0x1FEC0] =	vst v1;
	v1 =	vmul.f32 $1.442695020e+00, v4;
	(erf) = vpow2.f32 v9;
	v0 =	vpop (erf)  }
0x10b: {  	v33 =	vld [tilespmem:s23+$0x460];
	[tilespmem:$0x1FED0] =	vst v4;
	(erf) = vpow2.f32 v2;
	v16 =	vpop (erf)  }
0x10c: {  	v15 =	vld [tilespmem:s23+$0x470];
	[tilespmem:$0x1FEF0] =	vst v5;
	v5 =	vmul.f32 $1.442695020e+00, v5;
	(erf) = vpow2.f32 v1;
	v14 =	vpop (erf)  }
0x10d: {  	v8 =	vmul.f32 $1.442695020e+00, v13;
	v4 =	vld [tilespmem:s23+$0x800];
	[tilespmem:$0x1FEE0] =	vst v0;
	v1 =	vmul.f32 $1.442695020e+00, v6;
	v0 =	vpop (erf)  }
0x10e: {  	(erf) = vpow2.f32 v5;
	v5 =	vld [tilespmem:s23+$0x810];
	[tilespmem:$0x1FF00] =	vst v0;
	v0 =	vmul.f32 $1.442695020e+00, v3;
	v2 =	vpop (erf)  }
0x10f: {  	v17 =	vld [tilespmem:s23+$0x420];
	[tilespmem:$0x1FF10] =	vst v3;
	(erf) = vpow2.f32 v8;
	v3 =	vmul.f32 $1.442695020e+00, v7;
	v24 =	vpop (erf)  }
0x110: {  	v42 =	vld [tilespmem:s23+$0x430];
	[tilespmem:$0x1FF30] =	vst v7;
	v8 =	vmul.f32 $1.442695020e+00, v33;
	(erf) = vpow2.f32 v1;
	v46 =	vpop (erf)  }
0x111: {  	v7 =	vld [tilespmem:s23+$0x440];
	[tilespmem:$0x1FF20] =	vst v2;
	(erf) = vpow2.f32 v0;
	v0 =	vmul.f32 $1.442695020e+00, v15;
	v2 =	vpop (erf)  }
0x112: {  	v55 =	vld [tilespmem:s23+$0x0];
	(erf) = vpow2.f32 v3;
	[tilespmem:$0x1FF40] =	vst v2;
	v2 =	vmul.f32 $1.442695020e+00, v4;
	v1 =	vpop (erf)  }
0x113: {  	v9 =	vld [tilespmem:s23+$0x450];
	(erf) = vpow2.f32 v8;
	v3 =	vmul.f32 $1.442695020e+00, v5;
	v47 =	vpop (erf)  }
0x114: {  	v25 =	vld [tilespmem:s23+$0x60];
	[tilespmem:$0x1FF50] =	vst v4;
	v4 =	vmul.f32 $1.442695020e+00, v17;
	(erf) = vpow2.f32 v0;
	v49 =	vpop (erf)  }
0x115: {  	v26 =	vld [tilespmem:s23+$0x70];
	[tilespmem:$0x1FF60] =	vst v1;
	(erf) = vpow2.f32 v2;
	v2 =	vmul.f32 $1.442695020e+00, v42;
	v1 =	vpop (erf)  }
0x116: {  	v43 =	vld [tilespmem:s23+$0x400];
	(erf) = vpow2.f32 v3;
	[tilespmem:$0x1FF80] =	vst v1;
	v1 =	vmul.f32 $1.442695020e+00, v7  }
0x117: {  	v19 =	vld [tilespmem:s23+$0x410];
	(erf) = vpow2.f32 v4;
	v0 =	vpop (erf);
	v4 =	vmul.f32 $1.442695020e+00, v55  }
0x118: {  	s22 =	sadd.s32 $0x1, s22;
	v48 =	vld [tilespmem:s23+$0x20];
	[tilespmem:$0x1FF90] =	vst v0;
	v0 =	vmul.f32 $1.442695020e+00, v9;
	(erf) = vpow2.f32 v2;
	v29 =	vpop (erf)  }
0x119: {  	s30 =	sand.u32 $0x7, s22;
	v27 =	vld [tilespmem:s23+$0x30];
	v2 =	vmul.f32 $1.442695020e+00, v25;
	(erf) = vpow2.f32 v1;
	v11 =	vpop (erf)  }
0x11a: {  	s24 =	sshll.u32 s30, $0x7;
	v51 =	vld [tilespmem:s23+$0x40];
	v1 =	vmul.f32 $1.442695020e+00, v26;
	(erf) = vpow2.f32 v0;
	v50 =	vpop (erf)  }
0x11b: {  	s24 =	sadd.s32 s24, s21;
	v53 =	vld [tilespmem:s23+$0x50];
	v0 =	vmul.f32 $1.442695020e+00, v43;
	(erf) = vpow2.f32 v2;
	v21 =	vpop (erf)  }
0x11c: {  	s31 =	sor.u32 $0x1C60, s24;
	v30 =	vld [tilespmem:s23+$0x10];
	v2 =	vmul.f32 $1.442695020e+00, v19;
	(erf) = vpow2.f32 v1;
	v32 =	vpop (erf)  }
0x11d: {  	s25 =	sor.u32 $0x1C20, s24;
	[tilespmem:$0x1FF70] =	vst v5;
	v5 =	vld.msk [tilespmem:s31+$0x0], $0xff;
	v1 =	vmul.f32 $1.442695020e+00, v48;
	(erf) = vpow2.f32 v0;
	v34 =	vpop (erf)  }
0x11e: {  	v22 =	vld [tilespmem:s25+$0x0];
	v0 =	vmul.f32 $1.442695020e+00, v27;
	(erf) = vpow2.f32 v2;
	v54 =	vpop (erf)  }
0x11f: {  	s26 =	sor.u32 $0x1C30, s24;
	v2 =	vmul.f32 $1.442695020e+00, v51;
	(erf) = vpow2.f32 v1;
	v28 =	vpop (erf)  }
0x120: {  	s28 =	sor.u32 $0x1C40, s24;
	v23 =	vld [tilespmem:s26+$0x0];
	v1 =	vmul.f32 $1.442695020e+00, v53;
	(erf) = vpow2.f32 v0;
	v36 =	vpop (erf)  }
0x121: {  	s29 =	sor.u32 $0x1C50, s24;
	v3 =	vld [tilespmem:s28+$0x0];
	(erf) = vpow2.f32 v2;
	v40 =	vpop (erf);
	v2 =	vmul.f32 $1.442695020e+00, v30  }
0x122: {  	p0 =	sne.s32 s20, $0xF;
	v0 =	vld [tilespmem:s29+$0x0];
	(erf) = vpow2.f32 v1;
	v35 =	vpop (erf);
	v1 =	vmul.f32 $1.442695020e+00, v5  }
.Ltmp0:
0x123: {  	(erf) = vpow2.f32 v4;
	v59 =	vpop (erf);
	v4 =	vmul.f32 $1.442695020e+00, v22;
	(pc) =	sbr.rel @p0 .LBB2_3-.Ltmp0, $4  }
0x124: {  	(erf) = vpow2.f32 v2;
	v10 =	vpop (erf)  }
0x125: {  	s30 =	sor.u32 $0x1C00, s24;
	[tilespmem:$0x1FFA0] =	vst v5;
	v5 =	vmul.f32 $1.442695020e+00, v23;
	v8 =	vpop (erf);
	(erf) = vpow2.f32 v1  }
0x126: {  	v39 =	vld [tilespmem:s30+$0x0];
	s31 =	sor.u32 $0x1C10, s24;
	v12 =	vmul.f32 $1.442695020e+00, v3;
	v44 =	vpop (erf);
	(erf) = vpow2.f32 v4  }
0x127: {  	s19 =	smov.u32 s20;
	s20 =	sadd.s32 $0x1, s20;
	v41 =	vld [tilespmem:s31+$0x0];
	v2 =	vmul.f32 $1.442695020e+00, v0;
	v4 =	vpop (erf);
	(erf) = vpow2.f32 v5  }
0x128: {  	_ =	sdelay $0x2  }
0x129: {  	v1 =	vmul.f32 $1.442695020e+00, v39  }
0x12a: {  	(erf) = vpow2.f32 v12  }
0x12b: {  	v5 =	vld [tilespmem:$0x1FC90];
	(erf) = vpow2.f32 v2;
	v2 =	vmul.f32 $1.442695020e+00, v41  }
0x12c: {  	(erf) = vpow2.f32 v1  }
0x12d: {  	v1 =	vpop (erf);
	(erf) = vpow2.f32 v2;
	v2 =	vld [tilespmem:$0x1FCC0];
	_ =	sdelay $0x2  }
0x12e: {  	v5 =	vmul.f32 v5, v62  }
0x12f: {  	v12 =	vld [tilespmem:$0x1FCB0]  }
0x130: {  	[tilespmem:$0x1F7D0] =	vst v5;
	v5 =	vmul.f32 v2, v31;
	v2 =	vld [tilespmem:$0x1FC40];
	_ =	sdelay $0x4  }
0x131: {  	v2 =	vmul.f32 v12, v2  }
0x132: {  	v12 =	vld [tilespmem:$0x1FCE0]  }
0x133: {  	[tilespmem:$0x1F7E0] =	vst v2;
	v2 =	vld [tilespmem:$0x1FC50];
	_ =	sdelay $0x4  }
0x134: {  	v2 =	vmul.f32 v12, v2;
	v12 =	vld [tilespmem:$0x1FD00];
	_ =	sdelay $0x3  }
0x135: {  	v31 =	vld [tilespmem:$0x1FD30]  }
0x136: {  	v12 =	vmul.f32 v12, v52;
	v52 =	vld [tilespmem:$0x1FD20];
	_ =	sdelay $0x3  }
0x137: {  	v62 =	vld [tilespmem:$0x1FDA0]  }
0x138: {  	v31 =	vmul.f32 v31, v37;
	v37 =	vmul.f32 v52, v56;
	v56 =	vld [tilespmem:$0x1FD40];
	_ =	sdelay $0x4  }
0x139: {  	v38 =	vmul.f32 v62, v38;
	v62 =	vmul.f32 v56, v57;
	v57 =	vld [tilespmem:$0x1FE10];
	_ =	sdelay $0x4  }
0x13a: {  	v52 =	vmul.f32 v57, v60;
	v60 =	vld [tilespmem:$0x1FDB0];
	_ =	sdelay $0x4  }
0x13b: {  	v56 =	vmul.f32 v60, v58;
	v60 =	vld [tilespmem:$0x1FE80];
	_ =	sdelay $0x4  }
0x13c: {  	v57 =	vmul.f32 v60, v18;
	v60 =	vld [tilespmem:$0x1FCD0]  }
0x13d: {  	v18 =	vld [tilespmem:$0x1FE20];
	_ =	sdelay $0x3  }
0x13e: {  	v16 =	vmul.f32 v16, v20;
	v20 =	vld [tilespmem:$0x1FEA0]  }
0x13f: {  	v58 =	vmul.f32 v18, v60;
	v18 =	vld [tilespmem:$0x1FD50];
	_ =	sdelay $0x4  }
0x140: {  	v60 =	vmul.f32 v20, v18;
	v18 =	vld [tilespmem:$0x1FDC0];
	_ =	sdelay $0x4  }
0x141: {  	v14 =	vmul.f32 v14, v18;
	v18 =	vld [tilespmem:$0x1FE90];
	_ =	sdelay $0x4  }
0x142: {  	v47 =	vmul.f32 v47, v18;
	v18 =	vld [tilespmem:$0x1FE30];
	_ =	sdelay $0x4  }
0x143: {  	v46 =	vmul.f32 v46, v18;
	v18 =	vld [tilespmem:$0x1FEB0];
	_ =	sdelay $0x4  }
0x144: {  	v13 =	vmul.f32 v29, v13;
	v29 =	vmul.f32 v49, v18;
	v49 =	vpop (erf)  }
0x145: {  	v6 =	vmul.f32 v11, v6;
	v11 =	vpop (erf)  }
0x146: {  	v17 =	vmul.f32 v36, v17;
	v36 =	vpop (erf)  }
0x147: {  	v24 =	vmul.f32 v24, v45;
	v45 =	vpop (erf)  }
0x148: {  	v8 =	vmul.f32 v8, v26;
	v26 =	vpop (erf)  }
0x149: {  	v26 =	vmul.f32 v26, v30;
	_ =	sdelay $0x1  }
0x14a: {  	v30 =	vmul.f32 v36, v53;
	v26 =	vadd.f32 $0.0e+00, v26;
	_ =	sdelay $0x1  }
0x14b: {  	v4 =	vmul.f32 v4, v19;
	v26 =	vadd.f32 v30, v26  }
0x14c: {  	v15 =	vmul.f32 v34, v15  }
0x14d: {  	v9 =	vmul.f32 v59, v9;
	v34 =	vmul.f32 v45, v55;
	v4 =	vadd.f32 v4, v26  }
0x14e: {  	v1 =	vmul.f32 v1, v48  }
0x14f: {  	v11 =	vmul.f32 v11, v51;
	v53 =	vadd.f32 $0.0e+00, v34;
	v4 =	vadd.f32 v9, v4;
	v9 =	vld [tilespmem:$0x1FF70]  }
0x150: {  	v10 =	vmul.f32 v10, v25;
	v27 =	vmul.f32 v49, v27  }
0x151: {  	v1 =	vadd.f32 $0.0e+00, v1;
	v55 =	vmul.f32 v44, v43;
	v11 =	vadd.f32 v11, v53  }
0x152: {  	v27 =	vadd.f32 $0.0e+00, v27  }
0x153: {  	v7 =	vmul.f32 v35, v7;
	v1 =	vadd.f32 v10, v1;
	v10 =	vadd.f32 v55, v11;
	v11 =	vld [tilespmem:$0x1FF50]  }
0x154: {  	v25 =	vmul.f32 v40, v42;
	v8 =	vadd.f32 v8, v27;
	v9 =	vmul.f32 v28, v9  }
0x155: {  	v7 =	vadd.f32 v7, v10;
	v10 =	vld [tilespmem:$0x1FF10]  }
0x156: {  	v8 =	vadd.f32 v25, v8;
	v4 =	vadd.f32 v9, v4;
	v9 =	vld [tilespmem:$0x1FF30];
	_ =	sdelay $0x1  }
0x157: {  	v8 =	vadd.f32 v15, v8;
	v11 =	vmul.f32 v54, v11;
	_ =	sdelay $0x1  }
0x158: {  	v6 =	vadd.f32 v6, v8;
	v8 =	vld [tilespmem:$0x1FED0];
	v10 =	vmul.f32 v50, v10;
	v7 =	vadd.f32 v11, v7  }
0x159: {  	v11 =	vld [tilespmem:$0x1FF80];
	v9 =	vmul.f32 v21, v9  }
0x15a: {  	v7 =	vadd.f32 v10, v7;
	v10 =	vld [tilespmem:$0x1FF90]  }
0x15b: {  	v4 =	vadd.f32 v9, v4;
	v9 =	vld [tilespmem:$0x1FEF0];
	_ =	sdelay $0x2  }
0x15c: {  	v8 =	vmul.f32 v11, v8  }
0x15d: {  	v11 =	vld [tilespmem:$0x1FF40]  }
0x15e: {  	v7 =	vadd.f32 v8, v7;
	v8 =	vld [tilespmem:$0x1FE70];
	v9 =	vmul.f32 v10, v9  }
0x15f: {  	v10 =	vld [tilespmem:$0x1FE50]  }
0x160: {  	v4 =	vadd.f32 v9, v4;
	v9 =	vld [tilespmem:$0x1FF60];
	_ =	sdelay $0x3  }
0x161: {  	v10 =	vmul.f32 v11, v10;
	v11 =	vld [tilespmem:$0x1FF00]  }
0x162: {  	v8 =	vmul.f32 v9, v8;
	v9 =	vld [tilespmem:$0x1FDE0]  }
0x163: {  	v7 =	vadd.f32 v10, v7;
	v10 =	vld [tilespmem:$0x1FF20]  }
0x164: {  	v4 =	vadd.f32 v8, v4;
	v8 =	vld [tilespmem:$0x1FE00];
	_ =	sdelay $0x3  }
0x165: {  	v9 =	vmul.f32 v11, v9;
	v11 =	vld [tilespmem:$0x1FEC0]  }
0x166: {  	v8 =	vmul.f32 v10, v8;
	v10 =	vld [tilespmem:$0x1FD70]  }
0x167: {  	v7 =	vadd.f32 v9, v7;
	v9 =	vld [tilespmem:$0x1FEE0]  }
0x168: {  	v4 =	vadd.f32 v8, v4;
	v8 =	vld [tilespmem:$0x1FD90];
	_ =	sdelay $0x3  }
0x169: {  	v10 =	vmul.f32 v11, v10;
	v11 =	vld [tilespmem:$0x1FE40]  }
0x16a: {  	v8 =	vmul.f32 v9, v8;
	v9 =	vld [tilespmem:$0x1FCF0]  }
0x16b: {  	v32 =	vmul.f32 v32, v33;
	v1 =	vadd.f32 v17, v1;
	v7 =	vadd.f32 v10, v7;
	v10 =	vld [tilespmem:$0x1FE60]  }
0x16c: {  	v4 =	vadd.f32 v8, v4;
	v8 =	vld [tilespmem:$0x1FD10]  }
0x16d: {  	v1 =	vadd.f32 v32, v1;
	_ =	sdelay $0x1  }
0x16e: {  	v1 =	vadd.f32 v13, v1  }
0x16f: {  	v13 =	vld [tilespmem:$0x1FDD0];
	v9 =	vmul.f32 v11, v9  }
0x170: {  	v1 =	vadd.f32 v47, v1;
	v11 =	vld [tilespmem:$0x1FC80];
	v8 =	vmul.f32 v10, v8  }
0x171: {  	v7 =	vadd.f32 v9, v7;
	v9 =	vld [tilespmem:$0x1FDF0]  }
0x172: {  	v1 =	vadd.f32 v24, v1;
	v4 =	vadd.f32 v8, v4;
	v8 =	vld [tilespmem:$0x1FCA0]  }
0x173: {  	v6 =	vadd.f32 v29, v6  }
0x174: {  	v1 =	vadd.f32 v16, v1  }
0x175: {  	v6 =	vadd.f32 v46, v6  }
0x176: {  	v1 =	vadd.f32 v57, v1;
	v15 =	vld [tilespmem:$0x1FD60];
	v11 =	vmul.f32 v13, v11  }
0x177: {  	v6 =	vadd.f32 v14, v6;
	v14 =	vld [tilespmem:$0x1FC60];
	v8 =	vmul.f32 v9, v8  }
0x178: {  	v1 =	vadd.f32 v52, v1;
	v7 =	vadd.f32 v11, v7;
	v11 =	vld [tilespmem:$0x1FD80]  }
0x179: {  	v4 =	vadd.f32 v8, v4;
	v8 =	vld [tilespmem:$0x1FC70]  }
0x17a: {  	v1 =	vadd.f32 v38, v1  }
0x17b: {  	v10 =	vpop (erf)  }
0x17c: {  	v1 =	vadd.f32 v31, v1;
	v13 =	vpop (erf)  }
0x17d: {  	v6 =	vadd.f32 v60, v6;
	v9 =	vpop (erf)  }
0x17e: {  	v1 =	vadd.f32 v5, v1;
	v5 =	vld [tilespmem:$0x1F7D0];
	v14 =	vmul.f32 v15, v14;
	v15 =	vpop (erf);
	v8 =	vmul.f32 v11, v8  }
0x17f: {  	v6 =	vadd.f32 v58, v6;
	v11 =	vpop (erf)  }
0x180: {  	v16 =	vpop (erf);
	v4 =	vadd.f32 v8, v4  }
0x181: {  	v6 =	vadd.f32 v56, v6;
	v8 =	vmul.f32 v9, v23;
	v9 =	vpop (erf)  }
0x182: {  	v9 =	vmul.f32 v9, v41;
	v4 =	vadd.f32 v37, v4  }
0x183: {  	v1 =	vadd.f32 v5, v1;
	v5 =	vld [tilespmem:$0x1F7E0];
	v6 =	vadd.f32 v62, v6  }
0x184: {  	v7 =	vadd.f32 v14, v7;
	v0 =	vmul.f32 v11, v0;
	v4 =	vadd.f32 v9, v4  }
0x185: {  	v2 =	vadd.f32 v2, v6  }
0x186: {  	v7 =	vadd.f32 v12, v7;
	v6 =	vmul.f32 v16, v39;
	v0 =	vadd.f32 v0, v4;
	v4 =	vld [tilespmem:$0x1FFA0]  }
0x187: {  	v13 =	vmul.f32 v13, v22  }
0x188: {  	v2 =	vadd.f32 v5, v2;
	v3 =	vmul.f32 v15, v3;
	v5 =	vadd.f32 v6, v7  }
0x189: {  	v1 =	vadd.f32 v13, v1  }
0x18a: {  	v2 =	vadd.f32 v8, v2;
	v3 =	vadd.f32 v3, v5  }
0x18b: {  	v4 =	vmul.f32 v10, v4  }
0x18c: {  	v1 =	vadd.f32 v2, v1;
	v0 =	vadd.f32 v0, v3  }
0x18d: {  	v2 =	vperm.xlane v4, v61  }
0x18e: {  	v0 =	vadd.f32 v0, v1  }
0x18f: {  	v1 =	vsel vm0, $0x0, v2  }
0x190: {  	v0 =	vadd.f32 v0, v1;
	_ =	sdelay $0x1  }
0x191: {  	v1 =	vperm.xlane v0, v61;
	_ =	sdelay $0x1  }
0x192: {  	v0 =	vadd.f32 v0, v1;
	v1 =	vld [tilespmem:$0x1FFC0];
	_ =	sdelay $0x3  }
0x193: {  	v50 =	vld [tilespmem:$0x1FFF0]  }
0x194: {  	v1 =	vperm.xlane v0, v1;
	_ =	sdelay $0x1  }
0x195: {  	v0 =	vadd.f32 v0, v1  }
0x196: {  	v60 =	vld [tilespmem:$0x1FFE0]  }
0x197: {  	v1 =	vperm.xlane v0, v50;
	_ =	sdelay $0x1  }
0x198: {  	v0 =	vadd.f32 v0, v1;
	_ =	sdelay $0x1  }
0x199: {  	v1 =	vperm.xlane v0, v60;
	_ =	sdelay $0x1  }
0x19a: {  	v0 =	vadd.f32 v0, v1;
	v1 =	vmov s19  }
0x19b: {  	vm1 =	veq.s32 v1, v63;
	v1 =	vld [tilespmem:$0x1FFB0];
	_ =	sdelay $0x2  }
0x19c: {  	v0 =	vsub.f32 $0.0e+00, v0  }
0x19d: {  	p0 =	seq.s32 s15, $0x3  }
0x19e: {  	s17 =	sand.u32 $0x3FFFFFE0, s17;
	s18 =	sshll.u32 @!p0 s15, $0xC;
	v0 =	vsel vm1, v0, v1  }
0x19f: {  	[tilespmem:s17+$0x8000] =	vst v0;
	s17 =	sadd.s32 @!p0 s18, s6;
	s18 =	simm.s32 @!p0 $0x0  }
0x1a0: {  	[tilespmem:s18], [sflag:$0x1] =	stream.linear.gather @!p0 [hbm4b:s17+s18], $0x4000, $0x38;
	[tilespmem:$0x8080] =	vst v63  }
0x1a1: {  	s17 =	simm.s32 $0x0;
	_ =	swait.ge [sflag:s11], $0x4000  }
0x1a2: {  	s23 =	sand.u32 $0x2000, s17;
	s24 =	sand.u32 $0x380, s17;
	[sflag:s11] =	ssyncset.done $0x0  }
0x1a3: {  	s18 =	sor.u32 s24, s23;
	[sflag:s11] =	ssyncadd.s32 $0xFFFFC000  }
0x1a4: {  	v62 =	vld [tilespmem:s18+$0x5860]  }
0x1a5: {  	v1 =	vld [tilespmem:s18+$0x5870]  }
0x1a6: {  	v31 =	vld [tilespmem:s18+$0x5820]  }
0x1a7: {  	v3 =	vld [tilespmem:s18+$0x5830]  }
0x1a8: {  	v5 =	vld [tilespmem:s18+$0x5840]  }
0x1a9: {  	v56 =	vld [tilespmem:s18+$0x5850]  }
0x1aa: {  	v37 =	vld [tilespmem:s18+$0x5460]  }
0x1ab: {  	v38 =	vld [tilespmem:s18+$0x5470];
	v0 =	vmul.f32 $1.442695020e+00, v62  }
0x1ac: {  	v4 =	vld [tilespmem:s18+$0x5800]  }
0x1ad: {  	v57 =	vld [tilespmem:s18+$0x5420];
	[tilespmem:$0x1F7F0] =	vst v1;
	v1 =	vmul.f32 $1.442695020e+00, v1;
	(erf) = vpow2.f32 v0  }
0x1ae: {  	v6 =	vld [tilespmem:s18+$0x5060];
	v2 =	vmul.f32 $1.442695020e+00, v31;
	v0 =	vmul.f32 $1.442695020e+00, v3  }
0x1af: {  	[tilespmem:$0x1F800] =	vst v3;
	v3 =	vld [tilespmem:s18+$0x5810];
	(erf) = vpow2.f32 v1;
	v1 =	vmul.f32 $1.442695020e+00, v5  }
0x1b0: {  	v58 =	vld [tilespmem:s18+$0x5430];
	(erf) = vpow2.f32 v2;
	v2 =	vmul.f32 $1.442695020e+00, v56  }
0x1b1: {  	[tilespmem:$0x1F810] =	vst v5;
	v5 =	vld [tilespmem:s18+$0x5440];
	(erf) = vpow2.f32 v0;
	v0 =	vmul.f32 $1.442695020e+00, v37  }
0x1b2: {  	(erf) = vpow2.f32 v1;
	v1 =	vmul.f32 $1.442695020e+00, v38  }
0x1b3: {  	[tilespmem:$0x1F820] =	vst v4;
	(erf) = vpow2.f32 v2;
	v2 =	vmul.f32 $1.442695020e+00, v4;
	v4 =	vld [tilespmem:s18+$0x5450]  }
0x1b4: {  	v7 =	vld [tilespmem:s18+$0x5070];
	[tilespmem:$0x1F880] =	vst v6;
	(erf) = vpow2.f32 v0;
	v0 =	vmul.f32 $1.442695020e+00, v3  }
0x1b5: {  	[tilespmem:$0x1F830] =	vst v3;
	v3 =	vld [tilespmem:s18+$0x5400];
	(erf) = vpow2.f32 v1;
	v1 =	vmul.f32 $1.442695020e+00, v57  }
0x1b6: {  	[tilespmem:$0x1F840] =	vst v5;
	(erf) = vpow2.f32 v2;
	v2 =	vmul.f32 $1.442695020e+00, v58;
	v8 =	vpop (erf)  }
0x1b7: {  	(erf) = vpow2.f32 v0;
	v0 =	vmul.f32 $1.442695020e+00, v5;
	[tilespmem:$0x1F850] =	vst v8  }
0x1b8: {  	v5 =	vld [tilespmem:s18+$0x5410];
	(erf) = vpow2.f32 v1;
	[tilespmem:$0x1F860] =	vst v4;
	v1 =	vmul.f32 $1.442695020e+00, v4;
	v4 =	vpop (erf)  }
0x1b9: {  	[tilespmem:$0x1F870] =	vst v4;
	(erf) = vpow2.f32 v2  }
0x1ba: {  	v8 =	vld [tilespmem:s18+$0x5020];
	v4 =	vpop (erf);
	[tilespmem:$0x1F8C0] =	vst v3;
	(erf) = vpow2.f32 v0;
	v0 =	vmul.f32 $1.442695020e+00, v7  }
0x1bb: {  	v2 =	vmul.f32 $1.442695020e+00, v6;
	[tilespmem:$0x1F890] =	vst v4;
	v4 =	vpop (erf)  }
0x1bc: {  	[tilespmem:$0x1F8B0] =	vst v4;
	(erf) = vpow2.f32 v1;
	v1 =	vmul.f32 $1.442695020e+00, v3;
	v3 =	vpop (erf)  }
0x1bd: {  	v6 =	vld [tilespmem:s18+$0x5030];
	(erf) = vpow2.f32 v2;
	[tilespmem:$0x1F8E0] =	vst v5;
	v2 =	vmul.f32 $1.442695020e+00, v5;
	v5 =	vpop (erf)  }
0x1be: {  	v4 =	vld [tilespmem:s18+$0x5040];
	[tilespmem:$0x1F8D0] =	vst v3;
	(erf) = vpow2.f32 v0;
	v0 =	vpop (erf)  }
0x1bf: {  	v3 =	vld [tilespmem:s18+$0x5050];
	[tilespmem:$0x1F900] =	vst v0;
	v0 =	vmul.f32 $1.442695020e+00, v8  }
0x1c0: {  	v9 =	vld [tilespmem:s18+$0x4C70];
	[tilespmem:$0x1F8A0] =	vst v7  }
0x1c1: {  	[tilespmem:$0x1F8F0] =	vst v5;
	(erf) = vpow2.f32 v1;
	v1 =	vpop (erf)  }
0x1c2: {  	v7 =	vld [tilespmem:s18+$0x4C60];
	(erf) = vpow2.f32 v2;
	[tilespmem:$0x1F910] =	vst v1;
	v1 =	vmul.f32 $1.442695020e+00, v6;
	v2 =	vpop (erf)  }
0x1c3: {  	[tilespmem:$0x1F930] =	vst v2;
	v2 =	vmul.f32 $1.442695020e+00, v4;
	(erf) = vpow2.f32 v0;
	v0 =	vpop (erf)  }
0x1c4: {  	v5 =	vld [tilespmem:s18+$0x5000];
	[tilespmem:$0x1F950] =	vst v0;
	v0 =	vmul.f32 $1.442695020e+00, v3  }
0x1c5: {  	[tilespmem:$0x1F990] =	vst v9  }
0x1c6: {  	[tilespmem:$0x1F920] =	vst v6;
	(erf) = vpow2.f32 v1;
	v1 =	vpop (erf)  }
0x1c7: {  	v6 =	vld [tilespmem:s18+$0x5010];
	(erf) = vpow2.f32 v2;
	[tilespmem:$0x1F970] =	vst v1;
	v1 =	vmul.f32 $1.442695020e+00, v7;
	v2 =	vpop (erf)  }
0x1c8: {  	v18 =	vmov v8;
	v8 =	vld [tilespmem:s18+$0x4C20];
	[tilespmem:$0x1F980] =	vst v2;
	v2 =	vmul.f32 $1.442695020e+00, v9;
	(erf) = vpow2.f32 v0;
	v0 =	vpop (erf)  }
0x1c9: {  	v10 =	vld [tilespmem:s18+$0x4C30];
	[tilespmem:$0x1F9A0] =	vst v0;
	v0 =	vmul.f32 $1.442695020e+00, v5  }
0x1ca: {  	[tilespmem:$0x1F940] =	vst v4  }
0x1cb: {  	[tilespmem:$0x1F960] =	vst v3;
	(erf) = vpow2.f32 v1;
	v1 =	vpop (erf)  }
0x1cc: {  	v3 =	vld [tilespmem:s18+$0x4C40];
	(erf) = vpow2.f32 v2;
	[tilespmem:$0x1F9C0] =	vst v1;
	v1 =	vmul.f32 $1.442695020e+00, v6;
	v2 =	vpop (erf)  }
0x1cd: {  	v4 =	vld [tilespmem:s18+$0x4C50];
	[tilespmem:$0x1F9E0] =	vst v2;
	v2 =	vmul.f32 $1.442695020e+00, v8;
	(erf) = vpow2.f32 v0;
	v0 =	vpop (erf)  }
0x1ce: {  	v9 =	vld [tilespmem:s18+$0x4860];
	[tilespmem:$0x1F9F0] =	vst v0;
	v0 =	vmul.f32 $1.442695020e+00, v10;
	_ =	sdelay $0x1  }
0x1cf: {  	[tilespmem:$0x1F9B0] =	vst v5;
	(erf) = vpow2.f32 v1;
	v1 =	vpop (erf)  }
0x1d0: {  	v11 =	vld [tilespmem:s18+$0x4870];
	(erf) = vpow2.f32 v2;
	[tilespmem:$0x1FA10] =	vst v1;
	v1 =	vmul.f32 $1.442695020e+00, v3;
	v2 =	vpop (erf)  }
0x1d1: {  	v5 =	vld [tilespmem:s18+$0x4C00];
	[tilespmem:$0x1FA30] =	vst v2;
	v2 =	vmul.f32 $1.442695020e+00, v4;
	(erf) = vpow2.f32 v0;
	v0 =	vpop (erf)  }
0x1d2: {  	v20 =	vmov v7;
	v7 =	vld [tilespmem:s18+$0x4C10];
	[tilespmem:$0x1FA50] =	vst v0;
	v0 =	vmul.f32 $1.442695020e+00, v9  }
0x1d3: {  	v13 =	vld [tilespmem:s18+$0x4820]  }
0x1d4: {  	[tilespmem:$0x1F9D0] =	vst v6;
	v6 =	vld [tilespmem:s18+$0x4830];
	(erf) = vpow2.f32 v1;
	v1 =	vpop (erf)  }
0x1d5: {  	(erf) = vpow2.f32 v2;
	[tilespmem:$0x1FA70] =	vst v1;
	v1 =	vmul.f32 $1.442695020e+00, v11;
	v2 =	vpop (erf)  }
0x1d6: {  	[tilespmem:$0x1FA90] =	vst v2;
	v2 =	vmul.f32 $1.442695020e+00, v5;
	(erf) = vpow2.f32 v0;
	v0 =	vpop (erf)  }
0x1d7: {  	(erf) = vpow2.f32 v1;
	[tilespmem:$0x1FAB0] =	vst v0;
	v0 =	vmul.f32 $1.442695020e+00, v7  }
0x1d8: {  	[tilespmem:$0x1FA20] =	vst v3;
	v3 =	vld [tilespmem:s18+$0x4840];
	v1 =	vmul.f32 $1.442695020e+00, v13;
	(erf) = vpow2.f32 v2  }
0x1d9: {  	[tilespmem:$0x1FA40] =	vst v4;
	v4 =	vld [tilespmem:s18+$0x4850];
	v16 =	vpop (erf);
	(erf) = vpow2.f32 v0;
	v0 =	vmul.f32 $1.442695020e+00, v6;
	_ =	sdelay $0x1  }
0x1da: {  	v15 =	vld [tilespmem:s18+$0x4470];
	v14 =	vpop (erf)  }
0x1db: {  	v33 =	vld [tilespmem:s18+$0x4460];
	(erf) = vpow2.f32 v1;
	v1 =	vpop (erf)  }
0x1dc: {  	v2 =	vmul.f32 $1.442695020e+00, v3;
	(erf) = vpow2.f32 v0;
	v0 =	vpop (erf)  }
0x1dd: {  	[tilespmem:$0x1FAF0] =	vst v0;
	v0 =	vmul.f32 $1.442695020e+00, v4  }
0x1de: {  	[tilespmem:$0x1FAA0] =	vst v5;
	v5 =	vld [tilespmem:s18+$0x4800];
	(erf) = vpow2.f32 v2  }
0x1df: {  	v45 =	vmov v8;
	v8 =	vld [tilespmem:s18+$0x4810];
	v24 =	vpop (erf);
	(erf) = vpow2.f32 v0;
	v0 =	vmul.f32 $1.442695020e+00, v15  }
0x1e0: {  	v2 =	vmul.f32 $1.442695020e+00, v33  }
0x1e1: {  	v42 =	vld [tilespmem:s18+$0x4430];
	v46 =	vpop (erf)  }
0x1e2: {  	v17 =	vld [tilespmem:s18+$0x4420];
	[tilespmem:$0x1FAD0] =	vst v1;
	v1 =	vpop (erf);
	(erf) = vpow2.f32 v2  }
0x1e3: {  	v2 =	vmul.f32 $1.442695020e+00, v5;
	(erf) = vpow2.f32 v0;
	v0 =	vpop (erf)  }
0x1e4: {  	[tilespmem:$0x1FB30] =	vst v0;
	v0 =	vmul.f32 $1.442695020e+00, v8  }
0x1e5: {  	[tilespmem:$0x1FAC0] =	vst v7;
	v7 =	vld [tilespmem:s18+$0x4440];
	(erf) = vpow2.f32 v2  }
0x1e6: {  	[tilespmem:$0x1FA60] =	vst v9;
	v9 =	vld [tilespmem:s18+$0x4450];
	v47 =	vpop (erf);
	(erf) = vpow2.f32 v0;
	v0 =	vmul.f32 $1.442695020e+00, v42  }
0x1e7: {  	v25 =	vld [tilespmem:s18+$0x4060];
	v2 =	vmul.f32 $1.442695020e+00, v17  }
0x1e8: {  	v26 =	vld [tilespmem:s18+$0x4070];
	v49 =	vpop (erf)  }
0x1e9: {  	v43 =	vld [tilespmem:s18+$0x4400];
	[tilespmem:$0x1FB10] =	vst v1;
	v1 =	vpop (erf);
	(erf) = vpow2.f32 v2  }
0x1ea: {  	v19 =	vld [tilespmem:s18+$0x4410];
	v2 =	vmul.f32 $1.442695020e+00, v7;
	(erf) = vpow2.f32 v0;
	v0 =	vpop (erf)  }
0x1eb: {  	v48 =	vld [tilespmem:s18+$0x4020];
	[tilespmem:$0x1FB60] =	vst v0;
	v0 =	vmul.f32 $1.442695020e+00, v9  }
0x1ec: {  	v27 =	vld [tilespmem:s18+$0x4030];
	(erf) = vpow2.f32 v2;
	v2 =	vmul.f32 $1.442695020e+00, v25  }
0x1ed: {  	v51 =	vld [tilespmem:s18+$0x4040];
	v29 =	vpop (erf);
	(erf) = vpow2.f32 v0;
	v0 =	vmul.f32 $1.442695020e+00, v26  }
0x1ee: {  	s25 =	sand.u32 $0x7, s17;
	v53 =	vld [tilespmem:s18+$0x4050];
	[tilespmem:$0x1FA80] =	vst v11;
	v11 =	vpop (erf);
	(erf) = vpow2.f32 v2;
	v2 =	vmul.f32 $1.442695020e+00, v43  }
0x1ef: {  	s19 =	sshll.u32 s25, $0x7;
	v55 =	vld [tilespmem:s18+$0x4000];
	[tilespmem:$0x1FB50] =	vst v1;
	v1 =	vpop (erf);
	(erf) = vpow2.f32 v0;
	v0 =	vmul.f32 $1.442695020e+00, v19  }
0x1f0: {  	s19 =	sadd.s32 $0x0, s19;
	v30 =	vld [tilespmem:s18+$0x4010];
	v21 =	vpop (erf);
	(erf) = vpow2.f32 v2;
	v2 =	vmul.f32 $1.442695020e+00, v48  }
0x1f1: {  	s26 =	sor.u32 $0x1C20, s19;
	v32 =	vpop (erf);
	(erf) = vpow2.f32 v0;
	v0 =	vmul.f32 $1.442695020e+00, v27  }
0x1f2: {  	s20 =	sor.u32 $0x1C60, s19;
	v22 =	vld [tilespmem:s26+$0x4000];
	v34 =	vpop (erf);
	(erf) = vpow2.f32 v2;
	v2 =	vmul.f32 $1.442695020e+00, v51  }
0x1f3: {  	[tilespmem:$0x1FB70] =	vst v1;
	v1 =	vld.msk [tilespmem:s20+$0x4000], $0xff;
	v54 =	vpop (erf);
	(erf) = vpow2.f32 v0;
	v0 =	vmul.f32 $1.442695020e+00, v53  }
0x1f4: {  	s28 =	sor.u32 $0x1C30, s19;
	v28 =	vpop (erf);
	(erf) = vpow2.f32 v2;
	v2 =	vmul.f32 $1.442695020e+00, v55  }
0x1f5: {  	v23 =	vld [tilespmem:s28+$0x4000];
	[tilespmem:$0x1FB40] =	vst v8;
	v8 =	vmul.f32 $1.442695020e+00, v30;
	v36 =	vpop (erf);
	(erf) = vpow2.f32 v0  }
0x1f6: {  	s30 =	sor.u32 $0x1C50, s19;
	v40 =	vpop (erf);
	(erf) = vpow2.f32 v2  }
0x1f7: {  	s29 =	sor.u32 $0x1C40, s19;
	v52 =	vld [tilespmem:s30+$0x4000];
	[tilespmem:$0x1FA00] =	vst v10;
	v35 =	vpop (erf);
	(erf) = vpow2.f32 v8;
	v8 =	vmul.f32 $1.442695020e+00, v22  }
0x1f8: {  	[tilespmem:$0x1FAE0] =	vst v3;
	v0 =	vld [tilespmem:s29+$0x4000];
	v2 =	vmul.f32 $1.442695020e+00, v1  }
0x1f9: {  	[tilespmem:$0x1FB00] =	vst v4;
	v59 =	vpop (erf)  }
0x1fa: {  	[tilespmem:$0x1FB20] =	vst v5;
	v10 =	vpop (erf);
	(erf) = vpow2.f32 v2;
	v2 =	vmul.f32 $1.442695020e+00, v23  }
0x1fb: {  	s31 =	sor.u32 $0x1C00, s19;
	[tilespmem:$0x1FB80] =	vst v1;
	v1 =	vimm.f32 $0.0e+00;
	(erf) = vpow2.f32 v8;
	v8 =	vpop (erf)  }
0x1fc: {  	s21 =	simm.s32 $0x0;
	s22 =	sor.u32 $0x1C10, s19;
	v39 =	vld [tilespmem:s31+$0x4000];
	[tilespmem:$0x1FB90] =	vst v1;
	(erf) = vpow2.f32 v2;
	v44 =	vpop (erf)  }
0x1fd: {  	s19 =	simm.s32 $0x1;
	v41 =	vld [tilespmem:s22+$0x4000];
	s18 =	simm.s32 $0x0;
	s20 =	simm.s32 $0x0;
	[tilespmem:$0x1FBA0] =	vst v0;
	v12 =	vmul.f32 $1.442695020e+00, v0;
	v2 =	vmul.f32 $1.442695020e+00, v52;
	v63 =	vpop (erf)  }
.LBB2_5:
0x1fe: {  	v1 =	vld [tilespmem:$0x1F850];
	_ =	sdelay $0x4  }
0x1ff: {  	v1 =	vmul.f32 v1, v62;
	_ =	sdelay $0x1  }
0x200: {  	[tilespmem:$0x1F780] =	vst v1;
	v1 =	vld [tilespmem:$0x1F890];
	_ =	sdelay $0x4  }
0x201: {  	v5 =	vmov v57;
	v57 =	vpop (erf);
	(erf) = vpow2.f32 v12;
	v1 =	vmul.f32 v1, v31  }
0x202: {  	v0 =	vpop (erf);
	(erf) = vpow2.f32 v2;
	v2 =	vld [tilespmem:$0x1F870]  }
0x203: {  	[tilespmem:$0x1F740] =	vst v1;
	v1 =	vld [tilespmem:$0x1F7F0];
	_ =	sdelay $0x4  }
0x204: {  	v2 =	vmul.f32 v2, v1  }
0x205: {  	v3 =	vld [tilespmem:$0x1F8B0]  }
0x206: {  	[tilespmem:$0x1F790] =	vst v2;
	v2 =	vld [tilespmem:$0x1F800];
	_ =	sdelay $0x4  }
0x207: {  	v2 =	vmul.f32 v3, v2  }
0x208: {  	v3 =	vld [tilespmem:$0x1F8D0]  }
0x209: {  	[tilespmem:$0x1F750] =	vst v2;
	v2 =	vld [tilespmem:$0x1F810];
	_ =	sdelay $0x3  }
0x20a: {  	v10 =	vmul.f32 v10, v25  }
0x20b: {  	v25 =	vmul.f32 v57, v48;
	v2 =	vmul.f32 v3, v2  }
0x20c: {  	v27 =	vmul.f32 v0, v27;
	v0 =	vld [tilespmem:$0x1FB20]  }
0x20d: {  	v25 =	vadd.f32 $0.0e+00, v25;
	[tilespmem:$0x1F760] =	vst v2;
	v2 =	vld [tilespmem:$0x1F900];
	_ =	sdelay $0x1  }
0x20e: {  	v6 =	vmul.f32 v11, v6;
	v11 =	vmul.f32 v36, v17;
	v10 =	vadd.f32 v10, v25  }
0x20f: {  	v4 =	vmov v37;
	v37 =	vmul.f32 $1.442695020e+00, v39  }
0x210: {  	v10 =	vadd.f32 v11, v10;
	v11 =	vmul.f32 v54, v0;
	v0 =	vld [tilespmem:$0x1FB40]  }
0x211: {  	v61 =	vpop (erf);
	(erf) = vpow2.f32 v37;
	v37 =	vmul.f32 v2, v4;
	v2 =	vld [tilespmem:$0x1F8F0]  }
0x212: {  	v8 =	vmul.f32 v8, v26;
	v27 =	vadd.f32 $0.0e+00, v27  }
0x213: {  	v62 =	vpop (erf)  }
0x214: {  	v17 =	vmul.f32 v40, v42;
	v8 =	vadd.f32 v8, v27;
	v1 =	vmov v38;
	v38 =	vpop (erf)  }
0x215: {  	v13 =	vmul.f32 v29, v13;
	v29 =	vld [tilespmem:$0x1FA80];
	v3 =	vmov v60;
	v60 =	vpop (erf)  }
0x216: {  	v8 =	vadd.f32 v17, v8;
	v17 =	vmul.f32 v28, v0;
	v0 =	vld [tilespmem:$0x1FAE0];
	v4 =	vmul.f32 v2, v56;
	v2 =	vpop (erf)  }
0x217: {  	[tilespmem:$0x1F7C0] =	vst v2;
	v2 =	vld [tilespmem:$0x1F970]  }
0x218: {  	v26 =	vmul.f32 v38, v55;
	v30 =	vmul.f32 v60, v30;
	v60 =	vmov v3;
	v3 =	vld [tilespmem:$0x1FB70];
	_ =	sdelay $0x1  }
0x219: {  	v29 =	vmul.f32 v49, v29;
	v49 =	vmul.f32 v61, v51;
	v26 =	vadd.f32 $0.0e+00, v26  }
0x21a: {  	v15 =	vmul.f32 v34, v15;
	v51 =	vmul.f32 v62, v53  }
0x21b: {  	v62 =	vmul.f32 v44, v43;
	v26 =	vadd.f32 v49, v26;
	v56 =	vmul.f32 v2, v5;
	v2 =	vld [tilespmem:$0x1F910]  }
0x21c: {  	v8 =	vadd.f32 v15, v8;
	v15 =	vmul.f32 v3, v0;
	v0 =	vld [tilespmem:$0x1FB00]  }
0x21d: {  	v7 =	vmul.f32 v35, v7;
	v25 =	vadd.f32 v62, v26  }
0x21e: {  	v3 =	vld [tilespmem:$0x1FB50]  }
0x21f: {  	v7 =	vadd.f32 v7, v25;
	[tilespmem:$0x1F770] =	vst v4;
	v4 =	vld [tilespmem:$0x1F9E0]  }
0x220: {  	v2 =	vmul.f32 v2, v1;
	v1 =	vld [tilespmem:$0x1F880]  }
0x221: {  	v7 =	vadd.f32 v11, v7;
	v11 =	vmul.f32 v21, v0;
	v0 =	vld [tilespmem:$0x1FAA0]  }
0x222: {  	v30 =	vadd.f32 $0.0e+00, v30;
	_ =	sdelay $0x1  }
0x223: {  	v19 =	vmul.f32 v63, v19;
	v30 =	vadd.f32 v51, v30  }
0x224: {  	v9 =	vmul.f32 v59, v9;
	v5 =	vmul.f32 v4, v1;
	v1 =	vld [tilespmem:$0x1F980]  }
0x225: {  	v6 =	vadd.f32 v6, v8;
	v19 =	vadd.f32 v19, v30;
	v8 =	vmul.f32 v3, v0;
	v0 =	vld [tilespmem:$0x1FAC0]  }
0x226: {  	v3 =	vld [tilespmem:$0x1FB60]  }
0x227: {  	v9 =	vadd.f32 v9, v19;
	_ =	sdelay $0x1  }
0x228: {  	v9 =	vadd.f32 v17, v9;
	v31 =	vmul.f32 v1, v58;
	v1 =	vld [tilespmem:$0x1FA50];
	_ =	sdelay $0x1  }
0x229: {  	v9 =	vadd.f32 v11, v9;
	v11 =	vmul.f32 v3, v0;
	v0 =	vld [tilespmem:$0x1FA20]  }
0x22a: {  	v3 =	vld [tilespmem:$0x1FB10]  }
0x22b: {  	v12 =	vmul.f32 $1.442695020e+00, v41;
	v4 =	vld [tilespmem:$0x1F9F0]  }
0x22c: {  	v32 =	vmul.f32 v32, v33;
	v18 =	vmul.f32 v1, v18;
	v1 =	vld [tilespmem:$0x1F8A0];
	_ =	sdelay $0x1  }
0x22d: {  	v10 =	vadd.f32 v32, v10  }
0x22e: {  	(erf) = vpow2.f32 v12;
	v12 =	vpop (erf)  }
0x22f: {  	v10 =	vadd.f32 v13, v10;
	v13 =	vmul.f32 v3, v0;
	v0 =	vld [tilespmem:$0x1FA40];
	v58 =	vpop (erf)  }
0x230: {  	v3 =	vld [tilespmem:$0x1FB30];
	v4 =	vmul.f32 v4, v1;
	v1 =	vpop (erf)  }
0x231: {  	[tilespmem:$0x1F7A0] =	vst v1;
	v1 =	vmul.f32 v16, v20;
	v16 =	vld [tilespmem:$0x1F920]  }
0x232: {  	v20 =	vld [tilespmem:$0x1FA70]  }
0x233: {  	v7 =	vadd.f32 v15, v7;
	_ =	sdelay $0x1  }
0x234: {  	v7 =	vadd.f32 v8, v7;
	v8 =	vadd.f32 v11, v9;
	v9 =	vmul.f32 v3, v0;
	v3 =	vld [tilespmem:$0x1F9B0]  }
0x235: {  	v0 =	vld [tilespmem:$0x1FAD0]  }
0x236: {  	v20 =	vmul.f32 v20, v16;
	v16 =	vpop (erf)  }
0x237: {  	[tilespmem:$0x1F7B0] =	vst v16;
	v16 =	vld [tilespmem:$0x1F990];
	_ =	sdelay $0x2  }
0x238: {  	v11 =	vmul.f32 v0, v3;
	v3 =	vld [tilespmem:$0x1F9D0]  }
0x239: {  	v0 =	vld [tilespmem:$0x1FAF0]  }
0x23a: {  	v24 =	vmul.f32 v24, v45;
	v45 =	vmul.f32 v14, v16;
	v14 =	vld [tilespmem:$0x1FA60];
	_ =	sdelay $0x4  }
0x23b: {  	v8 =	vadd.f32 v9, v8;
	v9 =	vmul.f32 v0, v3;
	v3 =	vld [tilespmem:$0x1F940];
	v47 =	vmul.f32 v47, v14  }
0x23c: {  	v0 =	vld [tilespmem:$0x1FA90]  }
0x23d: {  	v10 =	vadd.f32 v47, v10;
	_ =	sdelay $0x1  }
0x23e: {  	v10 =	vadd.f32 v24, v10;
	_ =	sdelay $0x1  }
0x23f: {  	v1 =	vadd.f32 v1, v10;
	v10 =	vmul.f32 v0, v3;
	v3 =	vld [tilespmem:$0x1F960]  }
0x240: {  	v0 =	vld [tilespmem:$0x1FAB0];
	_ =	sdelay $0x4  }
0x241: {  	v8 =	vadd.f32 v9, v8;
	v9 =	vmul.f32 v0, v3;
	v3 =	vld [tilespmem:$0x1F8C0]  }
0x242: {  	v0 =	vld [tilespmem:$0x1FA10]  }
0x243: {  	v14 =	vld [tilespmem:$0x1FA00];
	_ =	sdelay $0x1  }
0x244: {  	v7 =	vadd.f32 v13, v7;
	_ =	sdelay $0x1  }
0x245: {  	v7 =	vadd.f32 v11, v7;
	v11 =	vmul.f32 v0, v3;
	v3 =	vld [tilespmem:$0x1F8E0]  }
0x246: {  	v6 =	vadd.f32 v29, v6;
	v46 =	vmul.f32 v46, v14;
	v0 =	vld [tilespmem:$0x1FA30];
	_ =	sdelay $0x1  }
0x247: {  	v6 =	vadd.f32 v46, v6;
	v1 =	vadd.f32 v18, v1;
	_ =	sdelay $0x1  }
0x248: {  	v6 =	vadd.f32 v45, v6;
	v1 =	vadd.f32 v5, v1;
	v5 =	vld [tilespmem:$0x1F9A0]  }
0x249: {  	v8 =	vadd.f32 v9, v8;
	v9 =	vmul.f32 v0, v3;
	v3 =	vld [tilespmem:$0x1F840]  }
0x24a: {  	v6 =	vadd.f32 v20, v6  }
0x24b: {  	v7 =	vadd.f32 v10, v7  }
0x24c: {  	v1 =	vadd.f32 v56, v1;
	v4 =	vadd.f32 v4, v6;
	v0 =	vld [tilespmem:$0x1F740]  }
0x24d: {  	v6 =	vadd.f32 v11, v7;
	v7 =	vadd.f32 v9, v8;
	v8 =	vld [tilespmem:$0x1F9C0]  }
0x24e: {  	v5 =	vmul.f32 v5, v3;
	v3 =	vld [tilespmem:$0x1F860]  }
0x24f: {  	v1 =	vadd.f32 v37, v1;
	_ =	sdelay $0x1  }
0x250: {  	v1 =	vadd.f32 v0, v1;
	v0 =	vld [tilespmem:$0x1F750]  }
0x251: {  	v4 =	vadd.f32 v31, v4;
	v9 =	vld [tilespmem:$0x1F930]  }
0x252: {  	v8 =	vmul.f32 v8, v3;
	v3 =	vld [tilespmem:$0x1F820]  }
0x253: {  	v2 =	vadd.f32 v2, v4;
	_ =	sdelay $0x1  }
0x254: {  	v2 =	vadd.f32 v0, v2;
	v0 =	vld [tilespmem:$0x1F760]  }
0x255: {  	v5 =	vadd.f32 v5, v6;
	v6 =	vadd.f32 v8, v7;
	v7 =	vld [tilespmem:$0x1F950]  }
0x256: {  	v9 =	vmul.f32 v9, v3;
	v3 =	vld [tilespmem:$0x1F830];
	_ =	sdelay $0x1  }
0x257: {  	v5 =	vadd.f32 v9, v5;
	_ =	sdelay $0x1  }
0x258: {  	v5 =	vadd.f32 v0, v5;
	v0 =	vld [tilespmem:$0x1F770]  }
0x259: {  	v7 =	vmul.f32 v7, v3;
	_ =	sdelay $0x1  }
0x25a: {  	v6 =	vadd.f32 v7, v6;
	_ =	sdelay $0x1  }
0x25b: {  	v6 =	vadd.f32 v0, v6;
	v0 =	vld [tilespmem:$0x1F780];
	_ =	sdelay $0x4  }
0x25c: {  	v1 =	vadd.f32 v0, v1;
	v0 =	vld [tilespmem:$0x1F790];
	_ =	sdelay $0x3  }
0x25d: {  	s17 =	sadd.s32 $0x80, s17;
	s20 =	sadd.s32 $0x400, s20;
	v3 =	vld [tilespmem:$0x1F7A0]  }
0x25e: {  	s22 =	sand.u32 $0x2000, s20;
	s23 =	sand.u32 $0x380, s17;
	v2 =	vadd.f32 v0, v2;
	v0 =	vld [tilespmem:$0x1FBA0]  }
0x25f: {  	s22 =	sor.u32 s23, s22  }
0x260: {  	v57 =	vld [tilespmem:s22+$0x5420]  }
0x261: {  	v61 =	vld [tilespmem:$0x1FFD0]  }
0x262: {  	v38 =	vld [tilespmem:s22+$0x5470]  }
0x263: {  	v3 =	vmul.f32 v3, v0;
	v0 =	vld [tilespmem:$0x1F7B0]  }
0x264: {  	v62 =	vld [tilespmem:s22+$0x5860];
	v16 =	vpop (erf)  }
0x265: {  	v14 =	vpop (erf);
	v10 =	vld [tilespmem:s22+$0x5870]  }
0x266: {  	v56 =	vld [tilespmem:s22+$0x5850];
	v9 =	vmul.f32 v14, v41  }
0x267: {  	v37 =	vld [tilespmem:s22+$0x5460];
	v7 =	vmul.f32 v58, v23  }
0x268: {  	v4 =	vmul.f32 v12, v22;
	v12 =	vld [tilespmem:s22+$0x5830];
	v6 =	vadd.f32 v9, v6;
	v0 =	vmul.f32 v0, v52  }
0x269: {  	v2 =	vadd.f32 v7, v2;
	v7 =	vld [tilespmem:$0x1F7C0]  }
0x26a: {  	v8 =	vmul.f32 v16, v39;
	v0 =	vadd.f32 v0, v6;
	v6 =	vld [tilespmem:$0x1FB80]  }
0x26b: {  	v31 =	vld [tilespmem:s22+$0x5820]  }
0x26c: {  	v5 =	vadd.f32 v8, v5;
	v9 =	vld [tilespmem:s22+$0x5810];
	v1 =	vadd.f32 v4, v1;
	v4 =	vmul.f32 $1.442695020e+00, v62  }
0x26d: {  	v11 =	vld [tilespmem:s22+$0x5840];
	v8 =	vmul.f32 $1.442695020e+00, v56  }
0x26e: {  	v58 =	vld [tilespmem:s22+$0x5430];
	(erf) = vpow2.f32 v4;
	v3 =	vadd.f32 v3, v5;
	v5 =	vmul.f32 $1.442695020e+00, v10  }
0x26f: {  	[tilespmem:$0x1F7F0] =	vst v10;
	v1 =	vadd.f32 v2, v1;
	v2 =	vmul.f32 $1.442695020e+00, v12;
	v10 =	vld [tilespmem:s22+$0x5800];
	v6 =	vmul.f32 v7, v6  }
0x270: {  	[tilespmem:$0x1F800] =	vst v12;
	v12 =	vld [tilespmem:s22+$0x5070];
	(erf) = vpow2.f32 v5;
	v0 =	vadd.f32 v0, v3;
	v7 =	vmul.f32 $1.442695020e+00, v31  }
0x271: {  	[tilespmem:$0x1F830] =	vst v9;
	v5 =	vmul.f32 $1.442695020e+00, v9;
	v9 =	vld [tilespmem:s22+$0x5410];
	v3 =	vperm.xlane v6, v61  }
0x272: {  	v0 =	vadd.f32 v0, v1;
	v6 =	vmul.f32 $1.442695020e+00, v11;
	(erf) = vpow2.f32 v7;
	v7 =	vld [tilespmem:s22+$0x5450]  }
0x273: {  	[tilespmem:$0x1F810] =	vst v11;
	v1 =	vmul.f32 $1.442695020e+00, v37;
	v11 =	vld [tilespmem:s22+$0x5060];
	(erf) = vpow2.f32 v2;
	v3 =	vsel vm0, $0x0, v3  }
0x274: {  	[tilespmem:$0x1F820] =	vst v10;
	(erf) = vpow2.f32 v6;
	v0 =	vadd.f32 v0, v3;
	v3 =	vmul.f32 $1.442695020e+00, v10;
	v10 =	vld [tilespmem:s22+$0x5440]  }
0x275: {  	v4 =	vmul.f32 $1.442695020e+00, v38;
	[tilespmem:$0x1F8A0] =	vst v12;
	(erf) = vpow2.f32 v8  }
0x276: {  	[tilespmem:$0x1F8E0] =	vst v9;
	v6 =	vmul.f32 $1.442695020e+00, v57;
	v8 =	vld [tilespmem:s22+$0x5400];
	(erf) = vpow2.f32 v1  }
0x277: {  	v53 =	vld [tilespmem:$0x1FFC0];
	v2 =	vperm.xlane v0, v61;
	(erf) = vpow2.f32 v4;
	[tilespmem:$0x1F860] =	vst v7  }
0x278: {  	[tilespmem:$0x1F880] =	vst v11;
	(erf) = vpow2.f32 v3;
	v3 =	vmul.f32 $1.442695020e+00, v7;
	v7 =	vld [tilespmem:s22+$0x5050]  }
0x279: {  	v0 =	vadd.f32 v0, v2;
	v2 =	vmul.f32 $1.442695020e+00, v58;
	(erf) = vpow2.f32 v5;
	v5 =	vpop (erf);
	[tilespmem:$0x1F840] =	vst v10  }
0x27a: {  	v4 =	vmul.f32 $1.442695020e+00, v10;
	[tilespmem:$0x1F850] =	vst v5  }
0x27b: {  	(erf) = vpow2.f32 v6;
	v5 =	vpop (erf);
	v6 =	vld [tilespmem:s22+$0x5040];
	[tilespmem:$0x1F8C0] =	vst v8  }
0x27c: {  	v1 =	vperm.xlane v0, v53;
	[tilespmem:$0x1F870] =	vst v5  }
0x27d: {  	(erf) = vpow2.f32 v2;
	v5 =	vmul.f32 $1.442695020e+00, v12;
	v12 =	vld [tilespmem:s22+$0x4C70];
	v2 =	vpop (erf);
	[tilespmem:$0x1F960] =	vst v7  }
0x27e: {  	v10 =	vld [tilespmem:s22+$0x5020];
	v0 =	vadd.f32 v0, v1;
	v1 =	vmul.f32 $1.442695020e+00, v11;
	(erf) = vpow2.f32 v4;
	[tilespmem:$0x1F890] =	vst v2;
	v4 =	vpop (erf)  }
0x27f: {  	v11 =	vld [tilespmem:s22+$0x5030];
	[tilespmem:$0x1F8B0] =	vst v4  }
0x280: {  	(erf) = vpow2.f32 v3;
	v3 =	vpop (erf);
	[tilespmem:$0x1F940] =	vst v6  }
0x281: {  	v2 =	vperm.xlane v0, v50;
	[tilespmem:$0x1F8D0] =	vst v3  }
0x282: {  	(erf) = vpow2.f32 v1;
	[tilespmem:$0x1F990] =	vst v12;
	v1 =	vpop (erf)  }
0x283: {  	v13 =	vmul.f32 $1.442695020e+00, v9;
	v8 =	vmul.f32 $1.442695020e+00, v8;
	v0 =	vadd.f32 v0, v2;
	[tilespmem:$0x1F8F0] =	vst v1  }
0x284: {  	v3 =	vmul.f32 $1.442695020e+00, v10;
	(erf) = vpow2.f32 v5;
	v5 =	vld [tilespmem:s22+$0x5000];
	v1 =	vpop (erf);
	[tilespmem:$0x1F920] =	vst v11  }
0x285: {  	(erf) = vpow2.f32 v8;
	[tilespmem:$0x1F900] =	vst v1;
	v1 =	vperm.xlane v0, v60;
	v4 =	vpop (erf)  }
0x286: {  	v11 =	vmul.f32 $1.442695020e+00, v11;
	v8 =	vld [tilespmem:s22+$0x5010];
	(erf) = vpow2.f32 v13;
	[tilespmem:$0x1F910] =	vst v4;
	v2 =	vpop (erf)  }
0x287: {  	v9 =	vld [tilespmem:s22+$0x4C60];
	v6 =	vmul.f32 $1.442695020e+00, v6;
	(erf) = vpow2.f32 v3;
	[tilespmem:$0x1F930] =	vst v2;
	v2 =	vpop (erf)  }
0x288: {  	v3 =	vmul.f32 $1.442695020e+00, v7;
	v7 =	vld [tilespmem:s22+$0x4C30];
	(erf) = vpow2.f32 v11;
	[tilespmem:$0x1F950] =	vst v2;
	v2 =	vmov s18;
	v4 =	vpop (erf)  }
0x289: {  	v0 =	vadd.f32 v0, v1;
	(erf) = vpow2.f32 v6;
	v6 =	vld [tilespmem:s22+$0x4C40];
	[tilespmem:$0x1F9B0] =	vst v5;
	v1 =	vpop (erf)  }
0x28a: {  	(erf) = vpow2.f32 v3;
	v3 =	vld [tilespmem:s22+$0x4C50];
	[tilespmem:$0x1F980] =	vst v1;
	v1 =	vlaneseq.u32  }
0x28b: {  	v11 =	vmul.f32 $1.442695020e+00, v12;
	[tilespmem:$0x1F9D0] =	vst v8;
	v12 =	vmul.f32 $1.442695020e+00, v8;
	v8 =	vld [tilespmem:s22+$0x4870];
	vm1 =	veq.s32 v2, v1;
	v2 =	vpop (erf)  }
0x28c: {  	[tilespmem:$0x1F9A0] =	vst v2;
	v2 =	vld [tilespmem:$0x1FB90]  }
0x28d: {  	[tilespmem:$0x1F970] =	vst v4  }
0x28e: {  	[tilespmem:$0x1FA00] =	vst v7  }
0x28f: {  	v0 =	vsub.f32 $0.0e+00, v0;
	[tilespmem:$0x1FA20] =	vst v6  }
0x290: {  	v18 =	vmov v10;
	v10 =	vld [tilespmem:s22+$0x4C20];
	[tilespmem:$0x1FA40] =	vst v3  }
0x291: {  	v20 =	vmov v9;
	v4 =	vmul.f32 $1.442695020e+00, v9;
	[tilespmem:$0x1FA80] =	vst v8;
	v9 =	vsel vm1, v0, v2  }
0x292: {  	v2 =	vpop (erf);
	[tilespmem:$0x1FB90] =	vst v9  }
0x293: {  	v5 =	vmul.f32 $1.442695020e+00, v5;
	(erf) = vpow2.f32 v4;
	[tilespmem:$0x1F9C0] =	vst v2;
	v1 =	vpop (erf)  }
0x294: {  	(erf) = vpow2.f32 v11;
	v9 =	vld [tilespmem:s22+$0x4860];
	[tilespmem:$0x1F9E0] =	vst v1;
	v0 =	vpop (erf)  }
0x295: {  	v45 =	vmov v10;
	v10 =	vmul.f32 $1.442695020e+00, v10;
	(erf) = vpow2.f32 v5;
	[tilespmem:$0x1F9F0] =	vst v0;
	v2 =	vpop (erf)  }
0x296: {  	v4 =	vld [tilespmem:s22+$0x4C00];
	v7 =	vmul.f32 $1.442695020e+00, v7;
	(erf) = vpow2.f32 v12;
	[tilespmem:$0x1FA10] =	vst v2;
	v1 =	vpop (erf)  }
0x297: {  	v11 =	vmul.f32 $1.442695020e+00, v6;
	v5 =	vld [tilespmem:s22+$0x4C10];
	(erf) = vpow2.f32 v10;
	[tilespmem:$0x1FA30] =	vst v1;
	v0 =	vpop (erf)  }
0x298: {  	v13 =	vld [tilespmem:s22+$0x4820];
	v10 =	vmul.f32 $1.442695020e+00, v3;
	(erf) = vpow2.f32 v7;
	[tilespmem:$0x1FA50] =	vst v0  }
0x299: {  	v6 =	vld [tilespmem:s22+$0x4830];
	(erf) = vpow2.f32 v11;
	[tilespmem:$0x1FA60] =	vst v9;
	v9 =	vmul.f32 $1.442695020e+00, v9;
	v2 =	vpop (erf)  }
0x29a: {  	v3 =	vld [tilespmem:s22+$0x4840];
	(erf) = vpow2.f32 v10;
	[tilespmem:$0x1FA70] =	vst v2;
	v2 =	vmul.f32 $1.442695020e+00, v8;
	v1 =	vpop (erf)  }
0x29b: {  	v7 =	vld [tilespmem:s22+$0x4850];
	[tilespmem:$0x1FA90] =	vst v1;
	v1 =	vmul.f32 $1.442695020e+00, v4;
	(erf) = vpow2.f32 v9;
	v0 =	vpop (erf)  }
0x29c: {  	v33 =	vld [tilespmem:s22+$0x4460];
	[tilespmem:$0x1FAC0] =	vst v5;
	v5 =	vmul.f32 $1.442695020e+00, v5;
	(erf) = vpow2.f32 v2;
	v16 =	vpop (erf)  }
0x29d: {  	v15 =	vld [tilespmem:s22+$0x4470];
	[tilespmem:$0x1FAA0] =	vst v4;
	v8 =	vmul.f32 $1.442695020e+00, v13;
	(erf) = vpow2.f32 v1;
	v14 =	vpop (erf)  }
0x29e: {  	v4 =	vld [tilespmem:s22+$0x4800];
	[tilespmem:$0x1FAB0] =	vst v0;
	v1 =	vmul.f32 $1.442695020e+00, v6;
	(erf) = vpow2.f32 v5;
	v0 =	vpop (erf)  }
0x29f: {  	v5 =	vld [tilespmem:s22+$0x4810];
	[tilespmem:$0x1FAD0] =	vst v0;
	v0 =	vmul.f32 $1.442695020e+00, v3;
	(erf) = vpow2.f32 v8;
	v2 =	vpop (erf)  }
0x2a0: {  	v17 =	vld [tilespmem:s22+$0x4420];
	[tilespmem:$0x1FAE0] =	vst v3;
	v3 =	vmul.f32 $1.442695020e+00, v7;
	(erf) = vpow2.f32 v1;
	v24 =	vpop (erf)  }
0x2a1: {  	v42 =	vld [tilespmem:s22+$0x4430];
	[tilespmem:$0x1FB00] =	vst v7;
	v8 =	vmul.f32 $1.442695020e+00, v33;
	(erf) = vpow2.f32 v0;
	v46 =	vpop (erf)  }
0x2a2: {  	v7 =	vld [tilespmem:s22+$0x4440];
	[tilespmem:$0x1FAF0] =	vst v2;
	v0 =	vmul.f32 $1.442695020e+00, v15;
	(erf) = vpow2.f32 v3;
	v2 =	vpop (erf)  }
0x2a3: {  	v9 =	vld [tilespmem:s22+$0x4450];
	[tilespmem:$0x1FB10] =	vst v2;
	v2 =	vmul.f32 $1.442695020e+00, v4;
	(erf) = vpow2.f32 v8;
	v1 =	vpop (erf)  }
0x2a4: {  	v25 =	vld [tilespmem:s22+$0x4060];
	v3 =	vmul.f32 $1.442695020e+00, v5;
	(erf) = vpow2.f32 v0;
	v47 =	vpop (erf)  }
0x2a5: {  	v26 =	vld [tilespmem:s22+$0x4070];
	[tilespmem:$0x1FB20] =	vst v4;
	v4 =	vmul.f32 $1.442695020e+00, v17;
	(erf) = vpow2.f32 v2;
	v49 =	vpop (erf)  }
0x2a6: {  	v43 =	vld [tilespmem:s22+$0x4400];
	[tilespmem:$0x1FB30] =	vst v1;
	v2 =	vmul.f32 $1.442695020e+00, v42;
	(erf) = vpow2.f32 v3;
	v1 =	vpop (erf)  }
0x2a7: {  	v19 =	vld [tilespmem:s22+$0x4410];
	[tilespmem:$0x1FB50] =	vst v1;
	v1 =	vmul.f32 $1.442695020e+00, v7;
	(erf) = vpow2.f32 v4;
	v0 =	vpop (erf)  }
0x2a8: {  	v48 =	vld [tilespmem:s22+$0x4020];
	v3 =	vmul.f32 $1.442695020e+00, v9;
	(erf) = vpow2.f32 v2;
	v29 =	vpop (erf)  }
0x2a9: {  	s21 =	sadd.s32 $0x1, s21;
	v27 =	vld [tilespmem:s22+$0x4030];
	v2 =	vmul.f32 $1.442695020e+00, v25;
	(erf) = vpow2.f32 v1;
	v11 =	vpop (erf)  }
0x2aa: {  	s24 =	sand.u32 $0x7, s21;
	v51 =	vld [tilespmem:s22+$0x4040];
	[tilespmem:$0x1FB60] =	vst v0;
	v1 =	vmul.f32 $1.442695020e+00, v26;
	(erf) = vpow2.f32 v3;
	v0 =	vpop (erf)  }
0x2ab: {  	s23 =	sshll.u32 s24, $0x7;
	v53 =	vld [tilespmem:s22+$0x4050];
	[tilespmem:$0x1FB70] =	vst v0;
	v0 =	vmul.f32 $1.442695020e+00, v43;
	(erf) = vpow2.f32 v2;
	v21 =	vpop (erf)  }
0x2ac: {  	s23 =	sadd.s32 s23, s20;
	v55 =	vld [tilespmem:s22+$0x4000];
	v2 =	vmul.f32 $1.442695020e+00, v19;
	(erf) = vpow2.f32 v1;
	v32 =	vpop (erf)  }
0x2ad: {  	s25 =	sor.u32 $0x1C60, s23;
	v30 =	vld [tilespmem:s22+$0x4010];
	v1 =	vmul.f32 $1.442695020e+00, v48;
	(erf) = vpow2.f32 v0;
	v34 =	vpop (erf)  }
0x2ae: {  	s24 =	sor.u32 $0x1C20, s23;
	v3 =	vld.msk [tilespmem:s25+$0x4000], $0xff;
	v0 =	vmul.f32 $1.442695020e+00, v27;
	(erf) = vpow2.f32 v2;
	v54 =	vpop (erf)  }
0x2af: {  	s26 =	sor.u32 $0x1C30, s23;
	v22 =	vld [tilespmem:s24+$0x4000];
	v2 =	vmul.f32 $1.442695020e+00, v51;
	(erf) = vpow2.f32 v1;
	v28 =	vpop (erf)  }
0x2b0: {  	s29 =	sor.u32 $0x1C50, s23;
	v23 =	vld [tilespmem:s26+$0x4000];
	v1 =	vmul.f32 $1.442695020e+00, v53;
	(erf) = vpow2.f32 v0;
	v36 =	vpop (erf)  }
0x2b1: {  	s28 =	sor.u32 $0x1C40, s23;
	v52 =	vld [tilespmem:s29+$0x4000];
	v4 =	vmul.f32 $1.442695020e+00, v55;
	(erf) = vpow2.f32 v2;
	v40 =	vpop (erf)  }
0x2b2: {  	p0 =	sne.s32 s19, $0xF;
	v0 =	vld [tilespmem:s28+$0x4000];
	v2 =	vmul.f32 $1.442695020e+00, v30;
	(erf) = vpow2.f32 v1;
	v35 =	vpop (erf)  }
.Ltmp1:
0x2b3: {  	v1 =	vmul.f32 $1.442695020e+00, v3;
	(erf) = vpow2.f32 v4;
	v59 =	vpop (erf);
	(pc) =	sbr.rel @p0 .LBB2_5-.Ltmp1, $4  }
0x2b4: {  	v4 =	vmul.f32 $1.442695020e+00, v22;
	(erf) = vpow2.f32 v2;
	v10 =	vpop (erf)  }
0x2b5: {  	s30 =	sor.u32 $0x1C00, s23;
	[tilespmem:$0x1FB40] =	vst v5;
	v5 =	vmul.f32 $1.442695020e+00, v23;
	v8 =	vpop (erf);
	(erf) = vpow2.f32 v1  }
0x2b6: {  	s31 =	sor.u32 $0x1C10, s23;
	v39 =	vld [tilespmem:s30+$0x4000];
	[tilespmem:$0x1FB80] =	vst v3;
	v2 =	vmul.f32 $1.442695020e+00, v52;
	v44 =	vpop (erf);
	(erf) = vpow2.f32 v4  }
0x2b7: {  	v41 =	vld [tilespmem:s31+$0x4000];
	s18 =	smov.u32 s19;
	s19 =	sadd.s32 $0x1, s19;
	[tilespmem:$0x1FBA0] =	vst v0;
	v12 =	vmul.f32 $1.442695020e+00, v0;
	v63 =	vpop (erf);
	(erf) = vpow2.f32 v5  }
0x2b8: {  	v0 =	vld [tilespmem:$0x1F850]  }
0x2b9: {  	(erf) = vpow2.f32 v12;
	v12 =	vld [tilespmem:$0x1F890];
	_ =	sdelay $0x2  }
0x2ba: {  	v3 =	vld [tilespmem:$0x1F870]  }
0x2bb: {  	v0 =	vmul.f32 v0, v62;
	v62 =	vld [tilespmem:$0x1F7F0]  }
0x2bc: {  	v1 =	vmul.f32 $1.442695020e+00, v39;
	v4 =	vmul.f32 v12, v31;
	v12 =	vld [tilespmem:$0x1F800]  }
0x2bd: {  	v31 =	vld [tilespmem:$0x1F8B0]  }
0x2be: {  	(erf) = vpow2.f32 v2;
	v5 =	vmul.f32 $1.442695020e+00, v41  }
0x2bf: {  	(erf) = vpow2.f32 v1  }
0x2c0: {  	v1 =	vpop (erf);
	(erf) = vpow2.f32 v5;
	v5 =	vld [tilespmem:$0x1F8D0]  }
0x2c1: {  	[tilespmem:$0x1F720] =	vst v0;
	v0 =	vmul.f32 v3, v62;
	v62 =	vld [tilespmem:$0x1F810]  }
0x2c2: {  	v12 =	vmul.f32 v31, v12;
	v31 =	vld [tilespmem:$0x1F900];
	_ =	sdelay $0x4  }
0x2c3: {  	v5 =	vmul.f32 v5, v62;
	v62 =	vmul.f32 v31, v37;
	v37 =	vld [tilespmem:$0x1F8F0];
	_ =	sdelay $0x4  }
0x2c4: {  	v31 =	vmul.f32 v37, v56;
	v56 =	vld [tilespmem:$0x1F970];
	_ =	sdelay $0x4  }
0x2c5: {  	v37 =	vmul.f32 v56, v57;
	v57 =	vld [tilespmem:$0x1F910];
	_ =	sdelay $0x3  }
0x2c6: {  	v56 =	vld [tilespmem:$0x1F880]  }
0x2c7: {  	v38 =	vmul.f32 v57, v38;
	v57 =	vld [tilespmem:$0x1F9E0];
	_ =	sdelay $0x4  }
0x2c8: {  	[tilespmem:$0x1F730] =	vst v0;
	v0 =	vmul.f32 v57, v56;
	v56 =	vld [tilespmem:$0x1F980]  }
0x2c9: {  	v1 =	vmul.f32 v1, v48;
	v57 =	vld [tilespmem:$0x1FA50];
	_ =	sdelay $0x1  }
0x2ca: {  	v16 =	vmul.f32 v16, v20;
	v20 =	vld [tilespmem:$0x1FA60];
	v10 =	vmul.f32 v10, v25;
	v1 =	vadd.f32 $0.0e+00, v1  }
0x2cb: {  	v24 =	vmul.f32 v24, v45;
	v45 =	vld [tilespmem:$0x1FA00]  }
0x2cc: {  	v17 =	vmul.f32 v36, v17;
	v7 =	vmul.f32 v35, v7;
	v35 =	vld [tilespmem:$0x1FB70];
	v1 =	vadd.f32 v10, v1  }
0x2cd: {  	v2 =	vmul.f32 v56, v58;
	v56 =	vmul.f32 v57, v18;
	v18 =	vld [tilespmem:$0x1F990]  }
0x2ce: {  	v32 =	vmul.f32 v32, v33;
	v9 =	vmul.f32 v59, v9;
	v59 =	vld [tilespmem:$0x1FAD0];
	v1 =	vadd.f32 v17, v1  }
0x2cf: {  	v25 =	vld [tilespmem:$0x1F840]  }
0x2d0: {  	v13 =	vmul.f32 v29, v13;
	v3 =	vld [tilespmem:$0x1F920];
	v1 =	vadd.f32 v32, v1  }
0x2d1: {  	v17 =	vld [tilespmem:$0x1F960]  }
0x2d2: {  	v47 =	vmul.f32 v47, v20;
	v1 =	vadd.f32 v13, v1;
	v14 =	vmul.f32 v14, v18;
	v18 =	vld [tilespmem:$0x1FA80]  }
0x2d3: {  	v58 =	vld [tilespmem:$0x1F8A0]  }
0x2d4: {  	v1 =	vadd.f32 v47, v1;
	v57 =	vld [tilespmem:$0x1F9F0]  }
0x2d5: {  	v32 =	vld [tilespmem:$0x1F820]  }
0x2d6: {  	v13 =	vld [tilespmem:$0x1FAF0];
	v1 =	vadd.f32 v24, v1  }
0x2d7: {  	v24 =	vld [tilespmem:$0x1FA30];
	v29 =	vmul.f32 v49, v18;
	v49 =	vpop (erf)  }
0x2d8: {  	v6 =	vmul.f32 v11, v6;
	v1 =	vadd.f32 v16, v1;
	v16 =	vld [tilespmem:$0x1FA90];
	v20 =	vpop (erf)  }
0x2d9: {  	v15 =	vmul.f32 v34, v15;
	v57 =	vmul.f32 v57, v58;
	v58 =	vld [tilespmem:$0x1FA70];
	v36 =	vpop (erf)  }
0x2da: {  	v8 =	vmul.f32 v8, v26;
	v46 =	vmul.f32 v46, v45;
	v18 =	vld [tilespmem:$0x1FAB0];
	v45 =	vpop (erf)  }
0x2db: {  	v27 =	vmul.f32 v49, v27;
	v49 =	vld [tilespmem:$0x1FB10];
	v11 =	vmul.f32 v20, v51;
	v48 =	vpop (erf)  }
0x2dc: {  	v51 =	vmul.f32 v36, v53;
	v36 =	vld [tilespmem:$0x1FB00];
	v26 =	vmul.f32 v48, v30  }
0x2dd: {  	v34 =	vmul.f32 v45, v55;
	v55 =	vmul.f32 v44, v43;
	v43 =	vld [tilespmem:$0x1FB50]  }
0x2de: {  	v44 =	vld [tilespmem:$0x1FAC0];
	v26 =	vadd.f32 $0.0e+00, v26  }
0x2df: {  	v45 =	vld [tilespmem:$0x1FB60]  }
0x2e0: {  	v19 =	vmul.f32 v63, v19;
	v27 =	vadd.f32 $0.0e+00, v27;
	v30 =	vld [tilespmem:$0x1FB40];
	v26 =	vadd.f32 v51, v26  }
0x2e1: {  	v48 =	vld [tilespmem:$0x1FA20];
	v53 =	vadd.f32 $0.0e+00, v34  }
0x2e2: {  	v42 =	vmul.f32 v40, v42;
	v8 =	vadd.f32 v8, v27;
	v20 =	vadd.f32 v19, v26;
	v26 =	vld [tilespmem:$0x1FB20]  }
0x2e3: {  	v34 =	vld [tilespmem:$0x1FAE0];
	v11 =	vadd.f32 v11, v53  }
0x2e4: {  	v8 =	vadd.f32 v42, v8;
	v42 =	vld [tilespmem:$0x1FAA0]  }
0x2e5: {  	v53 =	vld [tilespmem:$0x1FA40];
	v63 =	vadd.f32 v55, v11  }
0x2e6: {  	v40 =	vmul.f32 v21, v36;
	v21 =	vld [tilespmem:$0x1F8E0];
	v33 =	vmul.f32 v28, v30;
	v9 =	vadd.f32 v9, v20  }
0x2e7: {  	v36 =	vld [tilespmem:$0x1F950];
	v7 =	vadd.f32 v7, v63;
	v27 =	vmul.f32 v54, v26  }
0x2e8: {  	v8 =	vadd.f32 v15, v8;
	v9 =	vadd.f32 v33, v9;
	v54 =	vld [tilespmem:$0x1FB30]  }
0x2e9: {  	v55 =	vld [tilespmem:$0x1F9B0];
	v11 =	vmul.f32 v35, v34;
	v7 =	vadd.f32 v27, v7  }
0x2ea: {  	v10 =	vmul.f32 v45, v44;
	v6 =	vadd.f32 v6, v8;
	v63 =	vld [tilespmem:$0x1F9D0];
	v9 =	vadd.f32 v40, v9  }
0x2eb: {  	v1 =	vadd.f32 v56, v1;
	v15 =	vld [tilespmem:$0x1F940];
	v8 =	vmul.f32 v43, v42;
	v7 =	vadd.f32 v11, v7  }
0x2ec: {  	v19 =	vld [tilespmem:$0x1F8C0];
	v6 =	vadd.f32 v29, v6;
	v51 =	vadd.f32 v10, v9  }
0x2ed: {  	v20 =	vld [tilespmem:$0x1FA10];
	v11 =	vmul.f32 v49, v48;
	v9 =	vmul.f32 v54, v53;
	v7 =	vadd.f32 v8, v7  }
0x2ee: {  	v1 =	vadd.f32 v0, v1;
	v28 =	vld [tilespmem:$0x1F860];
	v6 =	vadd.f32 v46, v6;
	v10 =	vmul.f32 v59, v55  }
0x2ef: {  	v26 =	vld [tilespmem:$0x1F9A0];
	v8 =	vadd.f32 v9, v51;
	v9 =	vmul.f32 v13, v63;
	v7 =	vadd.f32 v11, v7  }
0x2f0: {  	v58 =	vmul.f32 v58, v3;
	v29 =	vld [tilespmem:$0x1F9C0];
	v6 =	vadd.f32 v14, v6;
	v11 =	vmul.f32 v16, v15  }
0x2f1: {  	v33 =	vld [tilespmem:$0x1F930];
	v8 =	vadd.f32 v9, v8;
	v9 =	vmul.f32 v18, v17;
	v7 =	vadd.f32 v10, v7  }
0x2f2: {  	v1 =	vadd.f32 v37, v1;
	v35 =	vld [tilespmem:$0x1F830];
	v6 =	vadd.f32 v58, v6;
	v10 =	vmul.f32 v20, v19  }
0x2f3: {  	v47 =	vld [tilespmem:$0x1F720];
	v8 =	vadd.f32 v9, v8;
	v9 =	vmul.f32 v24, v21;
	v7 =	vadd.f32 v11, v7  }
0x2f4: {  	v1 =	vadd.f32 v62, v1;
	v27 =	vpop (erf);
	v6 =	vadd.f32 v57, v6;
	v11 =	vmul.f32 v26, v25  }
0x2f5: {  	v30 =	vpop (erf);
	v8 =	vadd.f32 v9, v8;
	v9 =	vmul.f32 v29, v28;
	v7 =	vadd.f32 v10, v7  }
0x2f6: {  	v1 =	vadd.f32 v4, v1;
	v14 =	vmul.f32 v33, v32;
	v48 =	vld [tilespmem:$0x1F730];
	v34 =	vpop (erf);
	v6 =	vadd.f32 v2, v6  }
0x2f7: {  	v49 =	vld [tilespmem:$0x1FBA0];
	v37 =	vpop (erf);
	v8 =	vadd.f32 v9, v8;
	v9 =	vmul.f32 v36, v35;
	v7 =	vadd.f32 v11, v7  }
0x2f8: {  	v1 =	vadd.f32 v47, v1;
	v40 =	vpop (erf);
	v6 =	vadd.f32 v38, v6  }
0x2f9: {  	v43 =	vpop (erf);
	v8 =	vadd.f32 v9, v8;
	v7 =	vadd.f32 v14, v7  }
0x2fa: {  	v42 =	vmul.f32 v34, v23;
	v45 =	vmul.f32 v43, v39;
	v46 =	vpop (erf);
	v44 =	vadd.f32 v12, v6  }
0x2fb: {  	v56 =	vld [tilespmem:$0x1FB80];
	v12 =	vmul.f32 v46, v41;
	v8 =	vadd.f32 v31, v8;
	v7 =	vadd.f32 v5, v7  }
0x2fc: {  	v51 =	vmul.f32 v37, v49;
	v2 =	vadd.f32 v48, v44;
	v10 =	vmul.f32 v30, v22  }
0x2fd: {  	v55 =	vmul.f32 v40, v52;
	v54 =	vadd.f32 v12, v8;
	v53 =	vadd.f32 v45, v7  }
0x2fe: {  	v2 =	vadd.f32 v42, v2;
	v1 =	vadd.f32 v10, v1  }
0x2ff: {  	v0 =	vadd.f32 v55, v54;
	v3 =	vadd.f32 v51, v53  }
0x300: {  	v4 =	vmul.f32 v27, v56  }
0x301: {  	v1 =	vadd.f32 v2, v1;
	v0 =	vadd.f32 v0, v3  }
0x302: {  	v57 =	vperm.xlane v4, v61  }
0x303: {  	v0 =	vadd.f32 v0, v1  }
0x304: {  	v58 =	vsel vm0, $0x0, v57  }
0x305: {  	v0 =	vadd.f32 v0, v58  }
0x306: {  	v59 =	vld [tilespmem:$0x1FFC0]  }
0x307: {  	v1 =	vperm.xlane v0, v61;
	_ =	sdelay $0x1  }
0x308: {  	v0 =	vadd.f32 v0, v1;
	_ =	sdelay $0x1  }
0x309: {  	v1 =	vperm.xlane v0, v59;
	_ =	sdelay $0x1  }
0x30a: {  	v0 =	vadd.f32 v0, v1;
	_ =	sdelay $0x1  }
0x30b: {  	v1 =	vperm.xlane v0, v50;
	_ =	sdelay $0x1  }
0x30c: {  	v0 =	vadd.f32 v0, v1;
	_ =	sdelay $0x1  }
0x30d: {  	v1 =	vperm.xlane v0, v60  }
0x30e: {  	s15 =	sadd.s32 $0x1, s15;
	v63 =	vld [tilespmem:$0x1FB90]  }
0x30f: {  	p0 =	sne.s32 s15, $0x4;
	v0 =	vadd.f32 v0, v1  }
.Ltmp2:
0x310: {  	_ = 	snop;
	(pc) =	sbr.rel @p0 .LBB2_2-.Ltmp2, $4  }
0x311: {  	v62 =	vlaneseq.u32;
	v61 =	vmov s18;
	v0 =	vsub.f32 $0.0e+00, v0  }
0x312: {  	vm1 =	veq.s32 v61, v62  }
0x313: {  	v0 =	vsel vm1, v0, v63  }
0x314: {  	[tilespmem:s16+$0x8000] =	vst v0  }
0x315: {  	s14 =	sadd.s32 $0x1, s14  }
0x316: {  	p0 =	sne.s32 s14, s8  }
.Ltmp3:
0x317: {  	_ = 	snop;
	(pc) =	sbr.rel @p0 .LBB2_1-.Ltmp3, $4  }
0x318: {  	[hbm4b:s7+s2] =	stream.linear.scatter [tilespmem:s12], [sflag:$0x3], $0x80, $0x38;
	[tilespmem:$0x8080] =	vst v63  }
0x319: {  	_ =	swait.ge [sflag:s13], $0x80  }
0x31a: {  	[sflag:s13] =	ssyncset.done $0x0  }
0x31b: {  	[sflag:s13] =	ssyncadd.s32 $0xFFFFFF80  }
0x31c: {  	_ =	sfence.sel $0x180000  }
0x31d: {  	[bflag:$0x0] =	sbarrier.arrive $0xFFFF  }
0x31e: {  	p0 =	sne.s32 s1, $0x0;
	_ =	strace $0x90000047  }
0x31f: {  	s0 =	sadd.s32 @!p0 $0x100000, s0;
	[bflag:$0x2] =	sbarrier.arrive $0xFFFF  }
0x320: {  	[sflag:s0] =	ssyncadd.tile.s32 @!p0 $0x1;
	_ =	shalt  }
.Lfunc_end2:
_tile_overlayer_lowered:
.L_overlay_start_2:
0x321: {  	(tag) =	ssettag $0x2  }
0x322: {  	s0 =	rddreg [dreg:$0x0];
	s2 =	stileid.u32  }
0x323: {  	s1 =	rddreg [dreg:$0x1];
	p0 =	sne.s32 s2, $0x0  }
0x324: {  	s3 =	rddreg [dreg:$0x2];
	[bflag:$0x3] =	sbarrier.arrive $0xFFFF;
	s2 =	simm.s32 @!p0 $0x1C03  }
0x325: {  	[timem:s3], [sflag:s2] =	dma.local @!p0 [hbm:s0], s1  }
0x326: {  	s0 =	simm.s32 @!p0 $0x3  }
0x327: {  	_ =	swait.ge @!p0 [sflag:s0], s1  }
0x328: {  	s1 =	ssub.s32 @!p0 $0x0, s1;
	[sflag:s0] =	ssyncset.done @!p0 $0x0  }
0x329: {  	[sflag:s0] =	ssyncadd.s32 @!p0 s1  }
0x32a: {  	[bflag:$0x3] =	sbarrier.arrive $0xFFFF  }
0x32b: {  	_ =	shalt  }

</sc_bundles>
